<compile_context>
chip_gen: v7x
topology: tpu7x:2x2x1
jax: 0.10.2.dev20260603
libtpu: 0.0.44.dev20260713+nightly
codegen_flags: <defaults>
</compile_context>

<pallas_src>
import functools

import jax
import jax.numpy as jnp
from jax import lax
from jax.experimental import pallas as pl
from jax.experimental.pallas import tpu as pltpu
from jax.experimental.pallas import tpu_sc as plsc

_NUM_CLASSES = 1024
_FEAT = 256
_BATCH = 16384
_ALPHA = 0.5
_THETA = 10.0

_B_TC = 8192
_B_SC = _BATCH - _B_TC

_L = 16
_NC = 2
_NS = 16
_NW = _NC * _NS
_BPW = _B_SC // _NW
_CK = 64
_NCH = _BPW // _CK
_FV = _FEAT // _L

_TC_BLK = 1024


def _sc_sumsq(x, labels, centers):
    mesh = plsc.VectorSubcoreMesh(core_axis_name="c", subcore_axis_name="s")

    @functools.partial(
        pl.kernel,
        out_type=jax.ShapeDtypeStruct((_NW * _L,), jnp.float32),
        mesh=mesh,
        scratch_types=[
            pltpu.VMEM((_BPW,), jnp.int32),
            pltpu.VMEM((_CK, _FEAT), jnp.float32),
            pltpu.VMEM((_CK, _FEAT), jnp.float32),
            pltpu.VMEM((_CK, _FEAT), jnp.float32),
            pltpu.VMEM((_CK, _FEAT), jnp.float32),
            pltpu.VMEM((_L,), jnp.float32),
            pltpu.SemaphoreType.DMA,
            pltpu.SemaphoreType.DMA,
            pltpu.SemaphoreType.DMA,
            pltpu.SemaphoreType.DMA,
        ],
    )
    def body(x_hbm, lbl_hbm, cen_hbm, out_hbm,
             lbl_v, xb0, xb1, cb0, cb1, ob, sx0, sx1, sc0, sc1):
        wid = lax.axis_index("s") * _NC + lax.axis_index("c")
        base = wid * _BPW
        pltpu.sync_copy(lbl_hbm.at[pl.ds(_B_TC + base, _BPW)], lbl_v)

        xbufs = (xb0, xb1)
        cbufs = (cb0, cb1)
        xsems = (sx0, sx1)
        csems = (sc0, sc1)

        def start(g, slot):
            row0 = _B_TC + base + g * _CK
            pltpu.async_copy(x_hbm.at[pl.ds(row0, _CK)], xbufs[slot], xsems[slot])
            pltpu.async_copy(cen_hbm.at[lbl_v.at[pl.ds(g * _CK, _CK)]],
                             cbufs[slot], csems[slot])

        def wait(g, slot):
            row0 = _B_TC + base + g * _CK
            pltpu.make_async_copy(x_hbm.at[pl.ds(row0, _CK)],
                                  xbufs[slot], xsems[slot]).wait()
            pltpu.make_async_copy(cen_hbm.at[lbl_v.at[pl.ds(g * _CK, _CK)]],
                                  cbufs[slot], csems[slot]).wait()

        lanes = lax.iota(jnp.int32, _L)
        perms = [lanes ^ sh for sh in (8, 4, 2, 1)]
        nacc = 4

        def rsqrt_nr(v):
            yi = jnp.int32(0x5F3759DF) - lax.shift_right_logical(
                lax.bitcast_convert_type(v, jnp.int32), 1)
            y = lax.bitcast_convert_type(yi, jnp.float32)
            for _ in range(3):
                y = y * (1.5 - 0.5 * v * y * y)
            return y

        total = jnp.zeros((_L,), jnp.float32)
        start(0, 0)
        for g in range(_NCH):
            slot = g % 2
            if g + 1 < _NCH:
                start(g + 1, (g + 1) % 2)
            wait(g, slot)
            xb, cb = xbufs[slot], cbufs[slot]

            def grp_body(gi, tot, xb=xb, cb=cb):
                def row_body(k, vec, gi=gi, xb=xb, cb=cb):
                    r = gi * _L + k
                    accs = [jnp.zeros((_L,), jnp.float32)
                            for _ in range(nacc)]
                    for f in range(_FV):
                        xv = xb[r, pl.ds(f * _L, _L)]
                        cv = cb[r, pl.ds(f * _L, _L)]
                        d = xv - cv
                        accs[f % nacc] = accs[f % nacc] + d * d
                    acc = (accs[0] + accs[1]) + (accs[2] + accs[3])
                    for perm in perms:
                        acc = acc + acc.at[perm].get(mode="promise_in_bounds")
                    m = lanes == lax.broadcast_in_dim(k, (_L,), ())
                    return jnp.where(m, acc, vec)

                vec = lax.fori_loop(0, _L, row_body,
                                    jnp.zeros((_L,), jnp.float32))
                v = vec + 1e-30
                return tot + v * rsqrt_nr(v)

            total = lax.fori_loop(0, _CK // _L, grp_body, total)

        ob[...] = total
        pltpu.sync_copy(ob, out_hbm.at[pl.ds(wid * _L, _L)])

    return body(x, labels, centers)


def _rank_loss(cd_ref):
    nc = _NUM_CLASSES
    col1 = cd_ref[:, 1:2]
    col2 = cd_ref[:, 2:3]
    d03 = cd_ref[0:1, 3:4]
    rows = lax.broadcasted_iota(jnp.int32, (nc - 1, 1), 0)
    pad_hi = jnp.full((1, 1), 1e30, jnp.float32)
    a_full = jnp.concatenate(
        [jnp.where(rows < nc - 2, col2, 1e30), pad_hi], axis=0)
    b_col = jnp.concatenate([col1, -pad_hi], axis=0)
    bmat = lax.dot_general(
        jnp.ones((32, 1), jnp.float32), b_col,
        (((1,), (1,)), ((), ())),
        preferred_element_type=jnp.float32)
    acc = jnp.zeros((32, nc), jnp.float32)
    for i in range(nc // 32):
        a = lax.slice(a_full, (i * 32, 0), ((i + 1) * 32, 1))
        acc = acc + jnp.maximum(_THETA - a + bmat, 0.0)
    rk1 = jnp.sum(acc)
    rk2 = jnp.sum(jnp.maximum(2.0 * _THETA - d03 + b_col, 0.0))
    return rk1 + rk2


def _tc_partial(x, labels3d, ctb, cd):
    nblk = _B_TC // _TC_BLK

    def body(x_ref, lbl_ref, ctb_ref, cd_ref, o_ref, rk_ref):
        i = pl.program_id(0)
        lbl = lbl_ref[...].reshape(1, _TC_BLK)
        cls = lax.broadcasted_iota(jnp.int32, (_NUM_CLASSES, _TC_BLK), 0)
        onehot_t = jnp.where(cls == lbl, 1.0, 0.0).astype(jnp.bfloat16)
        c_nat = lax.dot_general(
            onehot_t, ctb_ref[...],
            (((0,), (0,)), ((), ())),
            preferred_element_type=jnp.float32)
        d = x_ref[...] - c_nat
        dist = jnp.sqrt(jnp.sum(d * d, axis=1, keepdims=True))
        part = jnp.sum(dist).reshape(1, 1)

        @pl.when(i == 0)
        def _():
            o_ref[...] = part
            rk_ref[...] = _rank_loss(cd_ref).reshape(1, 1)

        @pl.when(i > 0)
        def _():
            o_ref[...] = o_ref[...] + part

    return pl.pallas_call(
        body,
        grid=(nblk,),
        in_specs=[
            pl.BlockSpec((_TC_BLK, _FEAT), lambda i: (i, 0)),
            pl.BlockSpec((1, 1, _TC_BLK), lambda i: (i, 0, 0)),
            pl.BlockSpec((_NUM_CLASSES, _FEAT), lambda i: (0, 0)),
            pl.BlockSpec((_NUM_CLASSES - 1, 128), lambda i: (0, 0)),
        ],
        out_specs=[
            pl.BlockSpec((1, 1), lambda i: (0, 0)),
            pl.BlockSpec((1, 1), lambda i: (0, 0)),
        ],
        out_shape=[
            jax.ShapeDtypeStruct((1, 1), jnp.float32),
            jax.ShapeDtypeStruct((1, 1), jnp.float32),
        ],
    )(x, labels3d, ctb, cd)


def _tc_finalize(scp, tc_part, rk):

    def body(sc_ref, tp_ref, rk_ref, o_ref):
        dist_sum = jnp.sum(sc_ref[...]) + tp_ref[0, 0]
        loss = 0.5 * dist_sum / _BATCH
        o_ref[...] = (_ALPHA * (loss + rk_ref[0, 0])).reshape(1, 1)

    return pl.pallas_call(
        body,
        out_shape=jax.ShapeDtypeStruct((1, 1), jnp.float32),
    )(scp, tc_part, rk)


def kernel(x, labels, centers, centers_distances):
    sc_partials = _sc_sumsq(x, labels, centers)
    scp = sc_partials.reshape(_NW * _L // 128, 128)
    ctb = centers.astype(jnp.bfloat16)
    labels3d = labels[:_B_TC].reshape(_B_TC // _TC_BLK, 1, _TC_BLK)
    tc_part, rk = _tc_partial(x, labels3d, ctb, centers_distances)
    out = _tc_finalize(scp, tc_part, rk)
    return out[0, 0]

# --- scband reference (transcript-rebuilt; emitter-appended) ---
"""Pipeline reference for scband-rank-loss-773094114135 (READ-ONLY COPY).

The authoritative reference and input builder live on the scoring server;
editing this copy changes nothing except your own understanding.
"""

import jax, jax.numpy as jnp
import numpy as np

NUM_CLASSES = 1024
FEAT_DIM = 256
BATCH = 16384
ALPHA = 0.5
THETA = 10.0


def setup_inputs(seed: int = 0) -> dict:
    key = jax.random.key(seed)
    k1, k2, k3 = jax.random.split(key, 3)
    x = jax.random.normal(k1, (BATCH, FEAT_DIM), dtype=jnp.float32)
    labels = jax.random.randint(k2, (BATCH,), 0, NUM_CLASSES, dtype=jnp.int32)
    # learned/buffer state sized per init_kwargs
    centers = jax.random.normal(k3, (NUM_CLASSES, FEAT_DIM), dtype=jnp.float32)
    centers_distances = jnp.zeros((NUM_CLASSES - 1, NUM_CLASSES), dtype=jnp.float32)
    return {"x": x, "labels": labels, "centers": centers, "centers_distances": centers_distances}


def _distance_loss(centers_distances):
    nc = NUM_CLASSES
    # loss_rk1: i in [0, nc-3], j in [0, nc-2]: max(0, theta - (D[i,2] - D[j,1]))
    d_i2 = centers_distances[: nc - 2, 2]
    d_j1 = centers_distances[: nc - 1, 1]
    loss_rk1 = jnp.sum(jnp.maximum(0.0, THETA - (d_i2[:, None] - d_j1[None, :])))
    # loss_rk2: i == 0 only, j in [0, nc-2]: max(0, 2*theta - (D[0,3] - D[j,1]))
    loss_rk2 = jnp.sum(jnp.maximum(0.0, 2.0 * THETA - (centers_distances[0, 3] - d_j1)))
    return loss_rk1 + loss_rk2


def reference(x, labels, centers, centers_distances):
    # gather per-sample centers (SparseCore gather)
    c = jnp.take(centers, labels, axis=0)
    dist = jnp.linalg.norm(x - c, axis=1)
    loss = jnp.mean(0.5 * dist)
    rk_loss = _distance_loss(centers_distances)
    # Note: the torch module mutates `centers`/`centers_distances` buffers AFTER
    # computing the returned loss, so the returned value depends only on the
    # pre-update buffers, which is what we compute here.
    return ALPHA * (loss + rk_loss)

if __name__ == "__main__":
    import jax
    _d = setup_inputs()
    print(jax.jit(kernel)(*tuple(_d.values())))

</pallas_src>

<mosaic_0001>
#map = affine_map<(d0, d1) -> (0, 0)>
#map1 = affine_map<(d0, d1) -> (0)>
module attributes {stable_mosaic.version = 14 : i64} {
  func.func @body(%arg0: i32, %arg1: i32, %arg2: memref<16384x256xf32, #tpu.memory_space<hbm>>, %arg3: memref<16384xi32, #tpu.memory_space<hbm>>, %arg4: memref<1024x256xf32, #tpu.memory_space<hbm>>, %arg5: memref<512xf32, #tpu.memory_space<hbm>>, %arg6: memref<256xi32, #tpu.memory_space<vmem>>, %arg7: memref<64x256xf32, #tpu.memory_space<vmem>>, %arg8: memref<64x256xf32, #tpu.memory_space<vmem>>, %arg9: memref<64x256xf32, #tpu.memory_space<vmem>>, %arg10: memref<64x256xf32, #tpu.memory_space<vmem>>, %arg11: memref<16xf32, #tpu.memory_space<vmem>>, %arg12: memref<!tpu.dma_semaphore, #tpu.memory_space<semaphore_mem>>, %arg13: memref<!tpu.dma_semaphore, #tpu.memory_space<semaphore_mem>>, %arg14: memref<!tpu.dma_semaphore, #tpu.memory_space<semaphore_mem>>, %arg15: memref<!tpu.dma_semaphore, #tpu.memory_space<semaphore_mem>>) attributes {dimension_semantics = [#tpu.dimension_semantics<core_parallel>, #tpu.dimension_semantics<subcore_parallel>], iteration_bounds = array<i64: 2, 16>, scalar_prefetch = 0 : i64, scratch_operands = 10 : i64, tpu.core_type = #tpu.core_type<sc_vector_subcore>, window_params = [{transform_indices = #map}, {transform_indices = #map1}, {transform_indices = #map}, {transform_indices = #map1}]} {
    %mul3A = arith.constant 2 : i32
    %mul3A_0 = arith.muli %arg1, %mul3A : i32
    %add3A = arith.addi %mul3A_0, %arg0 : i32
    %mul3A_1 = arith.constant 256 : i32
    %mul3A_2 = arith.muli %add3A, %mul3A_1 : i32
    %add3A_3 = arith.constant 8192 : i32
    %add3A_4 = arith.addi %add3A_3, %mul3A_2 : i32
    "tpu.region"() ({
      %run_scoped3A = tpu.sem_alloc : memref<!tpu.dma_semaphore, #tpu.memory_space<semaphore_mem>>
      %dma_start3A_147 = tpu.memref_slice %arg3[%add3A_4] : memref<16384xi32, #tpu.memory_space<hbm>> -> memref<256xi32, #tpu.memory_space<hbm>>
      %dma_start3A_148 = tpu.memref_slice %arg3[%add3A_4] : memref<16384xi32, #tpu.memory_space<hbm>> -> memref<256xi32, #tpu.memory_space<hbm>>
      tpu.enqueue_dma source(%dma_start3A_148 : memref<256xi32, #tpu.memory_space<hbm>>) target(%arg6 : memref<256xi32, #tpu.memory_space<vmem>>) target_semaphore(%run_scoped3A : memref<!tpu.dma_semaphore, #tpu.memory_space<semaphore_mem>>)
      %dma_wait3A_149 = tpu.memref_slice %arg3[%add3A_4] : memref<16384xi32, #tpu.memory_space<hbm>> -> memref<256xi32, #tpu.memory_space<hbm>>
      %dma_wait3A_150 = tpu.memref_slice %arg3[%add3A_4] : memref<16384xi32, #tpu.memory_space<hbm>> -> memref<256xi32, #tpu.memory_space<hbm>>
      tpu.wait_dma2 semaphore(%run_scoped3A : memref<!tpu.dma_semaphore, #tpu.memory_space<semaphore_mem>>) src(%dma_wait3A_150 : memref<256xi32, #tpu.memory_space<hbm>>) dst(%arg6 : memref<256xi32, #tpu.memory_space<vmem>>)
      tpu.yield
    }) : () -> ()
    %iota3A = tpu.iota {dimensions = array<i32: 0>} : vector<16xi32>
    %xor3A = arith.constant 8 : i32
    %xor3A_5 = vector.broadcast %xor3A : i32 to vector<16xi32>
    %xor3A_6 = arith.xori %iota3A, %xor3A_5 : vector<16xi32>
    %xor3A_7 = arith.constant 4 : i32
    %xor3A_8 = vector.broadcast %xor3A_7 : i32 to vector<16xi32>
    %xor3A_9 = arith.xori %iota3A, %xor3A_8 : vector<16xi32>
    %xor3A_10 = arith.constant 2 : i32
    %xor3A_11 = vector.broadcast %xor3A_10 : i32 to vector<16xi32>
    %xor3A_12 = arith.xori %iota3A, %xor3A_11 : vector<16xi32>
    %xor3A_13 = arith.constant 1 : i32
    %xor3A_14 = vector.broadcast %xor3A_13 : i32 to vector<16xi32>
    %xor3A_15 = arith.xori %iota3A, %xor3A_14 : vector<16xi32>
    %broadcast_in_dim3A = arith.constant 0.000000e+00 : f32
    %broadcast_in_dim3A_16 = vector.broadcast %broadcast_in_dim3A : f32 to vector<16xf32>
    %add3A_17 = arith.constant 8192 : i32
    %add3A_18 = arith.addi %add3A_17, %mul3A_2 : i32
    %add3A_19 = arith.constant 0 : i32
    %add3A_20 = arith.addi %add3A_18, %add3A_19 : i32
    %dma_start3A = arith.constant 0 : i32
    %dma_start3A_21 = tpu.memref_slice %arg2[%add3A_20, %dma_start3A] : memref<16384x256xf32, #tpu.memory_space<hbm>> -> memref<64x256xf32, #tpu.memory_space<hbm>>
    %dma_start3A_22 = arith.constant 0 : i32
    %dma_start3A_23 = tpu.memref_slice %arg2[%add3A_20, %dma_start3A_22] : memref<16384x256xf32, #tpu.memory_space<hbm>> -> memref<64x256xf32, #tpu.memory_space<hbm>>
    tpu.enqueue_dma source(%dma_start3A_23 : memref<64x256xf32, #tpu.memory_space<hbm>>) target(%arg7 : memref<64x256xf32, #tpu.memory_space<vmem>>) target_semaphore(%arg12 : memref<!tpu.dma_semaphore, #tpu.memory_space<semaphore_mem>>)
    %dma_start3A_24 = arith.constant 0 : i32
    %dma_start3A_25 = tpu.memref_slice %arg6[%dma_start3A_24] : memref<256xi32, #tpu.memory_space<vmem>> -> memref<64xi32, #tpu.memory_space<vmem>>
    %dma_start3A_26 = arith.constant 0 : i32
    %dma_start3A_27 = arith.constant 0 : i32
    %dma_start3A_28 = tpu.memref_slice %arg4[%dma_start3A_26, %dma_start3A_27] : memref<1024x256xf32, #tpu.memory_space<hbm>> -> memref<1024x256xf32, #tpu.memory_space<hbm>>
    tpu.enqueue_indirect_dma source(%dma_start3A_28 : memref<1024x256xf32, #tpu.memory_space<hbm>>) target(%arg9 : memref<64x256xf32, #tpu.memory_space<vmem>>) offsets(%dma_start3A_25 : memref<64xi32, #tpu.memory_space<vmem>>) semaphore(%arg14 : memref<!tpu.dma_semaphore, #tpu.memory_space<semaphore_mem>>)
    %add3A_29 = arith.constant 8192 : i32
    %add3A_30 = arith.addi %add3A_29, %mul3A_2 : i32
    %add3A_31 = arith.constant 64 : i32
    %add3A_32 = arith.addi %add3A_30, %add3A_31 : i32
    %dma_start3A_33 = arith.constant 0 : i32
    %dma_start3A_34 = tpu.memref_slice %arg2[%add3A_32, %dma_start3A_33] : memref<16384x256xf32, #tpu.memory_space<hbm>> -> memref<64x256xf32, #tpu.memory_space<hbm>>
    %dma_start3A_35 = arith.constant 0 : i32
    %dma_start3A_36 = tpu.memref_slice %arg2[%add3A_32, %dma_start3A_35] : memref<16384x256xf32, #tpu.memory_space<hbm>> -> memref<64x256xf32, #tpu.memory_space<hbm>>
    tpu.enqueue_dma source(%dma_start3A_36 : memref<64x256xf32, #tpu.memory_space<hbm>>) target(%arg8 : memref<64x256xf32, #tpu.memory_space<vmem>>) target_semaphore(%arg13 : memref<!tpu.dma_semaphore, #tpu.memory_space<semaphore_mem>>)
    %dma_start3A_37 = arith.constant 64 : i32
    %dma_start3A_38 = tpu.memref_slice %arg6[%dma_start3A_37] : memref<256xi32, #tpu.memory_space<vmem>> -> memref<64xi32, #tpu.memory_space<vmem>>
    %dma_start3A_39 = arith.constant 0 : i32
    %dma_start3A_40 = arith.constant 0 : i32
    %dma_start3A_41 = tpu.memref_slice %arg4[%dma_start3A_39, %dma_start3A_40] : memref<1024x256xf32, #tpu.memory_space<hbm>> -> memref<1024x256xf32, #tpu.memory_space<hbm>>
    tpu.enqueue_indirect_dma source(%dma_start3A_41 : memref<1024x256xf32, #tpu.memory_space<hbm>>) target(%arg10 : memref<64x256xf32, #tpu.memory_space<vmem>>) offsets(%dma_start3A_38 : memref<64xi32, #tpu.memory_space<vmem>>) semaphore(%arg15 : memref<!tpu.dma_semaphore, #tpu.memory_space<semaphore_mem>>)
    %add3A_42 = arith.constant 8192 : i32
    %add3A_43 = arith.addi %add3A_42, %mul3A_2 : i32
    %add3A_44 = arith.constant 0 : i32
    %add3A_45 = arith.addi %add3A_43, %add3A_44 : i32
    %dma_wait3A = arith.constant 0 : i32
    %dma_wait3A_46 = tpu.memref_slice %arg2[%add3A_45, %dma_wait3A] : memref<16384x256xf32, #tpu.memory_space<hbm>> -> memref<64x256xf32, #tpu.memory_space<hbm>>
    %dma_wait3A_47 = arith.constant 0 : i32
    %dma_wait3A_48 = tpu.memref_slice %arg2[%add3A_45, %dma_wait3A_47] : memref<16384x256xf32, #tpu.memory_space<hbm>> -> memref<64x256xf32, #tpu.memory_space<hbm>>
    tpu.wait_dma2 semaphore(%arg12 : memref<!tpu.dma_semaphore, #tpu.memory_space<semaphore_mem>>) src(%dma_wait3A_48 : memref<64x256xf32, #tpu.memory_space<hbm>>) dst(%arg7 : memref<64x256xf32, #tpu.memory_space<vmem>>)
    %dma_wait3A_49 = arith.constant 0 : i32
    %dma_wait3A_50 = tpu.memref_slice %arg6[%dma_wait3A_49] : memref<256xi32, #tpu.memory_space<vmem>> -> memref<64xi32, #tpu.memory_space<vmem>>
    %dma_wait3A_51 = arith.constant 0 : i32
    %dma_wait3A_52 = arith.constant 0 : i32
    %dma_wait3A_53 = tpu.memref_slice %arg4[%dma_wait3A_51, %dma_wait3A_52] : memref<1024x256xf32, #tpu.memory_space<hbm>> -> memref<1024x256xf32, #tpu.memory_space<hbm>>
    tpu.wait_indirect_dma semaphore(%arg14 : memref<!tpu.dma_semaphore, #tpu.memory_space<semaphore_mem>>) src(%dma_wait3A_53 : memref<1024x256xf32, #tpu.memory_space<hbm>>) dst(%arg9 : memref<64x256xf32, #tpu.memory_space<vmem>>)
    %scan3A = arith.constant 0 : i32
    %scan3A_54 = arith.constant 4 : i32
    %scan3A_55 = arith.addi %scan3A, %scan3A_54 : i32
    %scan3A_56 = arith.constant 1 : i32
    %scan3A_57 = scf.for %scan3A_147 = %scan3A to %scan3A_55 step %scan3A_56 iter_args(%scan3A_148 = %broadcast_in_dim3A_16) -> (vector<16xf32>)  : i32 {
      %broadcast_in_dim3A_149 = arith.constant 0.000000e+00 : f32
      %broadcast_in_dim3A_150 = vector.broadcast %broadcast_in_dim3A_149 : f32 to vector<16xf32>
      %scan3A_151 = arith.constant 0 : i32
      %scan3A_152 = arith.constant 16 : i32
      %scan3A_153 = arith.addi %scan3A_151, %scan3A_152 : i32
      %scan3A_154 = arith.constant 1 : i32
      %scan3A_155 = scf.for %scan3A_194 = %scan3A_151 to %scan3A_153 step %scan3A_154 iter_args(%scan3A_195 = %broadcast_in_dim3A_150) -> (vector<16xf32>)  : i32 {
        %mul3A_196 = arith.constant 16 : i32
        %mul3A_197 = arith.muli %scan3A_147, %mul3A_196 : i32
        %add3A_198 = arith.addi %mul3A_197, %scan3A_194 : i32
        %broadcast_in_dim3A_199 = arith.constant 0.000000e+00 : f32
        %broadcast_in_dim3A_200 = vector.broadcast %broadcast_in_dim3A_199 : f32 to vector<16xf32>
        %broadcast_in_dim3A_201 = arith.constant 0.000000e+00 : f32
        %broadcast_in_dim3A_202 = vector.broadcast %broadcast_in_dim3A_201 : f32 to vector<16xf32>
        %broadcast_in_dim3A_203 = arith.constant 0.000000e+00 : f32
        %broadcast_in_dim3A_204 = vector.broadcast %broadcast_in_dim3A_203 : f32 to vector<16xf32>
        %broadcast_in_dim3A_205 = arith.constant 0.000000e+00 : f32
        %broadcast_in_dim3A_206 = vector.broadcast %broadcast_in_dim3A_205 : f32 to vector<16xf32>
        %get3A = arith.index_cast %add3A_198 : i32 to index
        %get3A_207 = arith.constant 0 : index
        %get3A_208 = tpu.vector_load %arg7[%get3A, %get3A_207] {strides = array<i32>} : memref<64x256xf32, #tpu.memory_space<vmem>>, vector<1x16xf32>,
        %get3A_209 = vector.shape_cast %get3A_208 : vector<1x16xf32> to vector<16xf32>
        %get3A_210 = arith.index_cast %add3A_198 : i32 to index
        %get3A_211 = arith.constant 0 : index
        %get3A_212 = tpu.vector_load %arg9[%get3A_210, %get3A_211] {strides = array<i32>} : memref<64x256xf32, #tpu.memory_space<vmem>>, vector<1x16xf32>,
        %get3A_213 = vector.shape_cast %get3A_212 : vector<1x16xf32> to vector<16xf32>
        %sub3A_214 = arith.subf %get3A_209, %get3A_213 : vector<16xf32>
        %mul3A_215 = arith.mulf %sub3A_214, %sub3A_214 : vector<16xf32>
        %add3A_216 = arith.addf %broadcast_in_dim3A_200, %mul3A_215 : vector<16xf32>
        %get3A_217 = arith.index_cast %add3A_198 : i32 to index
        %get3A_218 = arith.constant 16 : index
        %get3A_219 = tpu.vector_load %arg7[%get3A_217, %get3A_218] {strides = array<i32>} : memref<64x256xf32, #tpu.memory_space<vmem>>, vector<1x16xf32>,
        %get3A_220 = vector.shape_cast %get3A_219 : vector<1x16xf32> to vector<16xf32>
        %get3A_221 = arith.index_cast %add3A_198 : i32 to index
        %get3A_222 = arith.constant 16 : index
        %get3A_223 = tpu.vector_load %arg9[%get3A_221, %get3A_222] {strides = array<i32>} : memref<64x256xf32, #tpu.memory_space<vmem>>, vector<1x16xf32>,
        %get3A_224 = vector.shape_cast %get3A_223 : vector<1x16xf32> to vector<16xf32>
        %sub3A_225 = arith.subf %get3A_220, %get3A_224 : vector<16xf32>
        %mul3A_226 = arith.mulf %sub3A_225, %sub3A_225 : vector<16xf32>
        %add3A_227 = arith.addf %broadcast_in_dim3A_202, %mul3A_226 : vector<16xf32>
        %get3A_228 = arith.index_cast %add3A_198 : i32 to index
        %get3A_229 = arith.constant 32 : index
        %get3A_230 = tpu.vector_load %arg7[%get3A_228, %get3A_229] {strides = array<i32>} : memref<64x256xf32, #tpu.memory_space<vmem>>, vector<1x16xf32>,
        %get3A_231 = vector.shape_cast %get3A_230 : vector<1x16xf32> to vector<16xf32>
        %get3A_232 = arith.index_cast %add3A_198 : i32 to index
        %get3A_233 = arith.constant 32 : index
        %get3A_234 = tpu.vector_load %arg9[%get3A_232, %get3A_233] {strides = array<i32>} : memref<64x256xf32, #tpu.memory_space<vmem>>, vector<1x16xf32>,
        %get3A_235 = vector.shape_cast %get3A_234 : vector<1x16xf32> to vector<16xf32>
        %sub3A_236 = arith.subf %get3A_231, %get3A_235 : vector<16xf32>
        %mul3A_237 = arith.mulf %sub3A_236, %sub3A_236 : vector<16xf32>
        %add3A_238 = arith.addf %broadcast_in_dim3A_204, %mul3A_237 : vector<16xf32>
        %get3A_239 = arith.index_cast %add3A_198 : i32 to index
        %get3A_240 = arith.constant 48 : index
        %get3A_241 = tpu.vector_load %arg7[%get3A_239, %get3A_240] {strides = array<i32>} : memref<64x256xf32, #tpu.memory_space<vmem>>, vector<1x16xf32>,
        %get3A_242 = vector.shape_cast %get3A_241 : vector<1x16xf32> to vector<16xf32>
        %get3A_243 = arith.index_cast %add3A_198 : i32 to index
        %get3A_244 = arith.constant 48 : index
        %get3A_245 = tpu.vector_load %arg9[%get3A_243, %get3A_244] {strides = array<i32>} : memref<64x256xf32, #tpu.memory_space<vmem>>, vector<1x16xf32>,
        %get3A_246 = vector.shape_cast %get3A_245 : vector<1x16xf32> to vector<16xf32>
        %sub3A_247 = arith.subf %get3A_242, %get3A_246 : vector<16xf32>
        %mul3A_248 = arith.mulf %sub3A_247, %sub3A_247 : vector<16xf32>
        %add3A_249 = arith.addf %broadcast_in_dim3A_206, %mul3A_248 : vector<16xf32>
        %get3A_250 = arith.index_cast %add3A_198 : i32 to index
        %get3A_251 = arith.constant 64 : index
        %get3A_252 = tpu.vector_load %arg7[%get3A_250, %get3A_251] {strides = array<i32>} : memref<64x256xf32, #tpu.memory_space<vmem>>, vector<1x16xf32>,
        %get3A_253 = vector.shape_cast %get3A_252 : vector<1x16xf32> to vector<16xf32>
        %get3A_254 = arith.index_cast %add3A_198 : i32 to index
        %get3A_255 = arith.constant 64 : index
        %get3A_256 = tpu.vector_load %arg9[%get3A_254, %get3A_255] {strides = array<i32>} : memref<64x256xf32, #tpu.memory_space<vmem>>, vector<1x16xf32>,
        %get3A_257 = vector.shape_cast %get3A_256 : vector<1x16xf32> to vector<16xf32>
        %sub3A_258 = arith.subf %get3A_253, %get3A_257 : vector<16xf32>
        %mul3A_259 = arith.mulf %sub3A_258, %sub3A_258 : vector<16xf32>
        %add3A_260 = arith.addf %add3A_216, %mul3A_259 : vector<16xf32>
        %get3A_261 = arith.index_cast %add3A_198 : i32 to index
        %get3A_262 = arith.constant 80 : index
        %get3A_263 = tpu.vector_load %arg7[%get3A_261, %get3A_262] {strides = array<i32>} : memref<64x256xf32, #tpu.memory_space<vmem>>, vector<1x16xf32>,
        %get3A_264 = vector.shape_cast %get3A_263 : vector<1x16xf32> to vector<16xf32>
        %get3A_265 = arith.index_cast %add3A_198 : i32 to index
        %get3A_266 = arith.constant 80 : index
        %get3A_267 = tpu.vector_load %arg9[%get3A_265, %get3A_266] {strides = array<i32>} : memref<64x256xf32, #tpu.memory_space<vmem>>, vector<1x16xf32>,
        %get3A_268 = vector.shape_cast %get3A_267 : vector<1x16xf32> to vector<16xf32>
        %sub3A_269 = arith.subf %get3A_264, %get3A_268 : vector<16xf32>
        %mul3A_270 = arith.mulf %sub3A_269, %sub3A_269 : vector<16xf32>
        %add3A_271 = arith.addf %add3A_227, %mul3A_270 : vector<16xf32>
        %get3A_272 = arith.index_cast %add3A_198 : i32 to index
        %get3A_273 = arith.constant 96 : index
        %get3A_274 = tpu.vector_load %arg7[%get3A_272, %get3A_273] {strides = array<i32>} : memref<64x256xf32, #tpu.memory_space<vmem>>, vector<1x16xf32>,
        %get3A_275 = vector.shape_cast %get3A_274 : vector<1x16xf32> to vector<16xf32>
        %get3A_276 = arith.index_cast %add3A_198 : i32 to index
        %get3A_277 = arith.constant 96 : index
        %get3A_278 = tpu.vector_load %arg9[%get3A_276, %get3A_277] {strides = array<i32>} : memref<64x256xf32, #tpu.memory_space<vmem>>, vector<1x16xf32>,
        %get3A_279 = vector.shape_cast %get3A_278 : vector<1x16xf32> to vector<16xf32>
        %sub3A_280 = arith.subf %get3A_275, %get3A_279 : vector<16xf32>
        %mul3A_281 = arith.mulf %sub3A_280, %sub3A_280 : vector<16xf32>
        %add3A_282 = arith.addf %add3A_238, %mul3A_281 : vector<16xf32>
        %get3A_283 = arith.index_cast %add3A_198 : i32 to index
        %get3A_284 = arith.constant 112 : index
        %get3A_285 = tpu.vector_load %arg7[%get3A_283, %get3A_284] {strides = array<i32>} : memref<64x256xf32, #tpu.memory_space<vmem>>, vector<1x16xf32>,
        %get3A_286 = vector.shape_cast %get3A_285 : vector<1x16xf32> to vector<16xf32>
        %get3A_287 = arith.index_cast %add3A_198 : i32 to index
        %get3A_288 = arith.constant 112 : index
        %get3A_289 = tpu.vector_load %arg9[%get3A_287, %get3A_288] {strides = array<i32>} : memref<64x256xf32, #tpu.memory_space<vmem>>, vector<1x16xf32>,
        %get3A_290 = vector.shape_cast %get3A_289 : vector<1x16xf32> to vector<16xf32>
        %sub3A_291 = arith.subf %get3A_286, %get3A_290 : vector<16xf32>
        %mul3A_292 = arith.mulf %sub3A_291, %sub3A_291 : vector<16xf32>
        %add3A_293 = arith.addf %add3A_249, %mul3A_292 : vector<16xf32>
        %get3A_294 = arith.index_cast %add3A_198 : i32 to index
        %get3A_295 = arith.constant 128 : index
        %get3A_296 = tpu.vector_load %arg7[%get3A_294, %get3A_295] {strides = array<i32>} : memref<64x256xf32, #tpu.memory_space<vmem>>, vector<1x16xf32>,
        %get3A_297 = vector.shape_cast %get3A_296 : vector<1x16xf32> to vector<16xf32>
        %get3A_298 = arith.index_cast %add3A_198 : i32 to index
        %get3A_299 = arith.constant 128 : index
        %get3A_300 = tpu.vector_load %arg9[%get3A_298, %get3A_299] {strides = array<i32>} : memref<64x256xf32, #tpu.memory_space<vmem>>, vector<1x16xf32>,
        %get3A_301 = vector.shape_cast %get3A_300 : vector<1x16xf32> to vector<16xf32>
        %sub3A_302 = arith.subf %get3A_297, %get3A_301 : vector<16xf32>
        %mul3A_303 = arith.mulf %sub3A_302, %sub3A_302 : vector<16xf32>
        %add3A_304 = arith.addf %add3A_260, %mul3A_303 : vector<16xf32>
        %get3A_305 = arith.index_cast %add3A_198 : i32 to index
        %get3A_306 = arith.constant 144 : index
        %get3A_307 = tpu.vector_load %arg7[%get3A_305, %get3A_306] {strides = array<i32>} : memref<64x256xf32, #tpu.memory_space<vmem>>, vector<1x16xf32>,
        %get3A_308 = vector.shape_cast %get3A_307 : vector<1x16xf32> to vector<16xf32>
        %get3A_309 = arith.index_cast %add3A_198 : i32 to index
        %get3A_310 = arith.constant 144 : index
        %get3A_311 = tpu.vector_load %arg9[%get3A_309, %get3A_310] {strides = array<i32>} : memref<64x256xf32, #tpu.memory_space<vmem>>, vector<1x16xf32>,
        %get3A_312 = vector.shape_cast %get3A_311 : vector<1x16xf32> to vector<16xf32>
        %sub3A_313 = arith.subf %get3A_308, %get3A_312 : vector<16xf32>
        %mul3A_314 = arith.mulf %sub3A_313, %sub3A_313 : vector<16xf32>
        %add3A_315 = arith.addf %add3A_271, %mul3A_314 : vector<16xf32>
        %get3A_316 = arith.index_cast %add3A_198 : i32 to index
        %get3A_317 = arith.constant 160 : index
        %get3A_318 = tpu.vector_load %arg7[%get3A_316, %get3A_317] {strides = array<i32>} : memref<64x256xf32, #tpu.memory_space<vmem>>, vector<1x16xf32>,
        %get3A_319 = vector.shape_cast %get3A_318 : vector<1x16xf32> to vector<16xf32>
        %get3A_320 = arith.index_cast %add3A_198 : i32 to index
        %get3A_321 = arith.constant 160 : index
        %get3A_322 = tpu.vector_load %arg9[%get3A_320, %get3A_321] {strides = array<i32>} : memref<64x256xf32, #tpu.memory_space<vmem>>, vector<1x16xf32>,
        %get3A_323 = vector.shape_cast %get3A_322 : vector<1x16xf32> to vector<16xf32>
        %sub3A_324 = arith.subf %get3A_319, %get3A_323 : vector<16xf32>
        %mul3A_325 = arith.mulf %sub3A_324, %sub3A_324 : vector<16xf32>
        %add3A_326 = arith.addf %add3A_282, %mul3A_325 : vector<16xf32>
        %get3A_327 = arith.index_cast %add3A_198 : i32 to index
        %get3A_328 = arith.constant 176 : index
        %get3A_329 = tpu.vector_load %arg7[%get3A_327, %get3A_328] {strides = array<i32>} : memref<64x256xf32, #tpu.memory_space<vmem>>, vector<1x16xf32>,
        %get3A_330 = vector.shape_cast %get3A_329 : vector<1x16xf32> to vector<16xf32>
        %get3A_331 = arith.index_cast %add3A_198 : i32 to index
        %get3A_332 = arith.constant 176 : index
        %get3A_333 = tpu.vector_load %arg9[%get3A_331, %get3A_332] {strides = array<i32>} : memref<64x256xf32, #tpu.memory_space<vmem>>, vector<1x16xf32>,
        %get3A_334 = vector.shape_cast %get3A_333 : vector<1x16xf32> to vector<16xf32>
        %sub3A_335 = arith.subf %get3A_330, %get3A_334 : vector<16xf32>
        %mul3A_336 = arith.mulf %sub3A_335, %sub3A_335 : vector<16xf32>
        %add3A_337 = arith.addf %add3A_293, %mul3A_336 : vector<16xf32>
        %get3A_338 = arith.index_cast %add3A_198 : i32 to index
        %get3A_339 = arith.constant 192 : index
        %get3A_340 = tpu.vector_load %arg7[%get3A_338, %get3A_339] {strides = array<i32>} : memref<64x256xf32, #tpu.memory_space<vmem>>, vector<1x16xf32>,
        %get3A_341 = vector.shape_cast %get3A_340 : vector<1x16xf32> to vector<16xf32>
        %get3A_342 = arith.index_cast %add3A_198 : i32 to index
        %get3A_343 = arith.constant 192 : index
        %get3A_344 = tpu.vector_load %arg9[%get3A_342, %get3A_343] {strides = array<i32>} : memref<64x256xf32, #tpu.memory_space<vmem>>, vector<1x16xf32>,
        %get3A_345 = vector.shape_cast %get3A_344 : vector<1x16xf32> to vector<16xf32>
        %sub3A_346 = arith.subf %get3A_341, %get3A_345 : vector<16xf32>
        %mul3A_347 = arith.mulf %sub3A_346, %sub3A_346 : vector<16xf32>
        %add3A_348 = arith.addf %add3A_304, %mul3A_347 : vector<16xf32>
        %get3A_349 = arith.index_cast %add3A_198 : i32 to index
        %get3A_350 = arith.constant 208 : index
        %get3A_351 = tpu.vector_load %arg7[%get3A_349, %get3A_350] {strides = array<i32>} : memref<64x256xf32, #tpu.memory_space<vmem>>, vector<1x16xf32>,
        %get3A_352 = vector.shape_cast %get3A_351 : vector<1x16xf32> to vector<16xf32>
        %get3A_353 = arith.index_cast %add3A_198 : i32 to index
        %get3A_354 = arith.constant 208 : index
        %get3A_355 = tpu.vector_load %arg9[%get3A_353, %get3A_354] {strides = array<i32>} : memref<64x256xf32, #tpu.memory_space<vmem>>, vector<1x16xf32>,
        %get3A_356 = vector.shape_cast %get3A_355 : vector<1x16xf32> to vector<16xf32>
        %sub3A_357 = arith.subf %get3A_352, %get3A_356 : vector<16xf32>
        %mul3A_358 = arith.mulf %sub3A_357, %sub3A_357 : vector<16xf32>
        %add3A_359 = arith.addf %add3A_315, %mul3A_358 : vector<16xf32>
        %get3A_360 = arith.index_cast %add3A_198 : i32 to index
        %get3A_361 = arith.constant 224 : index
        %get3A_362 = tpu.vector_load %arg7[%get3A_360, %get3A_361] {strides = array<i32>} : memref<64x256xf32, #tpu.memory_space<vmem>>, vector<1x16xf32>,
        %get3A_363 = vector.shape_cast %get3A_362 : vector<1x16xf32> to vector<16xf32>
        %get3A_364 = arith.index_cast %add3A_198 : i32 to index
        %get3A_365 = arith.constant 224 : index
        %get3A_366 = tpu.vector_load %arg9[%get3A_364, %get3A_365] {strides = array<i32>} : memref<64x256xf32, #tpu.memory_space<vmem>>, vector<1x16xf32>,
        %get3A_367 = vector.shape_cast %get3A_366 : vector<1x16xf32> to vector<16xf32>
        %sub3A_368 = arith.subf %get3A_363, %get3A_367 : vector<16xf32>
        %mul3A_369 = arith.mulf %sub3A_368, %sub3A_368 : vector<16xf32>
        %add3A_370 = arith.addf %add3A_326, %mul3A_369 : vector<16xf32>
        %get3A_371 = arith.index_cast %add3A_198 : i32 to index
        %get3A_372 = arith.constant 240 : index
        %get3A_373 = tpu.vector_load %arg7[%get3A_371, %get3A_372] {strides = array<i32>} : memref<64x256xf32, #tpu.memory_space<vmem>>, vector<1x16xf32>,
        %get3A_374 = vector.shape_cast %get3A_373 : vector<1x16xf32> to vector<16xf32>
        %get3A_375 = arith.index_cast %add3A_198 : i32 to index
        %get3A_376 = arith.constant 240 : index
        %get3A_377 = tpu.vector_load %arg9[%get3A_375, %get3A_376] {strides = array<i32>} : memref<64x256xf32, #tpu.memory_space<vmem>>, vector<1x16xf32>,
        %get3A_378 = vector.shape_cast %get3A_377 : vector<1x16xf32> to vector<16xf32>
        %sub3A_379 = arith.subf %get3A_374, %get3A_378 : vector<16xf32>
        %mul3A_380 = arith.mulf %sub3A_379, %sub3A_379 : vector<16xf32>
        %add3A_381 = arith.addf %add3A_337, %mul3A_380 : vector<16xf32>
        %add3A_382 = arith.addf %add3A_348, %add3A_359 : vector<16xf32>
        %add3A_383 = arith.addf %add3A_370, %add3A_381 : vector<16xf32>
        %add3A_384 = arith.addf %add3A_382, %add3A_383 : vector<16xf32>
        %lt3A = arith.constant 0 : i32
        %lt3A_385 = vector.broadcast %lt3A : i32 to vector<16xi32>
        %lt3A_386 = arith.cmpi slt, %xor3A_6, %lt3A_385 : vector<16xi32>
        %add3A_387 = arith.constant 16 : i32
        %add3A_388 = vector.broadcast %add3A_387 : i32 to vector<16xi32>
        %add3A_389 = arith.addi %xor3A_6, %add3A_388 : vector<16xi32>
        %select_n3A = arith.select %lt3A_386, %add3A_389, %xor3A_6 : vector<16xi1>, vector<16xi32>
        %broadcast_in_dim3A_390 = vector.shape_cast %select_n3A : vector<16xi32> to vector<16x1xi32>
        %gather3A = vector.shape_cast %broadcast_in_dim3A_390 : vector<16x1xi32> to vector<16xi32>
        %gather3A_391 = tpu.dynamic_gather %add3A_384[%gather3A] in [0] : vector<16xf32>, vector<16xi32> -> vector<16xf32>
        %add3A_392 = arith.addf %add3A_384, %gather3A_391 : vector<16xf32>
        %lt3A_393 = arith.constant 0 : i32
        %lt3A_394 = vector.broadcast %lt3A_393 : i32 to vector<16xi32>
        %lt3A_395 = arith.cmpi slt, %xor3A_9, %lt3A_394 : vector<16xi32>
        %add3A_396 = arith.constant 16 : i32
        %add3A_397 = vector.broadcast %add3A_396 : i32 to vector<16xi32>
        %add3A_398 = arith.addi %xor3A_9, %add3A_397 : vector<16xi32>
        %select_n3A_399 = arith.select %lt3A_395, %add3A_398, %xor3A_9 : vector<16xi1>, vector<16xi32>
        %broadcast_in_dim3A_400 = vector.shape_cast %select_n3A_399 : vector<16xi32> to vector<16x1xi32>
        %gather3A_401 = vector.shape_cast %broadcast_in_dim3A_400 : vector<16x1xi32> to vector<16xi32>
        %gather3A_402 = tpu.dynamic_gather %add3A_392[%gather3A_401] in [0] : vector<16xf32>, vector<16xi32> -> vector<16xf32>
        %add3A_403 = arith.addf %add3A_392, %gather3A_402 : vector<16xf32>
        %lt3A_404 = arith.constant 0 : i32
        %lt3A_405 = vector.broadcast %lt3A_404 : i32 to vector<16xi32>
        %lt3A_406 = arith.cmpi slt, %xor3A_12, %lt3A_405 : vector<16xi32>
        %add3A_407 = arith.constant 16 : i32
        %add3A_408 = vector.broadcast %add3A_407 : i32 to vector<16xi32>
        %add3A_409 = arith.addi %xor3A_12, %add3A_408 : vector<16xi32>
        %select_n3A_410 = arith.select %lt3A_406, %add3A_409, %xor3A_12 : vector<16xi1>, vector<16xi32>
        %broadcast_in_dim3A_411 = vector.shape_cast %select_n3A_410 : vector<16xi32> to vector<16x1xi32>
        %gather3A_412 = vector.shape_cast %broadcast_in_dim3A_411 : vector<16x1xi32> to vector<16xi32>
        %gather3A_413 = tpu.dynamic_gather %add3A_403[%gather3A_412] in [0] : vector<16xf32>, vector<16xi32> -> vector<16xf32>
        %add3A_414 = arith.addf %add3A_403, %gather3A_413 : vector<16xf32>
        %lt3A_415 = arith.constant 0 : i32
        %lt3A_416 = vector.broadcast %lt3A_415 : i32 to vector<16xi32>
        %lt3A_417 = arith.cmpi slt, %xor3A_15, %lt3A_416 : vector<16xi32>
        %add3A_418 = arith.constant 16 : i32
        %add3A_419 = vector.broadcast %add3A_418 : i32 to vector<16xi32>
        %add3A_420 = arith.addi %xor3A_15, %add3A_419 : vector<16xi32>
        %select_n3A_421 = arith.select %lt3A_417, %add3A_420, %xor3A_15 : vector<16xi1>, vector<16xi32>
        %broadcast_in_dim3A_422 = vector.shape_cast %select_n3A_421 : vector<16xi32> to vector<16x1xi32>
        %gather3A_423 = vector.shape_cast %broadcast_in_dim3A_422 : vector<16x1xi32> to vector<16xi32>
        %gather3A_424 = tpu.dynamic_gather %add3A_414[%gather3A_423] in [0] : vector<16xf32>, vector<16xi32> -> vector<16xf32>
        %add3A_425 = arith.addf %add3A_414, %gather3A_424 : vector<16xf32>
        %broadcast_in_dim3A_426 = vector.broadcast %scan3A_194 : i32 to vector<16xi32>
        %eq3A = arith.cmpi eq, %iota3A, %broadcast_in_dim3A_426 : vector<16xi32>
        %select_n3A_427 = arith.select %eq3A, %add3A_425, %scan3A_195 : vector<16xi1>, vector<16xf32>
        scf.yield %select_n3A_427 : vector<16xf32>
      }
      %scan3A_156 = arith.constant 16 : i32
      %add3A_157 = arith.constant 1.000000e-30 : f32
      %add3A_158 = vector.broadcast %add3A_157 : f32 to vector<16xf32>
      %add3A_159 = arith.addf %scan3A_155, %add3A_158 : vector<16xf32>
      %bitcast_convert_type3A = tpu.bitcast %add3A_159 : vector<16xf32> -> vector<16xi32>
      %shift_right_logical3A = arith.constant 1 : i32
      %shift_right_logical3A_160 = vector.broadcast %shift_right_logical3A : i32 to vector<16xi32>
      %shift_right_logical3A_161 = arith.shrui %bitcast_convert_type3A, %shift_right_logical3A_160 : vector<16xi32>
      %sub3A = arith.constant 1597463007 : i32
      %sub3A_162 = vector.broadcast %sub3A : i32 to vector<16xi32>
      %sub3A_163 = arith.subi %sub3A_162, %shift_right_logical3A_161 : vector<16xi32>
      %bitcast_convert_type3A_164 = tpu.bitcast %sub3A_163 : vector<16xi32> -> vector<16xf32>
      %mul3A_165 = arith.constant 5.000000e-01 : f32
      %mul3A_166 = vector.broadcast %mul3A_165 : f32 to vector<16xf32>
      %mul3A_167 = arith.mulf %mul3A_166, %add3A_159 : vector<16xf32>
      %mul3A_168 = arith.mulf %mul3A_167, %bitcast_convert_type3A_164 : vector<16xf32>
      %mul3A_169 = arith.mulf %mul3A_168, %bitcast_convert_type3A_164 : vector<16xf32>
      %sub3A_170 = arith.constant 1.500000e+00 : f32
      %sub3A_171 = vector.broadcast %sub3A_170 : f32 to vector<16xf32>
      %sub3A_172 = arith.subf %sub3A_171, %mul3A_169 : vector<16xf32>
      %mul3A_173 = arith.mulf %bitcast_convert_type3A_164, %sub3A_172 : vector<16xf32>
      %mul3A_174 = arith.constant 5.000000e-01 : f32
      %mul3A_175 = vector.broadcast %mul3A_174 : f32 to vector<16xf32>
      %mul3A_176 = arith.mulf %mul3A_175, %add3A_159 : vector<16xf32>
      %mul3A_177 = arith.mulf %mul3A_176, %mul3A_173 : vector<16xf32>
      %mul3A_178 = arith.mulf %mul3A_177, %mul3A_173 : vector<16xf32>
      %sub3A_179 = arith.constant 1.500000e+00 : f32
      %sub3A_180 = vector.broadcast %sub3A_179 : f32 to vector<16xf32>
      %sub3A_181 = arith.subf %sub3A_180, %mul3A_178 : vector<16xf32>
      %mul3A_182 = arith.mulf %mul3A_173, %sub3A_181 : vector<16xf32>
      %mul3A_183 = arith.constant 5.000000e-01 : f32
      %mul3A_184 = vector.broadcast %mul3A_183 : f32 to vector<16xf32>
      %mul3A_185 = arith.mulf %mul3A_184, %add3A_159 : vector<16xf32>
      %mul3A_186 = arith.mulf %mul3A_185, %mul3A_182 : vector<16xf32>
      %mul3A_187 = arith.mulf %mul3A_186, %mul3A_182 : vector<16xf32>
      %sub3A_188 = arith.constant 1.500000e+00 : f32
      %sub3A_189 = vector.broadcast %sub3A_188 : f32 to vector<16xf32>
      %sub3A_190 = arith.subf %sub3A_189, %mul3A_187 : vector<16xf32>
      %mul3A_191 = arith.mulf %mul3A_182, %sub3A_190 : vector<16xf32>
      %mul3A_192 = arith.mulf %add3A_159, %mul3A_191 : vector<16xf32>
      %add3A_193 = arith.addf %scan3A_148, %mul3A_192 : vector<16xf32>
      scf.yield %add3A_193 : vector<16xf32>
    }
    %scan3A_58 = arith.constant 4 : i32
    %add3A_59 = arith.constant 8192 : i32
    %add3A_60 = arith.addi %add3A_59, %mul3A_2 : i32
    %add3A_61 = arith.constant 128 : i32
    %add3A_62 = arith.addi %add3A_60, %add3A_61 : i32
    %dma_start3A_63 = arith.constant 0 : i32
    %dma_start3A_64 = tpu.memref_slice %arg2[%add3A_62, %dma_start3A_63] : memref<16384x256xf32, #tpu.memory_space<hbm>> -> memref<64x256xf32, #tpu.memory_space<hbm>>
    %dma_start3A_65 = arith.constant 0 : i32
    %dma_start3A_66 = tpu.memref_slice %arg2[%add3A_62, %dma_start3A_65] : memref<16384x256xf32, #tpu.memory_space<hbm>> -> memref<64x256xf32, #tpu.memory_space<hbm>>
    tpu.enqueue_dma source(%dma_start3A_66 : memref<64x256xf32, #tpu.memory_space<hbm>>) target(%arg7 : memref<64x256xf32, #tpu.memory_space<vmem>>) target_semaphore(%arg12 : memref<!tpu.dma_semaphore, #tpu.memory_space<semaphore_mem>>)
    %dma_start3A_67 = arith.constant 128 : i32
    %dma_start3A_68 = tpu.memref_slice %arg6[%dma_start3A_67] : memref<256xi32, #tpu.memory_space<vmem>> -> memref<64xi32, #tpu.memory_space<vmem>>
    %dma_start3A_69 = arith.constant 0 : i32
    %dma_start3A_70 = arith.constant 0 : i32
    %dma_start3A_71 = tpu.memref_slice %arg4[%dma_start3A_69, %dma_start3A_70] : memref<1024x256xf32, #tpu.memory_space<hbm>> -> memref<1024x256xf32, #tpu.memory_space<hbm>>
    tpu.enqueue_indirect_dma source(%dma_start3A_71 : memref<1024x256xf32, #tpu.memory_space<hbm>>) target(%arg9 : memref<64x256xf32, #tpu.memory_space<vmem>>) offsets(%dma_start3A_68 : memref<64xi32, #tpu.memory_space<vmem>>) semaphore(%arg14 : memref<!tpu.dma_semaphore, #tpu.memory_space<semaphore_mem>>)
    %add3A_72 = arith.constant 8192 : i32
    %add3A_73 = arith.addi %add3A_72, %mul3A_2 : i32
    %add3A_74 = arith.constant 64 : i32
    %add3A_75 = arith.addi %add3A_73, %add3A_74 : i32
    %dma_wait3A_76 = arith.constant 0 : i32
    %dma_wait3A_77 = tpu.memref_slice %arg2[%add3A_75, %dma_wait3A_76] : memref<16384x256xf32, #tpu.memory_space<hbm>> -> memref<64x256xf32, #tpu.memory_space<hbm>>
    %dma_wait3A_78 = arith.constant 0 : i32
    %dma_wait3A_79 = tpu.memref_slice %arg2[%add3A_75, %dma_wait3A_78] : memref<16384x256xf32, #tpu.memory_space<hbm>> -> memref<64x256xf32, #tpu.memory_space<hbm>>
    tpu.wait_dma2 semaphore(%arg13 : memref<!tpu.dma_semaphore, #tpu.memory_space<semaphore_mem>>) src(%dma_wait3A_79 : memref<64x256xf32, #tpu.memory_space<hbm>>) dst(%arg8 : memref<64x256xf32, #tpu.memory_space<vmem>>)
    %dma_wait3A_80 = arith.constant 64 : i32
    %dma_wait3A_81 = tpu.memref_slice %arg6[%dma_wait3A_80] : memref<256xi32, #tpu.memory_space<vmem>> -> memref<64xi32, #tpu.memory_space<vmem>>
    %dma_wait3A_82 = arith.constant 0 : i32
    %dma_wait3A_83 = arith.constant 0 : i32
    %dma_wait3A_84 = tpu.memref_slice %arg4[%dma_wait3A_82, %dma_wait3A_83] : memref<1024x256xf32, #tpu.memory_space<hbm>> -> memref<1024x256xf32, #tpu.memory_space<hbm>>
    tpu.wait_indirect_dma semaphore(%arg15 : memref<!tpu.dma_semaphore, #tpu.memory_space<semaphore_mem>>) src(%dma_wait3A_84 : memref<1024x256xf32, #tpu.memory_space<hbm>>) dst(%arg10 : memref<64x256xf32, #tpu.memory_space<vmem>>)
    %scan3A_85 = arith.constant 0 : i32
    %scan3A_86 = arith.constant 4 : i32
    %scan3A_87 = arith.addi %scan3A_85, %scan3A_86 : i32
    %scan3A_88 = arith.constant 1 : i32
    %scan3A_89 = scf.for %scan3A_147 = %scan3A_85 to %scan3A_87 step %scan3A_88 iter_args(%scan3A_148 = %scan3A_57) -> (vector<16xf32>)  : i32 {
      %broadcast_in_dim3A_149 = arith.constant 0.000000e+00 : f32
      %broadcast_in_dim3A_150 = vector.broadcast %broadcast_in_dim3A_149 : f32 to vector<16xf32>
      %scan3A_151 = arith.constant 0 : i32
      %scan3A_152 = arith.constant 16 : i32
      %scan3A_153 = arith.addi %scan3A_151, %scan3A_152 : i32
      %scan3A_154 = arith.constant 1 : i32
      %scan3A_155 = scf.for %scan3A_194 = %scan3A_151 to %scan3A_153 step %scan3A_154 iter_args(%scan3A_195 = %broadcast_in_dim3A_150) -> (vector<16xf32>)  : i32 {
        %mul3A_196 = arith.constant 16 : i32
        %mul3A_197 = arith.muli %scan3A_147, %mul3A_196 : i32
        %add3A_198 = arith.addi %mul3A_197, %scan3A_194 : i32
        %broadcast_in_dim3A_199 = arith.constant 0.000000e+00 : f32
        %broadcast_in_dim3A_200 = vector.broadcast %broadcast_in_dim3A_199 : f32 to vector<16xf32>
        %broadcast_in_dim3A_201 = arith.constant 0.000000e+00 : f32
        %broadcast_in_dim3A_202 = vector.broadcast %broadcast_in_dim3A_201 : f32 to vector<16xf32>
        %broadcast_in_dim3A_203 = arith.constant 0.000000e+00 : f32
        %broadcast_in_dim3A_204 = vector.broadcast %broadcast_in_dim3A_203 : f32 to vector<16xf32>
        %broadcast_in_dim3A_205 = arith.constant 0.000000e+00 : f32
        %broadcast_in_dim3A_206 = vector.broadcast %broadcast_in_dim3A_205 : f32 to vector<16xf32>
        %get3A = arith.index_cast %add3A_198 : i32 to index
        %get3A_207 = arith.constant 0 : index
        %get3A_208 = tpu.vector_load %arg8[%get3A, %get3A_207] {strides = array<i32>} : memref<64x256xf32, #tpu.memory_space<vmem>>, vector<1x16xf32>,
        %get3A_209 = vector.shape_cast %get3A_208 : vector<1x16xf32> to vector<16xf32>
        %get3A_210 = arith.index_cast %add3A_198 : i32 to index
        %get3A_211 = arith.constant 0 : index
        %get3A_212 = tpu.vector_load %arg10[%get3A_210, %get3A_211] {strides = array<i32>} : memref<64x256xf32, #tpu.memory_space<vmem>>, vector<1x16xf32>,
        %get3A_213 = vector.shape_cast %get3A_212 : vector<1x16xf32> to vector<16xf32>
        %sub3A_214 = arith.subf %get3A_209, %get3A_213 : vector<16xf32>
        %mul3A_215 = arith.mulf %sub3A_214, %sub3A_214 : vector<16xf32>
        %add3A_216 = arith.addf %broadcast_in_dim3A_200, %mul3A_215 : vector<16xf32>
        %get3A_217 = arith.index_cast %add3A_198 : i32 to index
        %get3A_218 = arith.constant 16 : index
        %get3A_219 = tpu.vector_load %arg8[%get3A_217, %get3A_218] {strides = array<i32>} : memref<64x256xf32, #tpu.memory_space<vmem>>, vector<1x16xf32>,
        %get3A_220 = vector.shape_cast %get3A_219 : vector<1x16xf32> to vector<16xf32>
        %get3A_221 = arith.index_cast %add3A_198 : i32 to index
        %get3A_222 = arith.constant 16 : index
        %get3A_223 = tpu.vector_load %arg10[%get3A_221, %get3A_222] {strides = array<i32>} : memref<64x256xf32, #tpu.memory_space<vmem>>, vector<1x16xf32>,
        %get3A_224 = vector.shape_cast %get3A_223 : vector<1x16xf32> to vector<16xf32>
        %sub3A_225 = arith.subf %get3A_220, %get3A_224 : vector<16xf32>
        %mul3A_226 = arith.mulf %sub3A_225, %sub3A_225 : vector<16xf32>
        %add3A_227 = arith.addf %broadcast_in_dim3A_202, %mul3A_226 : vector<16xf32>
        %get3A_228 = arith.index_cast %add3A_198 : i32 to index
        %get3A_229 = arith.constant 32 : index
        %get3A_230 = tpu.vector_load %arg8[%get3A_228, %get3A_229] {strides = array<i32>} : memref<64x256xf32, #tpu.memory_space<vmem>>, vector<1x16xf32>,
        %get3A_231 = vector.shape_cast %get3A_230 : vector<1x16xf32> to vector<16xf32>
        %get3A_232 = arith.index_cast %add3A_198 : i32 to index
        %get3A_233 = arith.constant 32 : index
        %get3A_234 = tpu.vector_load %arg10[%get3A_232, %get3A_233] {strides = array<i32>} : memref<64x256xf32, #tpu.memory_space<vmem>>, vector<1x16xf32>,
        %get3A_235 = vector.shape_cast %get3A_234 : vector<1x16xf32> to vector<16xf32>
        %sub3A_236 = arith.subf %get3A_231, %get3A_235 : vector<16xf32>
        %mul3A_237 = arith.mulf %sub3A_236, %sub3A_236 : vector<16xf32>
        %add3A_238 = arith.addf %broadcast_in_dim3A_204, %mul3A_237 : vector<16xf32>
        %get3A_239 = arith.index_cast %add3A_198 : i32 to index
        %get3A_240 = arith.constant 48 : index
        %get3A_241 = tpu.vector_load %arg8[%get3A_239, %get3A_240] {strides = array<i32>} : memref<64x256xf32, #tpu.memory_space<vmem>>, vector<1x16xf32>,
        %get3A_242 = vector.shape_cast %get3A_241 : vector<1x16xf32> to vector<16xf32>
        %get3A_243 = arith.index_cast %add3A_198 : i32 to index
        %get3A_244 = arith.constant 48 : index
        %get3A_245 = tpu.vector_load %arg10[%get3A_243, %get3A_244] {strides = array<i32>} : memref<64x256xf32, #tpu.memory_space<vmem>>, vector<1x16xf32>,
        %get3A_246 = vector.shape_cast %get3A_245 : vector<1x16xf32> to vector<16xf32>
        %sub3A_247 = arith.subf %get3A_242, %get3A_246 : vector<16xf32>
        %mul3A_248 = arith.mulf %sub3A_247, %sub3A_247 : vector<16xf32>
        %add3A_249 = arith.addf %broadcast_in_dim3A_206, %mul3A_248 : vector<16xf32>
        %get3A_250 = arith.index_cast %add3A_198 : i32 to index
        %get3A_251 = arith.constant 64 : index
        %get3A_252 = tpu.vector_load %arg8[%get3A_250, %get3A_251] {strides = array<i32>} : memref<64x256xf32, #tpu.memory_space<vmem>>, vector<1x16xf32>,
        %get3A_253 = vector.shape_cast %get3A_252 : vector<1x16xf32> to vector<16xf32>
        %get3A_254 = arith.index_cast %add3A_198 : i32 to index
        %get3A_255 = arith.constant 64 : index
        %get3A_256 = tpu.vector_load %arg10[%get3A_254, %get3A_255] {strides = array<i32>} : memref<64x256xf32, #tpu.memory_space<vmem>>, vector<1x16xf32>,
        %get3A_257 = vector.shape_cast %get3A_256 : vector<1x16xf32> to vector<16xf32>
        %sub3A_258 = arith.subf %get3A_253, %get3A_257 : vector<16xf32>
        %mul3A_259 = arith.mulf %sub3A_258, %sub3A_258 : vector<16xf32>
        %add3A_260 = arith.addf %add3A_216, %mul3A_259 : vector<16xf32>
        %get3A_261 = arith.index_cast %add3A_198 : i32 to index
        %get3A_262 = arith.constant 80 : index
        %get3A_263 = tpu.vector_load %arg8[%get3A_261, %get3A_262] {strides = array<i32>} : memref<64x256xf32, #tpu.memory_space<vmem>>, vector<1x16xf32>,
        %get3A_264 = vector.shape_cast %get3A_263 : vector<1x16xf32> to vector<16xf32>
        %get3A_265 = arith.index_cast %add3A_198 : i32 to index
        %get3A_266 = arith.constant 80 : index
        %get3A_267 = tpu.vector_load %arg10[%get3A_265, %get3A_266] {strides = array<i32>} : memref<64x256xf32, #tpu.memory_space<vmem>>, vector<1x16xf32>,
        %get3A_268 = vector.shape_cast %get3A_267 : vector<1x16xf32> to vector<16xf32>
        %sub3A_269 = arith.subf %get3A_264, %get3A_268 : vector<16xf32>
        %mul3A_270 = arith.mulf %sub3A_269, %sub3A_269 : vector<16xf32>
        %add3A_271 = arith.addf %add3A_227, %mul3A_270 : vector<16xf32>
        %get3A_272 = arith.index_cast %add3A_198 : i32 to index
        %get3A_273 = arith.constant 96 : index
        %get3A_274 = tpu.vector_load %arg8[%get3A_272, %get3A_273] {strides = array<i32>} : memref<64x256xf32, #tpu.memory_space<vmem>>, vector<1x16xf32>,
        %get3A_275 = vector.shape_cast %get3A_274 : vector<1x16xf32> to vector<16xf32>
        %get3A_276 = arith.index_cast %add3A_198 : i32 to index
        %get3A_277 = arith.constant 96 : index
        %get3A_278 = tpu.vector_load %arg10[%get3A_276, %get3A_277] {strides = array<i32>} : memref<64x256xf32, #tpu.memory_space<vmem>>, vector<1x16xf32>,
        %get3A_279 = vector.shape_cast %get3A_278 : vector<1x16xf32> to vector<16xf32>
        %sub3A_280 = arith.subf %get3A_275, %get3A_279 : vector<16xf32>
        %mul3A_281 = arith.mulf %sub3A_280, %sub3A_280 : vector<16xf32>
        %add3A_282 = arith.addf %add3A_238, %mul3A_281 : vector<16xf32>
        %get3A_283 = arith.index_cast %add3A_198 : i32 to index
        %get3A_284 = arith.constant 112 : index
        %get3A_285 = tpu.vector_load %arg8[%get3A_283, %get3A_284] {strides = array<i32>} : memref<64x256xf32, #tpu.memory_space<vmem>>, vector<1x16xf32>,
        %get3A_286 = vector.shape_cast %get3A_285 : vector<1x16xf32> to vector<16xf32>
        %get3A_287 = arith.index_cast %add3A_198 : i32 to index
        %get3A_288 = arith.constant 112 : index
        %get3A_289 = tpu.vector_load %arg10[%get3A_287, %get3A_288] {strides = array<i32>} : memref<64x256xf32, #tpu.memory_space<vmem>>, vector<1x16xf32>,
        %get3A_290 = vector.shape_cast %get3A_289 : vector<1x16xf32> to vector<16xf32>
        %sub3A_291 = arith.subf %get3A_286, %get3A_290 : vector<16xf32>
        %mul3A_292 = arith.mulf %sub3A_291, %sub3A_291 : vector<16xf32>
        %add3A_293 = arith.addf %add3A_249, %mul3A_292 : vector<16xf32>
        %get3A_294 = arith.index_cast %add3A_198 : i32 to index
        %get3A_295 = arith.constant 128 : index
        %get3A_296 = tpu.vector_load %arg8[%get3A_294, %get3A_295] {strides = array<i32>} : memref<64x256xf32, #tpu.memory_space<vmem>>, vector<1x16xf32>,
        %get3A_297 = vector.shape_cast %get3A_296 : vector<1x16xf32> to vector<16xf32>
        %get3A_298 = arith.index_cast %add3A_198 : i32 to index
        %get3A_299 = arith.constant 128 : index
        %get3A_300 = tpu.vector_load %arg10[%get3A_298, %get3A_299] {strides = array<i32>} : memref<64x256xf32, #tpu.memory_space<vmem>>, vector<1x16xf32>,
        %get3A_301 = vector.shape_cast %get3A_300 : vector<1x16xf32> to vector<16xf32>
        %sub3A_302 = arith.subf %get3A_297, %get3A_301 : vector<16xf32>
        %mul3A_303 = arith.mulf %sub3A_302, %sub3A_302 : vector<16xf32>
        %add3A_304 = arith.addf %add3A_260, %mul3A_303 : vector<16xf32>
        %get3A_305 = arith.index_cast %add3A_198 : i32 to index
        %get3A_306 = arith.constant 144 : index
        %get3A_307 = tpu.vector_load %arg8[%get3A_305, %get3A_306] {strides = array<i32>} : memref<64x256xf32, #tpu.memory_space<vmem>>, vector<1x16xf32>,
        %get3A_308 = vector.shape_cast %get3A_307 : vector<1x16xf32> to vector<16xf32>
        %get3A_309 = arith.index_cast %add3A_198 : i32 to index
        %get3A_310 = arith.constant 144 : index
        %get3A_311 = tpu.vector_load %arg10[%get3A_309, %get3A_310] {strides = array<i32>} : memref<64x256xf32, #tpu.memory_space<vmem>>, vector<1x16xf32>,
        %get3A_312 = vector.shape_cast %get3A_311 : vector<1x16xf32> to vector<16xf32>
        %sub3A_313 = arith.subf %get3A_308, %get3A_312 : vector<16xf32>
        %mul3A_314 = arith.mulf %sub3A_313, %sub3A_313 : vector<16xf32>
        %add3A_315 = arith.addf %add3A_271, %mul3A_314 : vector<16xf32>
        %get3A_316 = arith.index_cast %add3A_198 : i32 to index
        %get3A_317 = arith.constant 160 : index
        %get3A_318 = tpu.vector_load %arg8[%get3A_316, %get3A_317] {strides = array<i32>} : memref<64x256xf32, #tpu.memory_space<vmem>>, vector<1x16xf32>,
        %get3A_319 = vector.shape_cast %get3A_318 : vector<1x16xf32> to vector<16xf32>
        %get3A_320 = arith.index_cast %add3A_198 : i32 to index
        %get3A_321 = arith.constant 160 : index
        %get3A_322 = tpu.vector_load %arg10[%get3A_320, %get3A_321] {strides = array<i32>} : memref<64x256xf32, #tpu.memory_space<vmem>>, vector<1x16xf32>,
        %get3A_323 = vector.shape_cast %get3A_322 : vector<1x16xf32> to vector<16xf32>
        %sub3A_324 = arith.subf %get3A_319, %get3A_323 : vector<16xf32>
        %mul3A_325 = arith.mulf %sub3A_324, %sub3A_324 : vector<16xf32>
        %add3A_326 = arith.addf %add3A_282, %mul3A_325 : vector<16xf32>
        %get3A_327 = arith.index_cast %add3A_198 : i32 to index
        %get3A_328 = arith.constant 176 : index
        %get3A_329 = tpu.vector_load %arg8[%get3A_327, %get3A_328] {strides = array<i32>} : memref<64x256xf32, #tpu.memory_space<vmem>>, vector<1x16xf32>,
        %get3A_330 = vector.shape_cast %get3A_329 : vector<1x16xf32> to vector<16xf32>
        %get3A_331 = arith.index_cast %add3A_198 : i32 to index
        %get3A_332 = arith.constant 176 : index
        %get3A_333 = tpu.vector_load %arg10[%get3A_331, %get3A_332] {strides = array<i32>} : memref<64x256xf32, #tpu.memory_space<vmem>>, vector<1x16xf32>,
        %get3A_334 = vector.shape_cast %get3A_333 : vector<1x16xf32> to vector<16xf32>
        %sub3A_335 = arith.subf %get3A_330, %get3A_334 : vector<16xf32>
        %mul3A_336 = arith.mulf %sub3A_335, %sub3A_335 : vector<16xf32>
        %add3A_337 = arith.addf %add3A_293, %mul3A_336 : vector<16xf32>
        %get3A_338 = arith.index_cast %add3A_198 : i32 to index
        %get3A_339 = arith.constant 192 : index
        %get3A_340 = tpu.vector_load %arg8[%get3A_338, %get3A_339] {strides = array<i32>} : memref<64x256xf32, #tpu.memory_space<vmem>>, vector<1x16xf32>,
        %get3A_341 = vector.shape_cast %get3A_340 : vector<1x16xf32> to vector<16xf32>
        %get3A_342 = arith.index_cast %add3A_198 : i32 to index
        %get3A_343 = arith.constant 192 : index
        %get3A_344 = tpu.vector_load %arg10[%get3A_342, %get3A_343] {strides = array<i32>} : memref<64x256xf32, #tpu.memory_space<vmem>>, vector<1x16xf32>,
        %get3A_345 = vector.shape_cast %get3A_344 : vector<1x16xf32> to vector<16xf32>
        %sub3A_346 = arith.subf %get3A_341, %get3A_345 : vector<16xf32>
        %mul3A_347 = arith.mulf %sub3A_346, %sub3A_346 : vector<16xf32>
        %add3A_348 = arith.addf %add3A_304, %mul3A_347 : vector<16xf32>
        %get3A_349 = arith.index_cast %add3A_198 : i32 to index
        %get3A_350 = arith.constant 208 : index
        %get3A_351 = tpu.vector_load %arg8[%get3A_349, %get3A_350] {strides = array<i32>} : memref<64x256xf32, #tpu.memory_space<vmem>>, vector<1x16xf32>,
        %get3A_352 = vector.shape_cast %get3A_351 : vector<1x16xf32> to vector<16xf32>
        %get3A_353 = arith.index_cast %add3A_198 : i32 to index
        %get3A_354 = arith.constant 208 : index
        %get3A_355 = tpu.vector_load %arg10[%get3A_353, %get3A_354] {strides = array<i32>} : memref<64x256xf32, #tpu.memory_space<vmem>>, vector<1x16xf32>,
        %get3A_356 = vector.shape_cast %get3A_355 : vector<1x16xf32> to vector<16xf32>
        %sub3A_357 = arith.subf %get3A_352, %get3A_356 : vector<16xf32>
        %mul3A_358 = arith.mulf %sub3A_357, %sub3A_357 : vector<16xf32>
        %add3A_359 = arith.addf %add3A_315, %mul3A_358 : vector<16xf32>
        %get3A_360 = arith.index_cast %add3A_198 : i32 to index
        %get3A_361 = arith.constant 224 : index
        %get3A_362 = tpu.vector_load %arg8[%get3A_360, %get3A_361] {strides = array<i32>} : memref<64x256xf32, #tpu.memory_space<vmem>>, vector<1x16xf32>,
        %get3A_363 = vector.shape_cast %get3A_362 : vector<1x16xf32> to vector<16xf32>
        %get3A_364 = arith.index_cast %add3A_198 : i32 to index
        %get3A_365 = arith.constant 224 : index
        %get3A_366 = tpu.vector_load %arg10[%get3A_364, %get3A_365] {strides = array<i32>} : memref<64x256xf32, #tpu.memory_space<vmem>>, vector<1x16xf32>,
        %get3A_367 = vector.shape_cast %get3A_366 : vector<1x16xf32> to vector<16xf32>
        %sub3A_368 = arith.subf %get3A_363, %get3A_367 : vector<16xf32>
        %mul3A_369 = arith.mulf %sub3A_368, %sub3A_368 : vector<16xf32>
        %add3A_370 = arith.addf %add3A_326, %mul3A_369 : vector<16xf32>
        %get3A_371 = arith.index_cast %add3A_198 : i32 to index
        %get3A_372 = arith.constant 240 : index
        %get3A_373 = tpu.vector_load %arg8[%get3A_371, %get3A_372] {strides = array<i32>} : memref<64x256xf32, #tpu.memory_space<vmem>>, vector<1x16xf32>,
        %get3A_374 = vector.shape_cast %get3A_373 : vector<1x16xf32> to vector<16xf32>
        %get3A_375 = arith.index_cast %add3A_198 : i32 to index
        %get3A_376 = arith.constant 240 : index
        %get3A_377 = tpu.vector_load %arg10[%get3A_375, %get3A_376] {strides = array<i32>} : memref<64x256xf32, #tpu.memory_space<vmem>>, vector<1x16xf32>,
        %get3A_378 = vector.shape_cast %get3A_377 : vector<1x16xf32> to vector<16xf32>
        %sub3A_379 = arith.subf %get3A_374, %get3A_378 : vector<16xf32>
        %mul3A_380 = arith.mulf %sub3A_379, %sub3A_379 : vector<16xf32>
        %add3A_381 = arith.addf %add3A_337, %mul3A_380 : vector<16xf32>
        %add3A_382 = arith.addf %add3A_348, %add3A_359 : vector<16xf32>
        %add3A_383 = arith.addf %add3A_370, %add3A_381 : vector<16xf32>
        %add3A_384 = arith.addf %add3A_382, %add3A_383 : vector<16xf32>
        %lt3A = arith.constant 0 : i32
        %lt3A_385 = vector.broadcast %lt3A : i32 to vector<16xi32>
        %lt3A_386 = arith.cmpi slt, %xor3A_6, %lt3A_385 : vector<16xi32>
        %add3A_387 = arith.constant 16 : i32
        %add3A_388 = vector.broadcast %add3A_387 : i32 to vector<16xi32>
        %add3A_389 = arith.addi %xor3A_6, %add3A_388 : vector<16xi32>
        %select_n3A = arith.select %lt3A_386, %add3A_389, %xor3A_6 : vector<16xi1>, vector<16xi32>
        %broadcast_in_dim3A_390 = vector.shape_cast %select_n3A : vector<16xi32> to vector<16x1xi32>
        %gather3A = vector.shape_cast %broadcast_in_dim3A_390 : vector<16x1xi32> to vector<16xi32>
        %gather3A_391 = tpu.dynamic_gather %add3A_384[%gather3A] in [0] : vector<16xf32>, vector<16xi32> -> vector<16xf32>
        %add3A_392 = arith.addf %add3A_384, %gather3A_391 : vector<16xf32>
        %lt3A_393 = arith.constant 0 : i32
        %lt3A_394 = vector.broadcast %lt3A_393 : i32 to vector<16xi32>
        %lt3A_395 = arith.cmpi slt, %xor3A_9, %lt3A_394 : vector<16xi32>
        %add3A_396 = arith.constant 16 : i32
        %add3A_397 = vector.broadcast %add3A_396 : i32 to vector<16xi32>
        %add3A_398 = arith.addi %xor3A_9, %add3A_397 : vector<16xi32>
        %select_n3A_399 = arith.select %lt3A_395, %add3A_398, %xor3A_9 : vector<16xi1>, vector<16xi32>
        %broadcast_in_dim3A_400 = vector.shape_cast %select_n3A_399 : vector<16xi32> to vector<16x1xi32>
        %gather3A_401 = vector.shape_cast %broadcast_in_dim3A_400 : vector<16x1xi32> to vector<16xi32>
        %gather3A_402 = tpu.dynamic_gather %add3A_392[%gather3A_401] in [0] : vector<16xf32>, vector<16xi32> -> vector<16xf32>
        %add3A_403 = arith.addf %add3A_392, %gather3A_402 : vector<16xf32>
        %lt3A_404 = arith.constant 0 : i32
        %lt3A_405 = vector.broadcast %lt3A_404 : i32 to vector<16xi32>
        %lt3A_406 = arith.cmpi slt, %xor3A_12, %lt3A_405 : vector<16xi32>
        %add3A_407 = arith.constant 16 : i32
        %add3A_408 = vector.broadcast %add3A_407 : i32 to vector<16xi32>
        %add3A_409 = arith.addi %xor3A_12, %add3A_408 : vector<16xi32>
        %select_n3A_410 = arith.select %lt3A_406, %add3A_409, %xor3A_12 : vector<16xi1>, vector<16xi32>
        %broadcast_in_dim3A_411 = vector.shape_cast %select_n3A_410 : vector<16xi32> to vector<16x1xi32>
        %gather3A_412 = vector.shape_cast %broadcast_in_dim3A_411 : vector<16x1xi32> to vector<16xi32>
        %gather3A_413 = tpu.dynamic_gather %add3A_403[%gather3A_412] in [0] : vector<16xf32>, vector<16xi32> -> vector<16xf32>
        %add3A_414 = arith.addf %add3A_403, %gather3A_413 : vector<16xf32>
        %lt3A_415 = arith.constant 0 : i32
        %lt3A_416 = vector.broadcast %lt3A_415 : i32 to vector<16xi32>
        %lt3A_417 = arith.cmpi slt, %xor3A_15, %lt3A_416 : vector<16xi32>
        %add3A_418 = arith.constant 16 : i32
        %add3A_419 = vector.broadcast %add3A_418 : i32 to vector<16xi32>
        %add3A_420 = arith.addi %xor3A_15, %add3A_419 : vector<16xi32>
        %select_n3A_421 = arith.select %lt3A_417, %add3A_420, %xor3A_15 : vector<16xi1>, vector<16xi32>
        %broadcast_in_dim3A_422 = vector.shape_cast %select_n3A_421 : vector<16xi32> to vector<16x1xi32>
        %gather3A_423 = vector.shape_cast %broadcast_in_dim3A_422 : vector<16x1xi32> to vector<16xi32>
        %gather3A_424 = tpu.dynamic_gather %add3A_414[%gather3A_423] in [0] : vector<16xf32>, vector<16xi32> -> vector<16xf32>
        %add3A_425 = arith.addf %add3A_414, %gather3A_424 : vector<16xf32>
        %broadcast_in_dim3A_426 = vector.broadcast %scan3A_194 : i32 to vector<16xi32>
        %eq3A = arith.cmpi eq, %iota3A, %broadcast_in_dim3A_426 : vector<16xi32>
        %select_n3A_427 = arith.select %eq3A, %add3A_425, %scan3A_195 : vector<16xi1>, vector<16xf32>
        scf.yield %select_n3A_427 : vector<16xf32>
      }
      %scan3A_156 = arith.constant 16 : i32
      %add3A_157 = arith.constant 1.000000e-30 : f32
      %add3A_158 = vector.broadcast %add3A_157 : f32 to vector<16xf32>
      %add3A_159 = arith.addf %scan3A_155, %add3A_158 : vector<16xf32>
      %bitcast_convert_type3A = tpu.bitcast %add3A_159 : vector<16xf32> -> vector<16xi32>
      %shift_right_logical3A = arith.constant 1 : i32
      %shift_right_logical3A_160 = vector.broadcast %shift_right_logical3A : i32 to vector<16xi32>
      %shift_right_logical3A_161 = arith.shrui %bitcast_convert_type3A, %shift_right_logical3A_160 : vector<16xi32>
      %sub3A = arith.constant 1597463007 : i32
      %sub3A_162 = vector.broadcast %sub3A : i32 to vector<16xi32>
      %sub3A_163 = arith.subi %sub3A_162, %shift_right_logical3A_161 : vector<16xi32>
      %bitcast_convert_type3A_164 = tpu.bitcast %sub3A_163 : vector<16xi32> -> vector<16xf32>
      %mul3A_165 = arith.constant 5.000000e-01 : f32
      %mul3A_166 = vector.broadcast %mul3A_165 : f32 to vector<16xf32>
      %mul3A_167 = arith.mulf %mul3A_166, %add3A_159 : vector<16xf32>
      %mul3A_168 = arith.mulf %mul3A_167, %bitcast_convert_type3A_164 : vector<16xf32>
      %mul3A_169 = arith.mulf %mul3A_168, %bitcast_convert_type3A_164 : vector<16xf32>
      %sub3A_170 = arith.constant 1.500000e+00 : f32
      %sub3A_171 = vector.broadcast %sub3A_170 : f32 to vector<16xf32>
      %sub3A_172 = arith.subf %sub3A_171, %mul3A_169 : vector<16xf32>
      %mul3A_173 = arith.mulf %bitcast_convert_type3A_164, %sub3A_172 : vector<16xf32>
      %mul3A_174 = arith.constant 5.000000e-01 : f32
      %mul3A_175 = vector.broadcast %mul3A_174 : f32 to vector<16xf32>
      %mul3A_176 = arith.mulf %mul3A_175, %add3A_159 : vector<16xf32>
      %mul3A_177 = arith.mulf %mul3A_176, %mul3A_173 : vector<16xf32>
      %mul3A_178 = arith.mulf %mul3A_177, %mul3A_173 : vector<16xf32>
      %sub3A_179 = arith.constant 1.500000e+00 : f32
      %sub3A_180 = vector.broadcast %sub3A_179 : f32 to vector<16xf32>
      %sub3A_181 = arith.subf %sub3A_180, %mul3A_178 : vector<16xf32>
      %mul3A_182 = arith.mulf %mul3A_173, %sub3A_181 : vector<16xf32>
      %mul3A_183 = arith.constant 5.000000e-01 : f32
      %mul3A_184 = vector.broadcast %mul3A_183 : f32 to vector<16xf32>
      %mul3A_185 = arith.mulf %mul3A_184, %add3A_159 : vector<16xf32>
      %mul3A_186 = arith.mulf %mul3A_185, %mul3A_182 : vector<16xf32>
      %mul3A_187 = arith.mulf %mul3A_186, %mul3A_182 : vector<16xf32>
      %sub3A_188 = arith.constant 1.500000e+00 : f32
      %sub3A_189 = vector.broadcast %sub3A_188 : f32 to vector<16xf32>
      %sub3A_190 = arith.subf %sub3A_189, %mul3A_187 : vector<16xf32>
      %mul3A_191 = arith.mulf %mul3A_182, %sub3A_190 : vector<16xf32>
      %mul3A_192 = arith.mulf %add3A_159, %mul3A_191 : vector<16xf32>
      %add3A_193 = arith.addf %scan3A_148, %mul3A_192 : vector<16xf32>
      scf.yield %add3A_193 : vector<16xf32>
    }
    %scan3A_90 = arith.constant 4 : i32
    %add3A_91 = arith.constant 8192 : i32
    %add3A_92 = arith.addi %add3A_91, %mul3A_2 : i32
    %add3A_93 = arith.constant 192 : i32
    %add3A_94 = arith.addi %add3A_92, %add3A_93 : i32
    %dma_start3A_95 = arith.constant 0 : i32
    %dma_start3A_96 = tpu.memref_slice %arg2[%add3A_94, %dma_start3A_95] : memref<16384x256xf32, #tpu.memory_space<hbm>> -> memref<64x256xf32, #tpu.memory_space<hbm>>
    %dma_start3A_97 = arith.constant 0 : i32
    %dma_start3A_98 = tpu.memref_slice %arg2[%add3A_94, %dma_start3A_97] : memref<16384x256xf32, #tpu.memory_space<hbm>> -> memref<64x256xf32, #tpu.memory_space<hbm>>
    tpu.enqueue_dma source(%dma_start3A_98 : memref<64x256xf32, #tpu.memory_space<hbm>>) target(%arg8 : memref<64x256xf32, #tpu.memory_space<vmem>>) target_semaphore(%arg13 : memref<!tpu.dma_semaphore, #tpu.memory_space<semaphore_mem>>)
    %dma_start3A_99 = arith.constant 192 : i32
    %dma_start3A_100 = tpu.memref_slice %arg6[%dma_start3A_99] : memref<256xi32, #tpu.memory_space<vmem>> -> memref<64xi32, #tpu.memory_space<vmem>>
    %dma_start3A_101 = arith.constant 0 : i32
    %dma_start3A_102 = arith.constant 0 : i32
    %dma_start3A_103 = tpu.memref_slice %arg4[%dma_start3A_101, %dma_start3A_102] : memref<1024x256xf32, #tpu.memory_space<hbm>> -> memref<1024x256xf32, #tpu.memory_space<hbm>>
    tpu.enqueue_indirect_dma source(%dma_start3A_103 : memref<1024x256xf32, #tpu.memory_space<hbm>>) target(%arg10 : memref<64x256xf32, #tpu.memory_space<vmem>>) offsets(%dma_start3A_100 : memref<64xi32, #tpu.memory_space<vmem>>) semaphore(%arg15 : memref<!tpu.dma_semaphore, #tpu.memory_space<semaphore_mem>>)
    %add3A_104 = arith.constant 8192 : i32
    %add3A_105 = arith.addi %add3A_104, %mul3A_2 : i32
    %add3A_106 = arith.constant 128 : i32
    %add3A_107 = arith.addi %add3A_105, %add3A_106 : i32
    %dma_wait3A_108 = arith.constant 0 : i32
    %dma_wait3A_109 = tpu.memref_slice %arg2[%add3A_107, %dma_wait3A_108] : memref<16384x256xf32, #tpu.memory_space<hbm>> -> memref<64x256xf32, #tpu.memory_space<hbm>>
    %dma_wait3A_110 = arith.constant 0 : i32
    %dma_wait3A_111 = tpu.memref_slice %arg2[%add3A_107, %dma_wait3A_110] : memref<16384x256xf32, #tpu.memory_space<hbm>> -> memref<64x256xf32, #tpu.memory_space<hbm>>
    tpu.wait_dma2 semaphore(%arg12 : memref<!tpu.dma_semaphore, #tpu.memory_space<semaphore_mem>>) src(%dma_wait3A_111 : memref<64x256xf32, #tpu.memory_space<hbm>>) dst(%arg7 : memref<64x256xf32, #tpu.memory_space<vmem>>)
    %dma_wait3A_112 = arith.constant 128 : i32
    %dma_wait3A_113 = tpu.memref_slice %arg6[%dma_wait3A_112] : memref<256xi32, #tpu.memory_space<vmem>> -> memref<64xi32, #tpu.memory_space<vmem>>
    %dma_wait3A_114 = arith.constant 0 : i32
    %dma_wait3A_115 = arith.constant 0 : i32
    %dma_wait3A_116 = tpu.memref_slice %arg4[%dma_wait3A_114, %dma_wait3A_115] : memref<1024x256xf32, #tpu.memory_space<hbm>> -> memref<1024x256xf32, #tpu.memory_space<hbm>>
    tpu.wait_indirect_dma semaphore(%arg14 : memref<!tpu.dma_semaphore, #tpu.memory_space<semaphore_mem>>) src(%dma_wait3A_116 : memref<1024x256xf32, #tpu.memory_space<hbm>>) dst(%arg9 : memref<64x256xf32, #tpu.memory_space<vmem>>)
    %scan3A_117 = arith.constant 0 : i32
    %scan3A_118 = arith.constant 4 : i32
    %scan3A_119 = arith.addi %scan3A_117, %scan3A_118 : i32
    %scan3A_120 = arith.constant 1 : i32
    %scan3A_121 = scf.for %scan3A_147 = %scan3A_117 to %scan3A_119 step %scan3A_120 iter_args(%scan3A_148 = %scan3A_89) -> (vector<16xf32>)  : i32 {
      %broadcast_in_dim3A_149 = arith.constant 0.000000e+00 : f32
      %broadcast_in_dim3A_150 = vector.broadcast %broadcast_in_dim3A_149 : f32 to vector<16xf32>
      %scan3A_151 = arith.constant 0 : i32
      %scan3A_152 = arith.constant 16 : i32
      %scan3A_153 = arith.addi %scan3A_151, %scan3A_152 : i32
      %scan3A_154 = arith.constant 1 : i32
      %scan3A_155 = scf.for %scan3A_194 = %scan3A_151 to %scan3A_153 step %scan3A_154 iter_args(%scan3A_195 = %broadcast_in_dim3A_150) -> (vector<16xf32>)  : i32 {
        %mul3A_196 = arith.constant 16 : i32
        %mul3A_197 = arith.muli %scan3A_147, %mul3A_196 : i32
        %add3A_198 = arith.addi %mul3A_197, %scan3A_194 : i32
        %broadcast_in_dim3A_199 = arith.constant 0.000000e+00 : f32
        %broadcast_in_dim3A_200 = vector.broadcast %broadcast_in_dim3A_199 : f32 to vector<16xf32>
        %broadcast_in_dim3A_201 = arith.constant 0.000000e+00 : f32
        %broadcast_in_dim3A_202 = vector.broadcast %broadcast_in_dim3A_201 : f32 to vector<16xf32>
        %broadcast_in_dim3A_203 = arith.constant 0.000000e+00 : f32
        %broadcast_in_dim3A_204 = vector.broadcast %broadcast_in_dim3A_203 : f32 to vector<16xf32>
        %broadcast_in_dim3A_205 = arith.constant 0.000000e+00 : f32
        %broadcast_in_dim3A_206 = vector.broadcast %broadcast_in_dim3A_205 : f32 to vector<16xf32>
        %get3A = arith.index_cast %add3A_198 : i32 to index
        %get3A_207 = arith.constant 0 : index
        %get3A_208 = tpu.vector_load %arg7[%get3A, %get3A_207] {strides = array<i32>} : memref<64x256xf32, #tpu.memory_space<vmem>>, vector<1x16xf32>,
        %get3A_209 = vector.shape_cast %get3A_208 : vector<1x16xf32> to vector<16xf32>
        %get3A_210 = arith.index_cast %add3A_198 : i32 to index
        %get3A_211 = arith.constant 0 : index
        %get3A_212 = tpu.vector_load %arg9[%get3A_210, %get3A_211] {strides = array<i32>} : memref<64x256xf32, #tpu.memory_space<vmem>>, vector<1x16xf32>,
        %get3A_213 = vector.shape_cast %get3A_212 : vector<1x16xf32> to vector<16xf32>
        %sub3A_214 = arith.subf %get3A_209, %get3A_213 : vector<16xf32>
        %mul3A_215 = arith.mulf %sub3A_214, %sub3A_214 : vector<16xf32>
        %add3A_216 = arith.addf %broadcast_in_dim3A_200, %mul3A_215 : vector<16xf32>
        %get3A_217 = arith.index_cast %add3A_198 : i32 to index
        %get3A_218 = arith.constant 16 : index
        %get3A_219 = tpu.vector_load %arg7[%get3A_217, %get3A_218] {strides = array<i32>} : memref<64x256xf32, #tpu.memory_space<vmem>>, vector<1x16xf32>,
        %get3A_220 = vector.shape_cast %get3A_219 : vector<1x16xf32> to vector<16xf32>
        %get3A_221 = arith.index_cast %add3A_198 : i32 to index
        %get3A_222 = arith.constant 16 : index
        %get3A_223 = tpu.vector_load %arg9[%get3A_221, %get3A_222] {strides = array<i32>} : memref<64x256xf32, #tpu.memory_space<vmem>>, vector<1x16xf32>,
        %get3A_224 = vector.shape_cast %get3A_223 : vector<1x16xf32> to vector<16xf32>
        %sub3A_225 = arith.subf %get3A_220, %get3A_224 : vector<16xf32>
        %mul3A_226 = arith.mulf %sub3A_225, %sub3A_225 : vector<16xf32>
        %add3A_227 = arith.addf %broadcast_in_dim3A_202, %mul3A_226 : vector<16xf32>
        %get3A_228 = arith.index_cast %add3A_198 : i32 to index
        %get3A_229 = arith.constant 32 : index
        %get3A_230 = tpu.vector_load %arg7[%get3A_228, %get3A_229] {strides = array<i32>} : memref<64x256xf32, #tpu.memory_space<vmem>>, vector<1x16xf32>,
        %get3A_231 = vector.shape_cast %get3A_230 : vector<1x16xf32> to vector<16xf32>
        %get3A_232 = arith.index_cast %add3A_198 : i32 to index
        %get3A_233 = arith.constant 32 : index
        %get3A_234 = tpu.vector_load %arg9[%get3A_232, %get3A_233] {strides = array<i32>} : memref<64x256xf32, #tpu.memory_space<vmem>>, vector<1x16xf32>,
        %get3A_235 = vector.shape_cast %get3A_234 : vector<1x16xf32> to vector<16xf32>
        %sub3A_236 = arith.subf %get3A_231, %get3A_235 : vector<16xf32>
        %mul3A_237 = arith.mulf %sub3A_236, %sub3A_236 : vector<16xf32>
        %add3A_238 = arith.addf %broadcast_in_dim3A_204, %mul3A_237 : vector<16xf32>
        %get3A_239 = arith.index_cast %add3A_198 : i32 to index
        %get3A_240 = arith.constant 48 : index
        %get3A_241 = tpu.vector_load %arg7[%get3A_239, %get3A_240] {strides = array<i32>} : memref<64x256xf32, #tpu.memory_space<vmem>>, vector<1x16xf32>,
        %get3A_242 = vector.shape_cast %get3A_241 : vector<1x16xf32> to vector<16xf32>
        %get3A_243 = arith.index_cast %add3A_198 : i32 to index
        %get3A_244 = arith.constant 48 : index
        %get3A_245 = tpu.vector_load %arg9[%get3A_243, %get3A_244] {strides = array<i32>} : memref<64x256xf32, #tpu.memory_space<vmem>>, vector<1x16xf32>,
        %get3A_246 = vector.shape_cast %get3A_245 : vector<1x16xf32> to vector<16xf32>
        %sub3A_247 = arith.subf %get3A_242, %get3A_246 : vector<16xf32>
        %mul3A_248 = arith.mulf %sub3A_247, %sub3A_247 : vector<16xf32>
        %add3A_249 = arith.addf %broadcast_in_dim3A_206, %mul3A_248 : vector<16xf32>
        %get3A_250 = arith.index_cast %add3A_198 : i32 to index
        %get3A_251 = arith.constant 64 : index
        %get3A_252 = tpu.vector_load %arg7[%get3A_250, %get3A_251] {strides = array<i32>} : memref<64x256xf32, #tpu.memory_space<vmem>>, vector<1x16xf32>,
        %get3A_253 = vector.shape_cast %get3A_252 : vector<1x16xf32> to vector<16xf32>
        %get3A_254 = arith.index_cast %add3A_198 : i32 to index
        %get3A_255 = arith.constant 64 : index
        %get3A_256 = tpu.vector_load %arg9[%get3A_254, %get3A_255] {strides = array<i32>} : memref<64x256xf32, #tpu.memory_space<vmem>>, vector<1x16xf32>,
        %get3A_257 = vector.shape_cast %get3A_256 : vector<1x16xf32> to vector<16xf32>
        %sub3A_258 = arith.subf %get3A_253, %get3A_257 : vector<16xf32>
        %mul3A_259 = arith.mulf %sub3A_258, %sub3A_258 : vector<16xf32>
        %add3A_260 = arith.addf %add3A_216, %mul3A_259 : vector<16xf32>
        %get3A_261 = arith.index_cast %add3A_198 : i32 to index
        %get3A_262 = arith.constant 80 : index
        %get3A_263 = tpu.vector_load %arg7[%get3A_261, %get3A_262] {strides = array<i32>} : memref<64x256xf32, #tpu.memory_space<vmem>>, vector<1x16xf32>,
        %get3A_264 = vector.shape_cast %get3A_263 : vector<1x16xf32> to vector<16xf32>
        %get3A_265 = arith.index_cast %add3A_198 : i32 to index
        %get3A_266 = arith.constant 80 : index
        %get3A_267 = tpu.vector_load %arg9[%get3A_265, %get3A_266] {strides = array<i32>} : memref<64x256xf32, #tpu.memory_space<vmem>>, vector<1x16xf32>,
        %get3A_268 = vector.shape_cast %get3A_267 : vector<1x16xf32> to vector<16xf32>
        %sub3A_269 = arith.subf %get3A_264, %get3A_268 : vector<16xf32>
        %mul3A_270 = arith.mulf %sub3A_269, %sub3A_269 : vector<16xf32>
        %add3A_271 = arith.addf %add3A_227, %mul3A_270 : vector<16xf32>
        %get3A_272 = arith.index_cast %add3A_198 : i32 to index
        %get3A_273 = arith.constant 96 : index
        %get3A_274 = tpu.vector_load %arg7[%get3A_272, %get3A_273] {strides = array<i32>} : memref<64x256xf32, #tpu.memory_space<vmem>>, vector<1x16xf32>,
        %get3A_275 = vector.shape_cast %get3A_274 : vector<1x16xf32> to vector<16xf32>
        %get3A_276 = arith.index_cast %add3A_198 : i32 to index
        %get3A_277 = arith.constant 96 : index
        %get3A_278 = tpu.vector_load %arg9[%get3A_276, %get3A_277] {strides = array<i32>} : memref<64x256xf32, #tpu.memory_space<vmem>>, vector<1x16xf32>,
        %get3A_279 = vector.shape_cast %get3A_278 : vector<1x16xf32> to vector<16xf32>
        %sub3A_280 = arith.subf %get3A_275, %get3A_279 : vector<16xf32>
        %mul3A_281 = arith.mulf %sub3A_280, %sub3A_280 : vector<16xf32>
        %add3A_282 = arith.addf %add3A_238, %mul3A_281 : vector<16xf32>
        %get3A_283 = arith.index_cast %add3A_198 : i32 to index
        %get3A_284 = arith.constant 112 : index
        %get3A_285 = tpu.vector_load %arg7[%get3A_283, %get3A_284] {strides = array<i32>} : memref<64x256xf32, #tpu.memory_space<vmem>>, vector<1x16xf32>,
        %get3A_286 = vector.shape_cast %get3A_285 : vector<1x16xf32> to vector<16xf32>
        %get3A_287 = arith.index_cast %add3A_198 : i32 to index
        %get3A_288 = arith.constant 112 : index
        %get3A_289 = tpu.vector_load %arg9[%get3A_287, %get3A_288] {strides = array<i32>} : memref<64x256xf32, #tpu.memory_space<vmem>>, vector<1x16xf32>,
        %get3A_290 = vector.shape_cast %get3A_289 : vector<1x16xf32> to vector<16xf32>
        %sub3A_291 = arith.subf %get3A_286, %get3A_290 : vector<16xf32>
        %mul3A_292 = arith.mulf %sub3A_291, %sub3A_291 : vector<16xf32>
        %add3A_293 = arith.addf %add3A_249, %mul3A_292 : vector<16xf32>
        %get3A_294 = arith.index_cast %add3A_198 : i32 to index
        %get3A_295 = arith.constant 128 : index
        %get3A_296 = tpu.vector_load %arg7[%get3A_294, %get3A_295] {strides = array<i32>} : memref<64x256xf32, #tpu.memory_space<vmem>>, vector<1x16xf32>,
        %get3A_297 = vector.shape_cast %get3A_296 : vector<1x16xf32> to vector<16xf32>
        %get3A_298 = arith.index_cast %add3A_198 : i32 to index
        %get3A_299 = arith.constant 128 : index
        %get3A_300 = tpu.vector_load %arg9[%get3A_298, %get3A_299] {strides = array<i32>} : memref<64x256xf32, #tpu.memory_space<vmem>>, vector<1x16xf32>,
        %get3A_301 = vector.shape_cast %get3A_300 : vector<1x16xf32> to vector<16xf32>
        %sub3A_302 = arith.subf %get3A_297, %get3A_301 : vector<16xf32>
        %mul3A_303 = arith.mulf %sub3A_302, %sub3A_302 : vector<16xf32>
        %add3A_304 = arith.addf %add3A_260, %mul3A_303 : vector<16xf32>
        %get3A_305 = arith.index_cast %add3A_198 : i32 to index
        %get3A_306 = arith.constant 144 : index
        %get3A_307 = tpu.vector_load %arg7[%get3A_305, %get3A_306] {strides = array<i32>} : memref<64x256xf32, #tpu.memory_space<vmem>>, vector<1x16xf32>,
        %get3A_308 = vector.shape_cast %get3A_307 : vector<1x16xf32> to vector<16xf32>
        %get3A_309 = arith.index_cast %add3A_198 : i32 to index
        %get3A_310 = arith.constant 144 : index
        %get3A_311 = tpu.vector_load %arg9[%get3A_309, %get3A_310] {strides = array<i32>} : memref<64x256xf32, #tpu.memory_space<vmem>>, vector<1x16xf32>,
        %get3A_312 = vector.shape_cast %get3A_311 : vector<1x16xf32> to vector<16xf32>
        %sub3A_313 = arith.subf %get3A_308, %get3A_312 : vector<16xf32>
        %mul3A_314 = arith.mulf %sub3A_313, %sub3A_313 : vector<16xf32>
        %add3A_315 = arith.addf %add3A_271, %mul3A_314 : vector<16xf32>
        %get3A_316 = arith.index_cast %add3A_198 : i32 to index
        %get3A_317 = arith.constant 160 : index
        %get3A_318 = tpu.vector_load %arg7[%get3A_316, %get3A_317] {strides = array<i32>} : memref<64x256xf32, #tpu.memory_space<vmem>>, vector<1x16xf32>,
        %get3A_319 = vector.shape_cast %get3A_318 : vector<1x16xf32> to vector<16xf32>
        %get3A_320 = arith.index_cast %add3A_198 : i32 to index
        %get3A_321 = arith.constant 160 : index
        %get3A_322 = tpu.vector_load %arg9[%get3A_320, %get3A_321] {strides = array<i32>} : memref<64x256xf32, #tpu.memory_space<vmem>>, vector<1x16xf32>,
        %get3A_323 = vector.shape_cast %get3A_322 : vector<1x16xf32> to vector<16xf32>
        %sub3A_324 = arith.subf %get3A_319, %get3A_323 : vector<16xf32>
        %mul3A_325 = arith.mulf %sub3A_324, %sub3A_324 : vector<16xf32>
        %add3A_326 = arith.addf %add3A_282, %mul3A_325 : vector<16xf32>
        %get3A_327 = arith.index_cast %add3A_198 : i32 to index
        %get3A_328 = arith.constant 176 : index
        %get3A_329 = tpu.vector_load %arg7[%get3A_327, %get3A_328] {strides = array<i32>} : memref<64x256xf32, #tpu.memory_space<vmem>>, vector<1x16xf32>,
        %get3A_330 = vector.shape_cast %get3A_329 : vector<1x16xf32> to vector<16xf32>
        %get3A_331 = arith.index_cast %add3A_198 : i32 to index
        %get3A_332 = arith.constant 176 : index
        %get3A_333 = tpu.vector_load %arg9[%get3A_331, %get3A_332] {strides = array<i32>} : memref<64x256xf32, #tpu.memory_space<vmem>>, vector<1x16xf32>,
        %get3A_334 = vector.shape_cast %get3A_333 : vector<1x16xf32> to vector<16xf32>
        %sub3A_335 = arith.subf %get3A_330, %get3A_334 : vector<16xf32>
        %mul3A_336 = arith.mulf %sub3A_335, %sub3A_335 : vector<16xf32>
        %add3A_337 = arith.addf %add3A_293, %mul3A_336 : vector<16xf32>
        %get3A_338 = arith.index_cast %add3A_198 : i32 to index
        %get3A_339 = arith.constant 192 : index
        %get3A_340 = tpu.vector_load %arg7[%get3A_338, %get3A_339] {strides = array<i32>} : memref<64x256xf32, #tpu.memory_space<vmem>>, vector<1x16xf32>,
        %get3A_341 = vector.shape_cast %get3A_340 : vector<1x16xf32> to vector<16xf32>
        %get3A_342 = arith.index_cast %add3A_198 : i32 to index
        %get3A_343 = arith.constant 192 : index
        %get3A_344 = tpu.vector_load %arg9[%get3A_342, %get3A_343] {strides = array<i32>} : memref<64x256xf32, #tpu.memory_space<vmem>>, vector<1x16xf32>,
        %get3A_345 = vector.shape_cast %get3A_344 : vector<1x16xf32> to vector<16xf32>
        %sub3A_346 = arith.subf %get3A_341, %get3A_345 : vector<16xf32>
        %mul3A_347 = arith.mulf %sub3A_346, %sub3A_346 : vector<16xf32>
        %add3A_348 = arith.addf %add3A_304, %mul3A_347 : vector<16xf32>
        %get3A_349 = arith.index_cast %add3A_198 : i32 to index
        %get3A_350 = arith.constant 208 : index
        %get3A_351 = tpu.vector_load %arg7[%get3A_349, %get3A_350] {strides = array<i32>} : memref<64x256xf32, #tpu.memory_space<vmem>>, vector<1x16xf32>,
        %get3A_352 = vector.shape_cast %get3A_351 : vector<1x16xf32> to vector<16xf32>
        %get3A_353 = arith.index_cast %add3A_198 : i32 to index
        %get3A_354 = arith.constant 208 : index
        %get3A_355 = tpu.vector_load %arg9[%get3A_353, %get3A_354] {strides = array<i32>} : memref<64x256xf32, #tpu.memory_space<vmem>>, vector<1x16xf32>,
        %get3A_356 = vector.shape_cast %get3A_355 : vector<1x16xf32> to vector<16xf32>
        %sub3A_357 = arith.subf %get3A_352, %get3A_356 : vector<16xf32>
        %mul3A_358 = arith.mulf %sub3A_357, %sub3A_357 : vector<16xf32>
        %add3A_359 = arith.addf %add3A_315, %mul3A_358 : vector<16xf32>
        %get3A_360 = arith.index_cast %add3A_198 : i32 to index
        %get3A_361 = arith.constant 224 : index
        %get3A_362 = tpu.vector_load %arg7[%get3A_360, %get3A_361] {strides = array<i32>} : memref<64x256xf32, #tpu.memory_space<vmem>>, vector<1x16xf32>,
        %get3A_363 = vector.shape_cast %get3A_362 : vector<1x16xf32> to vector<16xf32>
        %get3A_364 = arith.index_cast %add3A_198 : i32 to index
        %get3A_365 = arith.constant 224 : index
        %get3A_366 = tpu.vector_load %arg9[%get3A_364, %get3A_365] {strides = array<i32>} : memref<64x256xf32, #tpu.memory_space<vmem>>, vector<1x16xf32>,
        %get3A_367 = vector.shape_cast %get3A_366 : vector<1x16xf32> to vector<16xf32>
        %sub3A_368 = arith.subf %get3A_363, %get3A_367 : vector<16xf32>
        %mul3A_369 = arith.mulf %sub3A_368, %sub3A_368 : vector<16xf32>
        %add3A_370 = arith.addf %add3A_326, %mul3A_369 : vector<16xf32>
        %get3A_371 = arith.index_cast %add3A_198 : i32 to index
        %get3A_372 = arith.constant 240 : index
        %get3A_373 = tpu.vector_load %arg7[%get3A_371, %get3A_372] {strides = array<i32>} : memref<64x256xf32, #tpu.memory_space<vmem>>, vector<1x16xf32>,
        %get3A_374 = vector.shape_cast %get3A_373 : vector<1x16xf32> to vector<16xf32>
        %get3A_375 = arith.index_cast %add3A_198 : i32 to index
        %get3A_376 = arith.constant 240 : index
        %get3A_377 = tpu.vector_load %arg9[%get3A_375, %get3A_376] {strides = array<i32>} : memref<64x256xf32, #tpu.memory_space<vmem>>, vector<1x16xf32>,
        %get3A_378 = vector.shape_cast %get3A_377 : vector<1x16xf32> to vector<16xf32>
        %sub3A_379 = arith.subf %get3A_374, %get3A_378 : vector<16xf32>
        %mul3A_380 = arith.mulf %sub3A_379, %sub3A_379 : vector<16xf32>
        %add3A_381 = arith.addf %add3A_337, %mul3A_380 : vector<16xf32>
        %add3A_382 = arith.addf %add3A_348, %add3A_359 : vector<16xf32>
        %add3A_383 = arith.addf %add3A_370, %add3A_381 : vector<16xf32>
        %add3A_384 = arith.addf %add3A_382, %add3A_383 : vector<16xf32>
        %lt3A = arith.constant 0 : i32
        %lt3A_385 = vector.broadcast %lt3A : i32 to vector<16xi32>
        %lt3A_386 = arith.cmpi slt, %xor3A_6, %lt3A_385 : vector<16xi32>
        %add3A_387 = arith.constant 16 : i32
        %add3A_388 = vector.broadcast %add3A_387 : i32 to vector<16xi32>
        %add3A_389 = arith.addi %xor3A_6, %add3A_388 : vector<16xi32>
        %select_n3A = arith.select %lt3A_386, %add3A_389, %xor3A_6 : vector<16xi1>, vector<16xi32>
        %broadcast_in_dim3A_390 = vector.shape_cast %select_n3A : vector<16xi32> to vector<16x1xi32>
        %gather3A = vector.shape_cast %broadcast_in_dim3A_390 : vector<16x1xi32> to vector<16xi32>
        %gather3A_391 = tpu.dynamic_gather %add3A_384[%gather3A] in [0] : vector<16xf32>, vector<16xi32> -> vector<16xf32>
        %add3A_392 = arith.addf %add3A_384, %gather3A_391 : vector<16xf32>
        %lt3A_393 = arith.constant 0 : i32
        %lt3A_394 = vector.broadcast %lt3A_393 : i32 to vector<16xi32>
        %lt3A_395 = arith.cmpi slt, %xor3A_9, %lt3A_394 : vector<16xi32>
        %add3A_396 = arith.constant 16 : i32
        %add3A_397 = vector.broadcast %add3A_396 : i32 to vector<16xi32>
        %add3A_398 = arith.addi %xor3A_9, %add3A_397 : vector<16xi32>
        %select_n3A_399 = arith.select %lt3A_395, %add3A_398, %xor3A_9 : vector<16xi1>, vector<16xi32>
        %broadcast_in_dim3A_400 = vector.shape_cast %select_n3A_399 : vector<16xi32> to vector<16x1xi32>
        %gather3A_401 = vector.shape_cast %broadcast_in_dim3A_400 : vector<16x1xi32> to vector<16xi32>
        %gather3A_402 = tpu.dynamic_gather %add3A_392[%gather3A_401] in [0] : vector<16xf32>, vector<16xi32> -> vector<16xf32>
        %add3A_403 = arith.addf %add3A_392, %gather3A_402 : vector<16xf32>
        %lt3A_404 = arith.constant 0 : i32
        %lt3A_405 = vector.broadcast %lt3A_404 : i32 to vector<16xi32>
        %lt3A_406 = arith.cmpi slt, %xor3A_12, %lt3A_405 : vector<16xi32>
        %add3A_407 = arith.constant 16 : i32
        %add3A_408 = vector.broadcast %add3A_407 : i32 to vector<16xi32>
        %add3A_409 = arith.addi %xor3A_12, %add3A_408 : vector<16xi32>
        %select_n3A_410 = arith.select %lt3A_406, %add3A_409, %xor3A_12 : vector<16xi1>, vector<16xi32>
        %broadcast_in_dim3A_411 = vector.shape_cast %select_n3A_410 : vector<16xi32> to vector<16x1xi32>
        %gather3A_412 = vector.shape_cast %broadcast_in_dim3A_411 : vector<16x1xi32> to vector<16xi32>
        %gather3A_413 = tpu.dynamic_gather %add3A_403[%gather3A_412] in [0] : vector<16xf32>, vector<16xi32> -> vector<16xf32>
        %add3A_414 = arith.addf %add3A_403, %gather3A_413 : vector<16xf32>
        %lt3A_415 = arith.constant 0 : i32
        %lt3A_416 = vector.broadcast %lt3A_415 : i32 to vector<16xi32>
        %lt3A_417 = arith.cmpi slt, %xor3A_15, %lt3A_416 : vector<16xi32>
        %add3A_418 = arith.constant 16 : i32
        %add3A_419 = vector.broadcast %add3A_418 : i32 to vector<16xi32>
        %add3A_420 = arith.addi %xor3A_15, %add3A_419 : vector<16xi32>
        %select_n3A_421 = arith.select %lt3A_417, %add3A_420, %xor3A_15 : vector<16xi1>, vector<16xi32>
        %broadcast_in_dim3A_422 = vector.shape_cast %select_n3A_421 : vector<16xi32> to vector<16x1xi32>
        %gather3A_423 = vector.shape_cast %broadcast_in_dim3A_422 : vector<16x1xi32> to vector<16xi32>
        %gather3A_424 = tpu.dynamic_gather %add3A_414[%gather3A_423] in [0] : vector<16xf32>, vector<16xi32> -> vector<16xf32>
        %add3A_425 = arith.addf %add3A_414, %gather3A_424 : vector<16xf32>
        %broadcast_in_dim3A_426 = vector.broadcast %scan3A_194 : i32 to vector<16xi32>
        %eq3A = arith.cmpi eq, %iota3A, %broadcast_in_dim3A_426 : vector<16xi32>
        %select_n3A_427 = arith.select %eq3A, %add3A_425, %scan3A_195 : vector<16xi1>, vector<16xf32>
        scf.yield %select_n3A_427 : vector<16xf32>
      }
      %scan3A_156 = arith.constant 16 : i32
      %add3A_157 = arith.constant 1.000000e-30 : f32
      %add3A_158 = vector.broadcast %add3A_157 : f32 to vector<16xf32>
      %add3A_159 = arith.addf %scan3A_155, %add3A_158 : vector<16xf32>
      %bitcast_convert_type3A = tpu.bitcast %add3A_159 : vector<16xf32> -> vector<16xi32>
      %shift_right_logical3A = arith.constant 1 : i32
      %shift_right_logical3A_160 = vector.broadcast %shift_right_logical3A : i32 to vector<16xi32>
      %shift_right_logical3A_161 = arith.shrui %bitcast_convert_type3A, %shift_right_logical3A_160 : vector<16xi32>
      %sub3A = arith.constant 1597463007 : i32
      %sub3A_162 = vector.broadcast %sub3A : i32 to vector<16xi32>
      %sub3A_163 = arith.subi %sub3A_162, %shift_right_logical3A_161 : vector<16xi32>
      %bitcast_convert_type3A_164 = tpu.bitcast %sub3A_163 : vector<16xi32> -> vector<16xf32>
      %mul3A_165 = arith.constant 5.000000e-01 : f32
      %mul3A_166 = vector.broadcast %mul3A_165 : f32 to vector<16xf32>
      %mul3A_167 = arith.mulf %mul3A_166, %add3A_159 : vector<16xf32>
      %mul3A_168 = arith.mulf %mul3A_167, %bitcast_convert_type3A_164 : vector<16xf32>
      %mul3A_169 = arith.mulf %mul3A_168, %bitcast_convert_type3A_164 : vector<16xf32>
      %sub3A_170 = arith.constant 1.500000e+00 : f32
      %sub3A_171 = vector.broadcast %sub3A_170 : f32 to vector<16xf32>
      %sub3A_172 = arith.subf %sub3A_171, %mul3A_169 : vector<16xf32>
      %mul3A_173 = arith.mulf %bitcast_convert_type3A_164, %sub3A_172 : vector<16xf32>
      %mul3A_174 = arith.constant 5.000000e-01 : f32
      %mul3A_175 = vector.broadcast %mul3A_174 : f32 to vector<16xf32>
      %mul3A_176 = arith.mulf %mul3A_175, %add3A_159 : vector<16xf32>
      %mul3A_177 = arith.mulf %mul3A_176, %mul3A_173 : vector<16xf32>
      %mul3A_178 = arith.mulf %mul3A_177, %mul3A_173 : vector<16xf32>
      %sub3A_179 = arith.constant 1.500000e+00 : f32
      %sub3A_180 = vector.broadcast %sub3A_179 : f32 to vector<16xf32>
      %sub3A_181 = arith.subf %sub3A_180, %mul3A_178 : vector<16xf32>
      %mul3A_182 = arith.mulf %mul3A_173, %sub3A_181 : vector<16xf32>
      %mul3A_183 = arith.constant 5.000000e-01 : f32
      %mul3A_184 = vector.broadcast %mul3A_183 : f32 to vector<16xf32>
      %mul3A_185 = arith.mulf %mul3A_184, %add3A_159 : vector<16xf32>
      %mul3A_186 = arith.mulf %mul3A_185, %mul3A_182 : vector<16xf32>
      %mul3A_187 = arith.mulf %mul3A_186, %mul3A_182 : vector<16xf32>
      %sub3A_188 = arith.constant 1.500000e+00 : f32
      %sub3A_189 = vector.broadcast %sub3A_188 : f32 to vector<16xf32>
      %sub3A_190 = arith.subf %sub3A_189, %mul3A_187 : vector<16xf32>
      %mul3A_191 = arith.mulf %mul3A_182, %sub3A_190 : vector<16xf32>
      %mul3A_192 = arith.mulf %add3A_159, %mul3A_191 : vector<16xf32>
      %add3A_193 = arith.addf %scan3A_148, %mul3A_192 : vector<16xf32>
      scf.yield %add3A_193 : vector<16xf32>
    }
    %scan3A_122 = arith.constant 4 : i32
    %add3A_123 = arith.constant 8192 : i32
    %add3A_124 = arith.addi %add3A_123, %mul3A_2 : i32
    %add3A_125 = arith.constant 192 : i32
    %add3A_126 = arith.addi %add3A_124, %add3A_125 : i32
    %dma_wait3A_127 = arith.constant 0 : i32
    %dma_wait3A_128 = tpu.memref_slice %arg2[%add3A_126, %dma_wait3A_127] : memref<16384x256xf32, #tpu.memory_space<hbm>> -> memref<64x256xf32, #tpu.memory_space<hbm>>
    %dma_wait3A_129 = arith.constant 0 : i32
    %dma_wait3A_130 = tpu.memref_slice %arg2[%add3A_126, %dma_wait3A_129] : memref<16384x256xf32, #tpu.memory_space<hbm>> -> memref<64x256xf32, #tpu.memory_space<hbm>>
    tpu.wait_dma2 semaphore(%arg13 : memref<!tpu.dma_semaphore, #tpu.memory_space<semaphore_mem>>) src(%dma_wait3A_130 : memref<64x256xf32, #tpu.memory_space<hbm>>) dst(%arg8 : memref<64x256xf32, #tpu.memory_space<vmem>>)
    %dma_wait3A_131 = arith.constant 192 : i32
    %dma_wait3A_132 = tpu.memref_slice %arg6[%dma_wait3A_131] : memref<256xi32, #tpu.memory_space<vmem>> -> memref<64xi32, #tpu.memory_space<vmem>>
    %dma_wait3A_133 = arith.constant 0 : i32
    %dma_wait3A_134 = arith.constant 0 : i32
    %dma_wait3A_135 = tpu.memref_slice %arg4[%dma_wait3A_133, %dma_wait3A_134] : memref<1024x256xf32, #tpu.memory_space<hbm>> -> memref<1024x256xf32, #tpu.memory_space<hbm>>
    tpu.wait_indirect_dma semaphore(%arg15 : memref<!tpu.dma_semaphore, #tpu.memory_space<semaphore_mem>>) src(%dma_wait3A_135 : memref<1024x256xf32, #tpu.memory_space<hbm>>) dst(%arg10 : memref<64x256xf32, #tpu.memory_space<vmem>>)
    %scan3A_136 = arith.constant 0 : i32
    %scan3A_137 = arith.constant 4 : i32
    %scan3A_138 = arith.addi %scan3A_136, %scan3A_137 : i32
    %scan3A_139 = arith.constant 1 : i32
    %scan3A_140 = scf.for %scan3A_147 = %scan3A_136 to %scan3A_138 step %scan3A_139 iter_args(%scan3A_148 = %scan3A_121) -> (vector<16xf32>)  : i32 {
      %broadcast_in_dim3A_149 = arith.constant 0.000000e+00 : f32
      %broadcast_in_dim3A_150 = vector.broadcast %broadcast_in_dim3A_149 : f32 to vector<16xf32>
      %scan3A_151 = arith.constant 0 : i32
      %scan3A_152 = arith.constant 16 : i32
      %scan3A_153 = arith.addi %scan3A_151, %scan3A_152 : i32
      %scan3A_154 = arith.constant 1 : i32
      %scan3A_155 = scf.for %scan3A_194 = %scan3A_151 to %scan3A_153 step %scan3A_154 iter_args(%scan3A_195 = %broadcast_in_dim3A_150) -> (vector<16xf32>)  : i32 {
        %mul3A_196 = arith.constant 16 : i32
        %mul3A_197 = arith.muli %scan3A_147, %mul3A_196 : i32
        %add3A_198 = arith.addi %mul3A_197, %scan3A_194 : i32
        %broadcast_in_dim3A_199 = arith.constant 0.000000e+00 : f32
        %broadcast_in_dim3A_200 = vector.broadcast %broadcast_in_dim3A_199 : f32 to vector<16xf32>
        %broadcast_in_dim3A_201 = arith.constant 0.000000e+00 : f32
        %broadcast_in_dim3A_202 = vector.broadcast %broadcast_in_dim3A_201 : f32 to vector<16xf32>
        %broadcast_in_dim3A_203 = arith.constant 0.000000e+00 : f32
        %broadcast_in_dim3A_204 = vector.broadcast %broadcast_in_dim3A_203 : f32 to vector<16xf32>
        %broadcast_in_dim3A_205 = arith.constant 0.000000e+00 : f32
        %broadcast_in_dim3A_206 = vector.broadcast %broadcast_in_dim3A_205 : f32 to vector<16xf32>
        %get3A = arith.index_cast %add3A_198 : i32 to index
        %get3A_207 = arith.constant 0 : index
        %get3A_208 = tpu.vector_load %arg8[%get3A, %get3A_207] {strides = array<i32>} : memref<64x256xf32, #tpu.memory_space<vmem>>, vector<1x16xf32>,
        %get3A_209 = vector.shape_cast %get3A_208 : vector<1x16xf32> to vector<16xf32>
        %get3A_210 = arith.index_cast %add3A_198 : i32 to index
        %get3A_211 = arith.constant 0 : index
        %get3A_212 = tpu.vector_load %arg10[%get3A_210, %get3A_211] {strides = array<i32>} : memref<64x256xf32, #tpu.memory_space<vmem>>, vector<1x16xf32>,
        %get3A_213 = vector.shape_cast %get3A_212 : vector<1x16xf32> to vector<16xf32>
        %sub3A_214 = arith.subf %get3A_209, %get3A_213 : vector<16xf32>
        %mul3A_215 = arith.mulf %sub3A_214, %sub3A_214 : vector<16xf32>
        %add3A_216 = arith.addf %broadcast_in_dim3A_200, %mul3A_215 : vector<16xf32>
        %get3A_217 = arith.index_cast %add3A_198 : i32 to index
        %get3A_218 = arith.constant 16 : index
        %get3A_219 = tpu.vector_load %arg8[%get3A_217, %get3A_218] {strides = array<i32>} : memref<64x256xf32, #tpu.memory_space<vmem>>, vector<1x16xf32>,
        %get3A_220 = vector.shape_cast %get3A_219 : vector<1x16xf32> to vector<16xf32>
        %get3A_221 = arith.index_cast %add3A_198 : i32 to index
        %get3A_222 = arith.constant 16 : index
        %get3A_223 = tpu.vector_load %arg10[%get3A_221, %get3A_222] {strides = array<i32>} : memref<64x256xf32, #tpu.memory_space<vmem>>, vector<1x16xf32>,
        %get3A_224 = vector.shape_cast %get3A_223 : vector<1x16xf32> to vector<16xf32>
        %sub3A_225 = arith.subf %get3A_220, %get3A_224 : vector<16xf32>
        %mul3A_226 = arith.mulf %sub3A_225, %sub3A_225 : vector<16xf32>
        %add3A_227 = arith.addf %broadcast_in_dim3A_202, %mul3A_226 : vector<16xf32>
        %get3A_228 = arith.index_cast %add3A_198 : i32 to index
        %get3A_229 = arith.constant 32 : index
        %get3A_230 = tpu.vector_load %arg8[%get3A_228, %get3A_229] {strides = array<i32>} : memref<64x256xf32, #tpu.memory_space<vmem>>, vector<1x16xf32>,
        %get3A_231 = vector.shape_cast %get3A_230 : vector<1x16xf32> to vector<16xf32>
        %get3A_232 = arith.index_cast %add3A_198 : i32 to index
        %get3A_233 = arith.constant 32 : index
        %get3A_234 = tpu.vector_load %arg10[%get3A_232, %get3A_233] {strides = array<i32>} : memref<64x256xf32, #tpu.memory_space<vmem>>, vector<1x16xf32>,
        %get3A_235 = vector.shape_cast %get3A_234 : vector<1x16xf32> to vector<16xf32>
        %sub3A_236 = arith.subf %get3A_231, %get3A_235 : vector<16xf32>
        %mul3A_237 = arith.mulf %sub3A_236, %sub3A_236 : vector<16xf32>
        %add3A_238 = arith.addf %broadcast_in_dim3A_204, %mul3A_237 : vector<16xf32>
        %get3A_239 = arith.index_cast %add3A_198 : i32 to index
        %get3A_240 = arith.constant 48 : index
        %get3A_241 = tpu.vector_load %arg8[%get3A_239, %get3A_240] {strides = array<i32>} : memref<64x256xf32, #tpu.memory_space<vmem>>, vector<1x16xf32>,
        %get3A_242 = vector.shape_cast %get3A_241 : vector<1x16xf32> to vector<16xf32>
        %get3A_243 = arith.index_cast %add3A_198 : i32 to index
        %get3A_244 = arith.constant 48 : index
        %get3A_245 = tpu.vector_load %arg10[%get3A_243, %get3A_244] {strides = array<i32>} : memref<64x256xf32, #tpu.memory_space<vmem>>, vector<1x16xf32>,
        %get3A_246 = vector.shape_cast %get3A_245 : vector<1x16xf32> to vector<16xf32>
        %sub3A_247 = arith.subf %get3A_242, %get3A_246 : vector<16xf32>
        %mul3A_248 = arith.mulf %sub3A_247, %sub3A_247 : vector<16xf32>
        %add3A_249 = arith.addf %broadcast_in_dim3A_206, %mul3A_248 : vector<16xf32>
        %get3A_250 = arith.index_cast %add3A_198 : i32 to index
        %get3A_251 = arith.constant 64 : index
        %get3A_252 = tpu.vector_load %arg8[%get3A_250, %get3A_251] {strides = array<i32>} : memref<64x256xf32, #tpu.memory_space<vmem>>, vector<1x16xf32>,
        %get3A_253 = vector.shape_cast %get3A_252 : vector<1x16xf32> to vector<16xf32>
        %get3A_254 = arith.index_cast %add3A_198 : i32 to index
        %get3A_255 = arith.constant 64 : index
        %get3A_256 = tpu.vector_load %arg10[%get3A_254, %get3A_255] {strides = array<i32>} : memref<64x256xf32, #tpu.memory_space<vmem>>, vector<1x16xf32>,
        %get3A_257 = vector.shape_cast %get3A_256 : vector<1x16xf32> to vector<16xf32>
        %sub3A_258 = arith.subf %get3A_253, %get3A_257 : vector<16xf32>
        %mul3A_259 = arith.mulf %sub3A_258, %sub3A_258 : vector<16xf32>
        %add3A_260 = arith.addf %add3A_216, %mul3A_259 : vector<16xf32>
        %get3A_261 = arith.index_cast %add3A_198 : i32 to index
        %get3A_262 = arith.constant 80 : index
        %get3A_263 = tpu.vector_load %arg8[%get3A_261, %get3A_262] {strides = array<i32>} : memref<64x256xf32, #tpu.memory_space<vmem>>, vector<1x16xf32>,
        %get3A_264 = vector.shape_cast %get3A_263 : vector<1x16xf32> to vector<16xf32>
        %get3A_265 = arith.index_cast %add3A_198 : i32 to index
        %get3A_266 = arith.constant 80 : index
        %get3A_267 = tpu.vector_load %arg10[%get3A_265, %get3A_266] {strides = array<i32>} : memref<64x256xf32, #tpu.memory_space<vmem>>, vector<1x16xf32>,
        %get3A_268 = vector.shape_cast %get3A_267 : vector<1x16xf32> to vector<16xf32>
        %sub3A_269 = arith.subf %get3A_264, %get3A_268 : vector<16xf32>
        %mul3A_270 = arith.mulf %sub3A_269, %sub3A_269 : vector<16xf32>
        %add3A_271 = arith.addf %add3A_227, %mul3A_270 : vector<16xf32>
        %get3A_272 = arith.index_cast %add3A_198 : i32 to index
        %get3A_273 = arith.constant 96 : index
        %get3A_274 = tpu.vector_load %arg8[%get3A_272, %get3A_273] {strides = array<i32>} : memref<64x256xf32, #tpu.memory_space<vmem>>, vector<1x16xf32>,
        %get3A_275 = vector.shape_cast %get3A_274 : vector<1x16xf32> to vector<16xf32>
        %get3A_276 = arith.index_cast %add3A_198 : i32 to index
        %get3A_277 = arith.constant 96 : index
        %get3A_278 = tpu.vector_load %arg10[%get3A_276, %get3A_277] {strides = array<i32>} : memref<64x256xf32, #tpu.memory_space<vmem>>, vector<1x16xf32>,
        %get3A_279 = vector.shape_cast %get3A_278 : vector<1x16xf32> to vector<16xf32>
        %sub3A_280 = arith.subf %get3A_275, %get3A_279 : vector<16xf32>
        %mul3A_281 = arith.mulf %sub3A_280, %sub3A_280 : vector<16xf32>
        %add3A_282 = arith.addf %add3A_238, %mul3A_281 : vector<16xf32>
        %get3A_283 = arith.index_cast %add3A_198 : i32 to index
        %get3A_284 = arith.constant 112 : index
        %get3A_285 = tpu.vector_load %arg8[%get3A_283, %get3A_284] {strides = array<i32>} : memref<64x256xf32, #tpu.memory_space<vmem>>, vector<1x16xf32>,
        %get3A_286 = vector.shape_cast %get3A_285 : vector<1x16xf32> to vector<16xf32>
        %get3A_287 = arith.index_cast %add3A_198 : i32 to index
        %get3A_288 = arith.constant 112 : index
        %get3A_289 = tpu.vector_load %arg10[%get3A_287, %get3A_288] {strides = array<i32>} : memref<64x256xf32, #tpu.memory_space<vmem>>, vector<1x16xf32>,
        %get3A_290 = vector.shape_cast %get3A_289 : vector<1x16xf32> to vector<16xf32>
        %sub3A_291 = arith.subf %get3A_286, %get3A_290 : vector<16xf32>
        %mul3A_292 = arith.mulf %sub3A_291, %sub3A_291 : vector<16xf32>
        %add3A_293 = arith.addf %add3A_249, %mul3A_292 : vector<16xf32>
        %get3A_294 = arith.index_cast %add3A_198 : i32 to index
        %get3A_295 = arith.constant 128 : index
        %get3A_296 = tpu.vector_load %arg8[%get3A_294, %get3A_295] {strides = array<i32>} : memref<64x256xf32, #tpu.memory_space<vmem>>, vector<1x16xf32>,
        %get3A_297 = vector.shape_cast %get3A_296 : vector<1x16xf32> to vector<16xf32>
        %get3A_298 = arith.index_cast %add3A_198 : i32 to index
        %get3A_299 = arith.constant 128 : index
        %get3A_300 = tpu.vector_load %arg10[%get3A_298, %get3A_299] {strides = array<i32>} : memref<64x256xf32, #tpu.memory_space<vmem>>, vector<1x16xf32>,
        %get3A_301 = vector.shape_cast %get3A_300 : vector<1x16xf32> to vector<16xf32>
        %sub3A_302 = arith.subf %get3A_297, %get3A_301 : vector<16xf32>
        %mul3A_303 = arith.mulf %sub3A_302, %sub3A_302 : vector<16xf32>
        %add3A_304 = arith.addf %add3A_260, %mul3A_303 : vector<16xf32>
        %get3A_305 = arith.index_cast %add3A_198 : i32 to index
        %get3A_306 = arith.constant 144 : index
        %get3A_307 = tpu.vector_load %arg8[%get3A_305, %get3A_306] {strides = array<i32>} : memref<64x256xf32, #tpu.memory_space<vmem>>, vector<1x16xf32>,
        %get3A_308 = vector.shape_cast %get3A_307 : vector<1x16xf32> to vector<16xf32>
        %get3A_309 = arith.index_cast %add3A_198 : i32 to index
        %get3A_310 = arith.constant 144 : index
        %get3A_311 = tpu.vector_load %arg10[%get3A_309, %get3A_310] {strides = array<i32>} : memref<64x256xf32, #tpu.memory_space<vmem>>, vector<1x16xf32>,
        %get3A_312 = vector.shape_cast %get3A_311 : vector<1x16xf32> to vector<16xf32>
        %sub3A_313 = arith.subf %get3A_308, %get3A_312 : vector<16xf32>
        %mul3A_314 = arith.mulf %sub3A_313, %sub3A_313 : vector<16xf32>
        %add3A_315 = arith.addf %add3A_271, %mul3A_314 : vector<16xf32>
        %get3A_316 = arith.index_cast %add3A_198 : i32 to index
        %get3A_317 = arith.constant 160 : index
        %get3A_318 = tpu.vector_load %arg8[%get3A_316, %get3A_317] {strides = array<i32>} : memref<64x256xf32, #tpu.memory_space<vmem>>, vector<1x16xf32>,
        %get3A_319 = vector.shape_cast %get3A_318 : vector<1x16xf32> to vector<16xf32>
        %get3A_320 = arith.index_cast %add3A_198 : i32 to index
        %get3A_321 = arith.constant 160 : index
        %get3A_322 = tpu.vector_load %arg10[%get3A_320, %get3A_321] {strides = array<i32>} : memref<64x256xf32, #tpu.memory_space<vmem>>, vector<1x16xf32>,
        %get3A_323 = vector.shape_cast %get3A_322 : vector<1x16xf32> to vector<16xf32>
        %sub3A_324 = arith.subf %get3A_319, %get3A_323 : vector<16xf32>
        %mul3A_325 = arith.mulf %sub3A_324, %sub3A_324 : vector<16xf32>
        %add3A_326 = arith.addf %add3A_282, %mul3A_325 : vector<16xf32>
        %get3A_327 = arith.index_cast %add3A_198 : i32 to index
        %get3A_328 = arith.constant 176 : index
        %get3A_329 = tpu.vector_load %arg8[%get3A_327, %get3A_328] {strides = array<i32>} : memref<64x256xf32, #tpu.memory_space<vmem>>, vector<1x16xf32>,
        %get3A_330 = vector.shape_cast %get3A_329 : vector<1x16xf32> to vector<16xf32>
        %get3A_331 = arith.index_cast %add3A_198 : i32 to index
        %get3A_332 = arith.constant 176 : index
        %get3A_333 = tpu.vector_load %arg10[%get3A_331, %get3A_332] {strides = array<i32>} : memref<64x256xf32, #tpu.memory_space<vmem>>, vector<1x16xf32>,
        %get3A_334 = vector.shape_cast %get3A_333 : vector<1x16xf32> to vector<16xf32>
        %sub3A_335 = arith.subf %get3A_330, %get3A_334 : vector<16xf32>
        %mul3A_336 = arith.mulf %sub3A_335, %sub3A_335 : vector<16xf32>
        %add3A_337 = arith.addf %add3A_293, %mul3A_336 : vector<16xf32>
        %get3A_338 = arith.index_cast %add3A_198 : i32 to index
        %get3A_339 = arith.constant 192 : index
        %get3A_340 = tpu.vector_load %arg8[%get3A_338, %get3A_339] {strides = array<i32>} : memref<64x256xf32, #tpu.memory_space<vmem>>, vector<1x16xf32>,
        %get3A_341 = vector.shape_cast %get3A_340 : vector<1x16xf32> to vector<16xf32>
        %get3A_342 = arith.index_cast %add3A_198 : i32 to index
        %get3A_343 = arith.constant 192 : index
        %get3A_344 = tpu.vector_load %arg10[%get3A_342, %get3A_343] {strides = array<i32>} : memref<64x256xf32, #tpu.memory_space<vmem>>, vector<1x16xf32>,
        %get3A_345 = vector.shape_cast %get3A_344 : vector<1x16xf32> to vector<16xf32>
        %sub3A_346 = arith.subf %get3A_341, %get3A_345 : vector<16xf32>
        %mul3A_347 = arith.mulf %sub3A_346, %sub3A_346 : vector<16xf32>
        %add3A_348 = arith.addf %add3A_304, %mul3A_347 : vector<16xf32>
        %get3A_349 = arith.index_cast %add3A_198 : i32 to index
        %get3A_350 = arith.constant 208 : index
        %get3A_351 = tpu.vector_load %arg8[%get3A_349, %get3A_350] {strides = array<i32>} : memref<64x256xf32, #tpu.memory_space<vmem>>, vector<1x16xf32>,
        %get3A_352 = vector.shape_cast %get3A_351 : vector<1x16xf32> to vector<16xf32>
        %get3A_353 = arith.index_cast %add3A_198 : i32 to index
        %get3A_354 = arith.constant 208 : index
        %get3A_355 = tpu.vector_load %arg10[%get3A_353, %get3A_354] {strides = array<i32>} : memref<64x256xf32, #tpu.memory_space<vmem>>, vector<1x16xf32>,
        %get3A_356 = vector.shape_cast %get3A_355 : vector<1x16xf32> to vector<16xf32>
        %sub3A_357 = arith.subf %get3A_352, %get3A_356 : vector<16xf32>
        %mul3A_358 = arith.mulf %sub3A_357, %sub3A_357 : vector<16xf32>
        %add3A_359 = arith.addf %add3A_315, %mul3A_358 : vector<16xf32>
        %get3A_360 = arith.index_cast %add3A_198 : i32 to index
        %get3A_361 = arith.constant 224 : index
        %get3A_362 = tpu.vector_load %arg8[%get3A_360, %get3A_361] {strides = array<i32>} : memref<64x256xf32, #tpu.memory_space<vmem>>, vector<1x16xf32>,
        %get3A_363 = vector.shape_cast %get3A_362 : vector<1x16xf32> to vector<16xf32>
        %get3A_364 = arith.index_cast %add3A_198 : i32 to index
        %get3A_365 = arith.constant 224 : index
        %get3A_366 = tpu.vector_load %arg10[%get3A_364, %get3A_365] {strides = array<i32>} : memref<64x256xf32, #tpu.memory_space<vmem>>, vector<1x16xf32>,
        %get3A_367 = vector.shape_cast %get3A_366 : vector<1x16xf32> to vector<16xf32>
        %sub3A_368 = arith.subf %get3A_363, %get3A_367 : vector<16xf32>
        %mul3A_369 = arith.mulf %sub3A_368, %sub3A_368 : vector<16xf32>
        %add3A_370 = arith.addf %add3A_326, %mul3A_369 : vector<16xf32>
        %get3A_371 = arith.index_cast %add3A_198 : i32 to index
        %get3A_372 = arith.constant 240 : index
        %get3A_373 = tpu.vector_load %arg8[%get3A_371, %get3A_372] {strides = array<i32>} : memref<64x256xf32, #tpu.memory_space<vmem>>, vector<1x16xf32>,
        %get3A_374 = vector.shape_cast %get3A_373 : vector<1x16xf32> to vector<16xf32>
        %get3A_375 = arith.index_cast %add3A_198 : i32 to index
        %get3A_376 = arith.constant 240 : index
        %get3A_377 = tpu.vector_load %arg10[%get3A_375, %get3A_376] {strides = array<i32>} : memref<64x256xf32, #tpu.memory_space<vmem>>, vector<1x16xf32>,
        %get3A_378 = vector.shape_cast %get3A_377 : vector<1x16xf32> to vector<16xf32>
        %sub3A_379 = arith.subf %get3A_374, %get3A_378 : vector<16xf32>
        %mul3A_380 = arith.mulf %sub3A_379, %sub3A_379 : vector<16xf32>
        %add3A_381 = arith.addf %add3A_337, %mul3A_380 : vector<16xf32>
        %add3A_382 = arith.addf %add3A_348, %add3A_359 : vector<16xf32>
        %add3A_383 = arith.addf %add3A_370, %add3A_381 : vector<16xf32>
        %add3A_384 = arith.addf %add3A_382, %add3A_383 : vector<16xf32>
        %lt3A = arith.constant 0 : i32
        %lt3A_385 = vector.broadcast %lt3A : i32 to vector<16xi32>
        %lt3A_386 = arith.cmpi slt, %xor3A_6, %lt3A_385 : vector<16xi32>
        %add3A_387 = arith.constant 16 : i32
        %add3A_388 = vector.broadcast %add3A_387 : i32 to vector<16xi32>
        %add3A_389 = arith.addi %xor3A_6, %add3A_388 : vector<16xi32>
        %select_n3A = arith.select %lt3A_386, %add3A_389, %xor3A_6 : vector<16xi1>, vector<16xi32>
        %broadcast_in_dim3A_390 = vector.shape_cast %select_n3A : vector<16xi32> to vector<16x1xi32>
        %gather3A = vector.shape_cast %broadcast_in_dim3A_390 : vector<16x1xi32> to vector<16xi32>
        %gather3A_391 = tpu.dynamic_gather %add3A_384[%gather3A] in [0] : vector<16xf32>, vector<16xi32> -> vector<16xf32>
        %add3A_392 = arith.addf %add3A_384, %gather3A_391 : vector<16xf32>
        %lt3A_393 = arith.constant 0 : i32
        %lt3A_394 = vector.broadcast %lt3A_393 : i32 to vector<16xi32>
        %lt3A_395 = arith.cmpi slt, %xor3A_9, %lt3A_394 : vector<16xi32>
        %add3A_396 = arith.constant 16 : i32
        %add3A_397 = vector.broadcast %add3A_396 : i32 to vector<16xi32>
        %add3A_398 = arith.addi %xor3A_9, %add3A_397 : vector<16xi32>
        %select_n3A_399 = arith.select %lt3A_395, %add3A_398, %xor3A_9 : vector<16xi1>, vector<16xi32>
        %broadcast_in_dim3A_400 = vector.shape_cast %select_n3A_399 : vector<16xi32> to vector<16x1xi32>
        %gather3A_401 = vector.shape_cast %broadcast_in_dim3A_400 : vector<16x1xi32> to vector<16xi32>
        %gather3A_402 = tpu.dynamic_gather %add3A_392[%gather3A_401] in [0] : vector<16xf32>, vector<16xi32> -> vector<16xf32>
        %add3A_403 = arith.addf %add3A_392, %gather3A_402 : vector<16xf32>
        %lt3A_404 = arith.constant 0 : i32
        %lt3A_405 = vector.broadcast %lt3A_404 : i32 to vector<16xi32>
        %lt3A_406 = arith.cmpi slt, %xor3A_12, %lt3A_405 : vector<16xi32>
        %add3A_407 = arith.constant 16 : i32
        %add3A_408 = vector.broadcast %add3A_407 : i32 to vector<16xi32>
        %add3A_409 = arith.addi %xor3A_12, %add3A_408 : vector<16xi32>
        %select_n3A_410 = arith.select %lt3A_406, %add3A_409, %xor3A_12 : vector<16xi1>, vector<16xi32>
        %broadcast_in_dim3A_411 = vector.shape_cast %select_n3A_410 : vector<16xi32> to vector<16x1xi32>
        %gather3A_412 = vector.shape_cast %broadcast_in_dim3A_411 : vector<16x1xi32> to vector<16xi32>
        %gather3A_413 = tpu.dynamic_gather %add3A_403[%gather3A_412] in [0] : vector<16xf32>, vector<16xi32> -> vector<16xf32>
        %add3A_414 = arith.addf %add3A_403, %gather3A_413 : vector<16xf32>
        %lt3A_415 = arith.constant 0 : i32
        %lt3A_416 = vector.broadcast %lt3A_415 : i32 to vector<16xi32>
        %lt3A_417 = arith.cmpi slt, %xor3A_15, %lt3A_416 : vector<16xi32>
        %add3A_418 = arith.constant 16 : i32
        %add3A_419 = vector.broadcast %add3A_418 : i32 to vector<16xi32>
        %add3A_420 = arith.addi %xor3A_15, %add3A_419 : vector<16xi32>
        %select_n3A_421 = arith.select %lt3A_417, %add3A_420, %xor3A_15 : vector<16xi1>, vector<16xi32>
        %broadcast_in_dim3A_422 = vector.shape_cast %select_n3A_421 : vector<16xi32> to vector<16x1xi32>
        %gather3A_423 = vector.shape_cast %broadcast_in_dim3A_422 : vector<16x1xi32> to vector<16xi32>
        %gather3A_424 = tpu.dynamic_gather %add3A_414[%gather3A_423] in [0] : vector<16xf32>, vector<16xi32> -> vector<16xf32>
        %add3A_425 = arith.addf %add3A_414, %gather3A_424 : vector<16xf32>
        %broadcast_in_dim3A_426 = vector.broadcast %scan3A_194 : i32 to vector<16xi32>
        %eq3A = arith.cmpi eq, %iota3A, %broadcast_in_dim3A_426 : vector<16xi32>
        %select_n3A_427 = arith.select %eq3A, %add3A_425, %scan3A_195 : vector<16xi1>, vector<16xf32>
        scf.yield %select_n3A_427 : vector<16xf32>
      }
      %scan3A_156 = arith.constant 16 : i32
      %add3A_157 = arith.constant 1.000000e-30 : f32
      %add3A_158 = vector.broadcast %add3A_157 : f32 to vector<16xf32>
      %add3A_159 = arith.addf %scan3A_155, %add3A_158 : vector<16xf32>
      %bitcast_convert_type3A = tpu.bitcast %add3A_159 : vector<16xf32> -> vector<16xi32>
      %shift_right_logical3A = arith.constant 1 : i32
      %shift_right_logical3A_160 = vector.broadcast %shift_right_logical3A : i32 to vector<16xi32>
      %shift_right_logical3A_161 = arith.shrui %bitcast_convert_type3A, %shift_right_logical3A_160 : vector<16xi32>
      %sub3A = arith.constant 1597463007 : i32
      %sub3A_162 = vector.broadcast %sub3A : i32 to vector<16xi32>
      %sub3A_163 = arith.subi %sub3A_162, %shift_right_logical3A_161 : vector<16xi32>
      %bitcast_convert_type3A_164 = tpu.bitcast %sub3A_163 : vector<16xi32> -> vector<16xf32>
      %mul3A_165 = arith.constant 5.000000e-01 : f32
      %mul3A_166 = vector.broadcast %mul3A_165 : f32 to vector<16xf32>
      %mul3A_167 = arith.mulf %mul3A_166, %add3A_159 : vector<16xf32>
      %mul3A_168 = arith.mulf %mul3A_167, %bitcast_convert_type3A_164 : vector<16xf32>
      %mul3A_169 = arith.mulf %mul3A_168, %bitcast_convert_type3A_164 : vector<16xf32>
      %sub3A_170 = arith.constant 1.500000e+00 : f32
      %sub3A_171 = vector.broadcast %sub3A_170 : f32 to vector<16xf32>
      %sub3A_172 = arith.subf %sub3A_171, %mul3A_169 : vector<16xf32>
      %mul3A_173 = arith.mulf %bitcast_convert_type3A_164, %sub3A_172 : vector<16xf32>
      %mul3A_174 = arith.constant 5.000000e-01 : f32
      %mul3A_175 = vector.broadcast %mul3A_174 : f32 to vector<16xf32>
      %mul3A_176 = arith.mulf %mul3A_175, %add3A_159 : vector<16xf32>
      %mul3A_177 = arith.mulf %mul3A_176, %mul3A_173 : vector<16xf32>
      %mul3A_178 = arith.mulf %mul3A_177, %mul3A_173 : vector<16xf32>
      %sub3A_179 = arith.constant 1.500000e+00 : f32
      %sub3A_180 = vector.broadcast %sub3A_179 : f32 to vector<16xf32>
      %sub3A_181 = arith.subf %sub3A_180, %mul3A_178 : vector<16xf32>
      %mul3A_182 = arith.mulf %mul3A_173, %sub3A_181 : vector<16xf32>
      %mul3A_183 = arith.constant 5.000000e-01 : f32
      %mul3A_184 = vector.broadcast %mul3A_183 : f32 to vector<16xf32>
      %mul3A_185 = arith.mulf %mul3A_184, %add3A_159 : vector<16xf32>
      %mul3A_186 = arith.mulf %mul3A_185, %mul3A_182 : vector<16xf32>
      %mul3A_187 = arith.mulf %mul3A_186, %mul3A_182 : vector<16xf32>
      %sub3A_188 = arith.constant 1.500000e+00 : f32
      %sub3A_189 = vector.broadcast %sub3A_188 : f32 to vector<16xf32>
      %sub3A_190 = arith.subf %sub3A_189, %mul3A_187 : vector<16xf32>
      %mul3A_191 = arith.mulf %mul3A_182, %sub3A_190 : vector<16xf32>
      %mul3A_192 = arith.mulf %add3A_159, %mul3A_191 : vector<16xf32>
      %add3A_193 = arith.addf %scan3A_148, %mul3A_192 : vector<16xf32>
      scf.yield %add3A_193 : vector<16xf32>
    }
    %scan3A_141 = arith.constant 4 : i32
    %swap3A = arith.constant 0 : index
    %swap3A_142 = tpu.vector_load %arg11[%swap3A] {strides = array<i32>} : memref<16xf32, #tpu.memory_space<vmem>>, vector<16xf32>,
    %swap3A_143 = vector.shape_cast %swap3A_142 : vector<16xf32> to vector<16xf32>
    %swap3A_144 = vector.shape_cast %scan3A_140 : vector<16xf32> to vector<16xf32>
    tpu.vector_store %arg11[%swap3A], %swap3A_144 {strides = array<i32>} : memref<16xf32, #tpu.memory_space<vmem>>, vector<16xf32>,
    %mul3A_145 = arith.constant 16 : i32
    %mul3A_146 = arith.muli %add3A, %mul3A_145 : i32
    "tpu.region"() ({
      %run_scoped3A = tpu.sem_alloc : memref<!tpu.dma_semaphore, #tpu.memory_space<semaphore_mem>>
      %dma_start3A_147 = tpu.memref_slice %arg5[%mul3A_146] : memref<512xf32, #tpu.memory_space<hbm>> -> memref<16xf32, #tpu.memory_space<hbm>>
      %dma_start3A_148 = tpu.memref_slice %arg5[%mul3A_146] : memref<512xf32, #tpu.memory_space<hbm>> -> memref<16xf32, #tpu.memory_space<hbm>>
      tpu.enqueue_dma source(%arg11 : memref<16xf32, #tpu.memory_space<vmem>>) target(%dma_start3A_148 : memref<16xf32, #tpu.memory_space<hbm>>) target_semaphore(%run_scoped3A : memref<!tpu.dma_semaphore, #tpu.memory_space<semaphore_mem>>)
      %dma_wait3A_149 = tpu.memref_slice %arg5[%mul3A_146] : memref<512xf32, #tpu.memory_space<hbm>> -> memref<16xf32, #tpu.memory_space<hbm>>
      %dma_wait3A_150 = tpu.memref_slice %arg5[%mul3A_146] : memref<512xf32, #tpu.memory_space<hbm>> -> memref<16xf32, #tpu.memory_space<hbm>>
      tpu.wait_dma2 semaphore(%run_scoped3A : memref<!tpu.dma_semaphore, #tpu.memory_space<semaphore_mem>>) src(%arg11 : memref<16xf32, #tpu.memory_space<vmem>>) dst(%dma_wait3A_150 : memref<16xf32, #tpu.memory_space<hbm>>)
      tpu.yield
    }) : () -> ()
    return
  }
}

module attributes {stable_mosaic.version = 14 : i64} {
  func.func @body(%arg0: memref<4x128xf32, #tpu.memory_space<vmem>>, %arg1: memref<1x1xf32, #tpu.memory_space<vmem>>, %arg2: memref<1x1xf32, #tpu.memory_space<vmem>>, %arg3: memref<1x1xf32, #tpu.memory_space<vmem>>) attributes {dimension_semantics = [], scalar_prefetch = 0 : i64, scratch_operands = 0 : i64, tpu.core_type = #tpu.core_type<tc>} {
    %get3A = arith.constant 0 : index
    %get3A_0 = arith.constant 0 : index
    %get3A_1 = vector.load %arg0[%get3A, %get3A_0] : memref<4x128xf32, #tpu.memory_space<vmem>>, vector<4x128xf32>
    %reduce_sum3A = vector.shape_cast %get3A_1 : vector<4x128xf32> to vector<1x4x128xf32>
    %reduce_sum3A_2 = arith.constant dense<0.000000e+00> : vector<1xf32>
    %reduce_sum3A_3 = vector.multi_reduction <add>, %reduce_sum3A, %reduce_sum3A_2 [1, 2] : vector<1x4x128xf32> to vector<1xf32>
    %reduce_sum3A_4 = vector.shape_cast %reduce_sum3A_3 : vector<1xf32> to vector<1x1x1xf32>
    %reduce_sum3A_5 = vector.extract %reduce_sum3A_4[0, 0, 0] : f32 from vector<1x1x1xf32>
    %get3A_6 = arith.constant 0 : index
    %get3A_7 = arith.constant 0 : index
    %get3A_8 = vector.load %arg1[%get3A_6, %get3A_7] : memref<1x1xf32, #tpu.memory_space<vmem>>, vector<1x1xf32>
    %get3A_9 = vector.extract %get3A_8[0, 0] : f32 from vector<1x1xf32>
    %add3A = arith.addf %reduce_sum3A_5, %get3A_9 : f32
    %mul3A = arith.constant 5.000000e-01 : f32
    %mul3A_10 = arith.mulf %mul3A, %add3A : f32
    %div3A = arith.constant 1.638400e+04 : f32
    %div3A_11 = arith.divf %mul3A_10, %div3A : f32
    %get3A_12 = arith.constant 0 : index
    %get3A_13 = arith.constant 0 : index
    %get3A_14 = vector.load %arg2[%get3A_12, %get3A_13] : memref<1x1xf32, #tpu.memory_space<vmem>>, vector<1x1xf32>
    %get3A_15 = vector.extract %get3A_14[0, 0] : f32 from vector<1x1xf32>
    %add3A_16 = arith.addf %div3A_11, %get3A_15 : f32
    %mul3A_17 = arith.constant 5.000000e-01 : f32
    %mul3A_18 = arith.mulf %mul3A_17, %add3A_16 : f32
    %reshape3A = vector.broadcast %mul3A_18 : f32 to vector<1x1xf32>
    %swap3A = arith.constant 0 : index
    %swap3A_19 = arith.constant 0 : index
    %swap3A_20 = vector.load %arg3[%swap3A, %swap3A_19] : memref<1x1xf32, #tpu.memory_space<vmem>>, vector<1x1xf32>
    tpu.vector_store %arg3[%swap3A, %swap3A_19], %reshape3A {strides = array<i32>} : memref<1x1xf32, #tpu.memory_space<vmem>>, vector<1x1xf32>,
    return
  }
}

module attributes {stable_mosaic.version = 14 : i64} {
  func.func @body(%arg0: i32, %arg1: memref<1024x256xf32, #tpu.memory_space<vmem>>, %arg2: memref<1x1x1024xi32, #tpu.memory_space<vmem>>, %arg3: memref<1024x256xbf16, #tpu.memory_space<vmem>>, %arg4: memref<1023x128xf32, #tpu.memory_space<vmem>>, %arg5: memref<1x1xf32, #tpu.memory_space<vmem>>, %arg6: memref<1x1xf32, #tpu.memory_space<vmem>>) attributes {dimension_semantics = [#tpu.dimension_semantics<arbitrary>], iteration_bounds = array<i64: 8>, scalar_prefetch = 0 : i64, scratch_operands = 0 : i64, tpu.core_type = #tpu.core_type<tc>, window_params = [{transform_indices = @transform_0, window_bounds = array<i64: 1024, 256>}, {transform_indices = @transform_1, window_bounds = array<i64: 1, 1, 1024>}, {pipeline_mode = #tpu.pipeline_mode<synchronous>, transform_indices = @transform_2, window_bounds = array<i64: 1024, 256>}, {transform_indices = @transform_3, window_bounds = array<i64: 1023, 128>}, {pipeline_mode = #tpu.pipeline_mode<synchronous>, transform_indices = @transform_4, window_bounds = array<i64: 1, 1>}, {pipeline_mode = #tpu.pipeline_mode<synchronous>, transform_indices = @transform_5, window_bounds = array<i64: 1, 1>}]} {
    %get3A = arith.constant 0 : index
    %get3A_0 = arith.constant 0 : index
    %get3A_1 = arith.constant 0 : index
    %get3A_2 = vector.load %arg2[%get3A, %get3A_0, %get3A_1] : memref<1x1x1024xi32, #tpu.memory_space<vmem>>, vector<1x1x1024xi32>
    %reshape3A = vector.shape_cast %get3A_2 : vector<1x1x1024xi32> to vector<1x1024xi32>
    %iota3A = tpu.iota {dimensions = array<i32: 0>} : vector<1024x1024xi32>
    %eq3A = vector.broadcast %reshape3A : vector<1x1024xi32> to vector<1024x1024xi32>
    %eq3A_3 = arith.cmpi eq, %iota3A, %eq3A : vector<1024x1024xi32>
    %jit3A = arith.constant 1.000000e+00 : f32
    %jit3A_4 = arith.constant 0.000000e+00 : f32
    %broadcast_in_dim3A = vector.broadcast %jit3A : f32 to vector<1024x1024xf32>
    %broadcast_in_dim3A_5 = vector.broadcast %jit3A_4 : f32 to vector<1024x1024xf32>
    %select_n3A = arith.select %eq3A_3, %broadcast_in_dim3A, %broadcast_in_dim3A_5 : vector<1024x1024xi1>, vector<1024x1024xf32>
    %convert_element_type3A = arith.truncf %select_n3A : vector<1024x1024xf32> to vector<1024x1024xbf16>
    %get3A_6 = arith.constant 0 : index
    %get3A_7 = arith.constant 0 : index
    %get3A_8 = vector.load %arg3[%get3A_6, %get3A_7] : memref<1024x256xbf16, #tpu.memory_space<vmem>>, vector<1024x256xbf16>
    %dot_general3A = arith.constant dense<0.000000e+00> : vector<1024x256xf32>
    %dot_general3A_9 = tpu.matmul %convert_element_type3A, %get3A_8, %dot_general3A {dimension_numbers = #tpu.dot_dimension_numbers<[0], [0], [1], [1], [0, 1, 1, 1], [], []>, transpose_lhs_hint = false} : vector<1024x1024xbf16>, vector<1024x256xbf16>, vector<1024x256xf32> -> vector<1024x256xf32>
    %get3A_10 = arith.constant 0 : index
    %get3A_11 = arith.constant 0 : index
    %get3A_12 = vector.load %arg1[%get3A_10, %get3A_11] : memref<1024x256xf32, #tpu.memory_space<vmem>>, vector<1024x256xf32>
    %sub3A = arith.subf %get3A_12, %dot_general3A_9 : vector<1024x256xf32>
    %mul3A = arith.mulf %sub3A, %sub3A : vector<1024x256xf32>
    %reduce_sum3A = arith.constant dense<0.000000e+00> : vector<1024xf32>
    %reduce_sum3A_13 = vector.multi_reduction <add>, %mul3A, %reduce_sum3A [1] : vector<1024x256xf32> to vector<1024xf32>
    %broadcast_in_dim3A_14 = vector.shape_cast %reduce_sum3A_13 : vector<1024xf32> to vector<1024x1xf32>
    %sqrt3A = math.sqrt %broadcast_in_dim3A_14 : vector<1024x1xf32>
    %reduce_sum3A_15 = vector.shape_cast %sqrt3A : vector<1024x1xf32> to vector<1x1024x1xf32>
    %reduce_sum3A_16 = arith.constant dense<0.000000e+00> : vector<1xf32>
    %reduce_sum3A_17 = vector.multi_reduction <add>, %reduce_sum3A_15, %reduce_sum3A_16 [1, 2] : vector<1x1024x1xf32> to vector<1xf32>
    %reduce_sum3A_18 = vector.shape_cast %reduce_sum3A_17 : vector<1xf32> to vector<1x1x1xf32>
    %reduce_sum3A_19 = vector.extract %reduce_sum3A_18[0, 0, 0] : f32 from vector<1x1x1xf32>
    %reshape3A_20 = vector.broadcast %reduce_sum3A_19 : f32 to vector<1x1xf32>
    %eq3A_21 = arith.constant 0 : i32
    %eq3A_22 = arith.cmpi eq, %arg0, %eq3A_21 : i32
    %convert_element_type3A_23 = arith.extui %eq3A_22 : i1 to i32
    %cond3A = arith.constant 0 : i32
    %cond3A_24 = arith.cmpi ne, %convert_element_type3A_23, %cond3A : i32
    scf.if %cond3A_24 {
      %swap3A = arith.constant 0 : index
      %swap3A_29 = arith.constant 0 : index
      %swap3A_30 = vector.load %arg5[%swap3A, %swap3A_29] : memref<1x1xf32, #tpu.memory_space<vmem>>, vector<1x1xf32>
      tpu.vector_store %arg5[%swap3A, %swap3A_29], %reshape3A_20 {strides = array<i32>} : memref<1x1xf32, #tpu.memory_space<vmem>>, vector<1x1xf32>,
      %get3A_31 = arith.constant 0 : index
      %get3A_32 = arith.constant 1 : index
      %get3A_33 = vector.load %arg4[%get3A_31, %get3A_32] : memref<1023x128xf32, #tpu.memory_space<vmem>>, vector<1023x1xf32>
      %get3A_34 = arith.constant 0 : index
      %get3A_35 = arith.constant 2 : index
      %get3A_36 = vector.load %arg4[%get3A_34, %get3A_35] : memref<1023x128xf32, #tpu.memory_space<vmem>>, vector<1023x1xf32>
      %get3A_37 = arith.constant 0 : index
      %get3A_38 = arith.constant 3 : index
      %get3A_39 = vector.load %arg4[%get3A_37, %get3A_38] : memref<1023x128xf32, #tpu.memory_space<vmem>>, vector<1x1xf32>
      %iota3A_40 = tpu.iota {dimensions = array<i32: 0>} : vector<1023x1xi32>
      %broadcast_in_dim3A_41 = arith.constant 1.000000e+30 : f32
      %broadcast_in_dim3A_42 = vector.broadcast %broadcast_in_dim3A_41 : f32 to vector<1x1xf32>
      %lt3A = arith.constant 1022 : i32
      %lt3A_43 = vector.broadcast %lt3A : i32 to vector<1023x1xi32>
      %lt3A_44 = arith.cmpi slt, %iota3A_40, %lt3A_43 : vector<1023x1xi32>
      %jit3A_45 = arith.constant 1.000000e+30 : f32
      %broadcast_in_dim3A_46 = vector.broadcast %jit3A_45 : f32 to vector<1023x1xf32>
      %select_n3A_47 = arith.select %lt3A_44, %get3A_36, %broadcast_in_dim3A_46 : vector<1023x1xi1>, vector<1023x1xf32>
      %concatenate3A = tpu.concatenate %select_n3A_47, %broadcast_in_dim3A_42 in 0 : vector<1023x1xf32>, vector<1x1xf32> -> vector<1024x1xf32>
      %neg3A = arith.constant 0.000000e+00 : f32
      %neg3A_48 = vector.broadcast %neg3A : f32 to vector<1x1xf32>
      %neg3A_49 = arith.subf %neg3A_48, %broadcast_in_dim3A_42 : vector<1x1xf32>
      %concatenate3A_50 = tpu.concatenate %get3A_33, %neg3A_49 in 0 : vector<1023x1xf32>, vector<1x1xf32> -> vector<1024x1xf32>
      %broadcast_in_dim3A_51 = arith.constant 1.000000e+00 : f32
      %broadcast_in_dim3A_52 = vector.broadcast %broadcast_in_dim3A_51 : f32 to vector<32x1xf32>
      %dot_general3A_53 = arith.constant dense<0.000000e+00> : vector<32x1024xf32>
      %dot_general3A_54 = tpu.matmul %broadcast_in_dim3A_52, %concatenate3A_50, %dot_general3A_53 {dimension_numbers = #tpu.dot_dimension_numbers<[1], [1], [0], [0], [0, 0, 1, 0], [], []>, transpose_lhs_hint = false} : vector<32x1xf32>, vector<1024x1xf32>, vector<32x1024xf32> -> vector<32x1024xf32>
      %broadcast_in_dim3A_55 = arith.constant 0.000000e+00 : f32
      %broadcast_in_dim3A_56 = vector.broadcast %broadcast_in_dim3A_55 : f32 to vector<32x1024xf32>
      %slice3A = vector.extract_strided_slice %concatenate3A {offsets = [0, 0], sizes = [32, 1], strides = [1, 1]} : vector<1024x1xf32> to vector<32x1xf32>
      %sub3A_57 = arith.constant 1.000000e+01 : f32
      %sub3A_58 = vector.broadcast %sub3A_57 : f32 to vector<32x1xf32>
      %sub3A_59 = arith.subf %sub3A_58, %slice3A : vector<32x1xf32>
      %add3A = vector.broadcast %sub3A_59 : vector<32x1xf32> to vector<32x1024xf32>
      %add3A_60 = arith.addf %add3A, %dot_general3A_54 : vector<32x1024xf32>
      %max3A = arith.constant 0.000000e+00 : f32
      %max3A_61 = vector.broadcast %max3A : f32 to vector<32x1024xf32>
      %max3A_62 = arith.maximumf %add3A_60, %max3A_61 : vector<32x1024xf32>
      %add3A_63 = arith.addf %broadcast_in_dim3A_56, %max3A_62 : vector<32x1024xf32>
      %slice3A_64 = vector.extract_strided_slice %concatenate3A {offsets = [32, 0], sizes = [32, 1], strides = [1, 1]} : vector<1024x1xf32> to vector<32x1xf32>
      %sub3A_65 = arith.constant 1.000000e+01 : f32
      %sub3A_66 = vector.broadcast %sub3A_65 : f32 to vector<32x1xf32>
      %sub3A_67 = arith.subf %sub3A_66, %slice3A_64 : vector<32x1xf32>
      %add3A_68 = vector.broadcast %sub3A_67 : vector<32x1xf32> to vector<32x1024xf32>
      %add3A_69 = arith.addf %add3A_68, %dot_general3A_54 : vector<32x1024xf32>
      %max3A_70 = arith.constant 0.000000e+00 : f32
      %max3A_71 = vector.broadcast %max3A_70 : f32 to vector<32x1024xf32>
      %max3A_72 = arith.maximumf %add3A_69, %max3A_71 : vector<32x1024xf32>
      %add3A_73 = arith.addf %add3A_63, %max3A_72 : vector<32x1024xf32>
      %slice3A_74 = vector.extract_strided_slice %concatenate3A {offsets = [64, 0], sizes = [32, 1], strides = [1, 1]} : vector<1024x1xf32> to vector<32x1xf32>
      %sub3A_75 = arith.constant 1.000000e+01 : f32
      %sub3A_76 = vector.broadcast %sub3A_75 : f32 to vector<32x1xf32>
      %sub3A_77 = arith.subf %sub3A_76, %slice3A_74 : vector<32x1xf32>
      %add3A_78 = vector.broadcast %sub3A_77 : vector<32x1xf32> to vector<32x1024xf32>
      %add3A_79 = arith.addf %add3A_78, %dot_general3A_54 : vector<32x1024xf32>
      %max3A_80 = arith.constant 0.000000e+00 : f32
      %max3A_81 = vector.broadcast %max3A_80 : f32 to vector<32x1024xf32>
      %max3A_82 = arith.maximumf %add3A_79, %max3A_81 : vector<32x1024xf32>
      %add3A_83 = arith.addf %add3A_73, %max3A_82 : vector<32x1024xf32>
      %slice3A_84 = vector.extract_strided_slice %concatenate3A {offsets = [96, 0], sizes = [32, 1], strides = [1, 1]} : vector<1024x1xf32> to vector<32x1xf32>
      %sub3A_85 = arith.constant 1.000000e+01 : f32
      %sub3A_86 = vector.broadcast %sub3A_85 : f32 to vector<32x1xf32>
      %sub3A_87 = arith.subf %sub3A_86, %slice3A_84 : vector<32x1xf32>
      %add3A_88 = vector.broadcast %sub3A_87 : vector<32x1xf32> to vector<32x1024xf32>
      %add3A_89 = arith.addf %add3A_88, %dot_general3A_54 : vector<32x1024xf32>
      %max3A_90 = arith.constant 0.000000e+00 : f32
      %max3A_91 = vector.broadcast %max3A_90 : f32 to vector<32x1024xf32>
      %max3A_92 = arith.maximumf %add3A_89, %max3A_91 : vector<32x1024xf32>
      %add3A_93 = arith.addf %add3A_83, %max3A_92 : vector<32x1024xf32>
      %slice3A_94 = vector.extract_strided_slice %concatenate3A {offsets = [128, 0], sizes = [32, 1], strides = [1, 1]} : vector<1024x1xf32> to vector<32x1xf32>
      %sub3A_95 = arith.constant 1.000000e+01 : f32
      %sub3A_96 = vector.broadcast %sub3A_95 : f32 to vector<32x1xf32>
      %sub3A_97 = arith.subf %sub3A_96, %slice3A_94 : vector<32x1xf32>
      %add3A_98 = vector.broadcast %sub3A_97 : vector<32x1xf32> to vector<32x1024xf32>
      %add3A_99 = arith.addf %add3A_98, %dot_general3A_54 : vector<32x1024xf32>
      %max3A_100 = arith.constant 0.000000e+00 : f32
      %max3A_101 = vector.broadcast %max3A_100 : f32 to vector<32x1024xf32>
      %max3A_102 = arith.maximumf %add3A_99, %max3A_101 : vector<32x1024xf32>
      %add3A_103 = arith.addf %add3A_93, %max3A_102 : vector<32x1024xf32>
      %slice3A_104 = vector.extract_strided_slice %concatenate3A {offsets = [160, 0], sizes = [32, 1], strides = [1, 1]} : vector<1024x1xf32> to vector<32x1xf32>
      %sub3A_105 = arith.constant 1.000000e+01 : f32
      %sub3A_106 = vector.broadcast %sub3A_105 : f32 to vector<32x1xf32>
      %sub3A_107 = arith.subf %sub3A_106, %slice3A_104 : vector<32x1xf32>
      %add3A_108 = vector.broadcast %sub3A_107 : vector<32x1xf32> to vector<32x1024xf32>
      %add3A_109 = arith.addf %add3A_108, %dot_general3A_54 : vector<32x1024xf32>
      %max3A_110 = arith.constant 0.000000e+00 : f32
      %max3A_111 = vector.broadcast %max3A_110 : f32 to vector<32x1024xf32>
      %max3A_112 = arith.maximumf %add3A_109, %max3A_111 : vector<32x1024xf32>
      %add3A_113 = arith.addf %add3A_103, %max3A_112 : vector<32x1024xf32>
      %slice3A_114 = vector.extract_strided_slice %concatenate3A {offsets = [192, 0], sizes = [32, 1], strides = [1, 1]} : vector<1024x1xf32> to vector<32x1xf32>
      %sub3A_115 = arith.constant 1.000000e+01 : f32
      %sub3A_116 = vector.broadcast %sub3A_115 : f32 to vector<32x1xf32>
      %sub3A_117 = arith.subf %sub3A_116, %slice3A_114 : vector<32x1xf32>
      %add3A_118 = vector.broadcast %sub3A_117 : vector<32x1xf32> to vector<32x1024xf32>
      %add3A_119 = arith.addf %add3A_118, %dot_general3A_54 : vector<32x1024xf32>
      %max3A_120 = arith.constant 0.000000e+00 : f32
      %max3A_121 = vector.broadcast %max3A_120 : f32 to vector<32x1024xf32>
      %max3A_122 = arith.maximumf %add3A_119, %max3A_121 : vector<32x1024xf32>
      %add3A_123 = arith.addf %add3A_113, %max3A_122 : vector<32x1024xf32>
      %slice3A_124 = vector.extract_strided_slice %concatenate3A {offsets = [224, 0], sizes = [32, 1], strides = [1, 1]} : vector<1024x1xf32> to vector<32x1xf32>
      %sub3A_125 = arith.constant 1.000000e+01 : f32
      %sub3A_126 = vector.broadcast %sub3A_125 : f32 to vector<32x1xf32>
      %sub3A_127 = arith.subf %sub3A_126, %slice3A_124 : vector<32x1xf32>
      %add3A_128 = vector.broadcast %sub3A_127 : vector<32x1xf32> to vector<32x1024xf32>
      %add3A_129 = arith.addf %add3A_128, %dot_general3A_54 : vector<32x1024xf32>
      %max3A_130 = arith.constant 0.000000e+00 : f32
      %max3A_131 = vector.broadcast %max3A_130 : f32 to vector<32x1024xf32>
      %max3A_132 = arith.maximumf %add3A_129, %max3A_131 : vector<32x1024xf32>
      %add3A_133 = arith.addf %add3A_123, %max3A_132 : vector<32x1024xf32>
      %slice3A_134 = vector.extract_strided_slice %concatenate3A {offsets = [256, 0], sizes = [32, 1], strides = [1, 1]} : vector<1024x1xf32> to vector<32x1xf32>
      %sub3A_135 = arith.constant 1.000000e+01 : f32
      %sub3A_136 = vector.broadcast %sub3A_135 : f32 to vector<32x1xf32>
      %sub3A_137 = arith.subf %sub3A_136, %slice3A_134 : vector<32x1xf32>
      %add3A_138 = vector.broadcast %sub3A_137 : vector<32x1xf32> to vector<32x1024xf32>
      %add3A_139 = arith.addf %add3A_138, %dot_general3A_54 : vector<32x1024xf32>
      %max3A_140 = arith.constant 0.000000e+00 : f32
      %max3A_141 = vector.broadcast %max3A_140 : f32 to vector<32x1024xf32>
      %max3A_142 = arith.maximumf %add3A_139, %max3A_141 : vector<32x1024xf32>
      %add3A_143 = arith.addf %add3A_133, %max3A_142 : vector<32x1024xf32>
      %slice3A_144 = vector.extract_strided_slice %concatenate3A {offsets = [288, 0], sizes = [32, 1], strides = [1, 1]} : vector<1024x1xf32> to vector<32x1xf32>
      %sub3A_145 = arith.constant 1.000000e+01 : f32
      %sub3A_146 = vector.broadcast %sub3A_145 : f32 to vector<32x1xf32>
      %sub3A_147 = arith.subf %sub3A_146, %slice3A_144 : vector<32x1xf32>
      %add3A_148 = vector.broadcast %sub3A_147 : vector<32x1xf32> to vector<32x1024xf32>
      %add3A_149 = arith.addf %add3A_148, %dot_general3A_54 : vector<32x1024xf32>
      %max3A_150 = arith.constant 0.000000e+00 : f32
      %max3A_151 = vector.broadcast %max3A_150 : f32 to vector<32x1024xf32>
      %max3A_152 = arith.maximumf %add3A_149, %max3A_151 : vector<32x1024xf32>
      %add3A_153 = arith.addf %add3A_143, %max3A_152 : vector<32x1024xf32>
      %slice3A_154 = vector.extract_strided_slice %concatenate3A {offsets = [320, 0], sizes = [32, 1], strides = [1, 1]} : vector<1024x1xf32> to vector<32x1xf32>
      %sub3A_155 = arith.constant 1.000000e+01 : f32
      %sub3A_156 = vector.broadcast %sub3A_155 : f32 to vector<32x1xf32>
      %sub3A_157 = arith.subf %sub3A_156, %slice3A_154 : vector<32x1xf32>
      %add3A_158 = vector.broadcast %sub3A_157 : vector<32x1xf32> to vector<32x1024xf32>
      %add3A_159 = arith.addf %add3A_158, %dot_general3A_54 : vector<32x1024xf32>
      %max3A_160 = arith.constant 0.000000e+00 : f32
      %max3A_161 = vector.broadcast %max3A_160 : f32 to vector<32x1024xf32>
      %max3A_162 = arith.maximumf %add3A_159, %max3A_161 : vector<32x1024xf32>
      %add3A_163 = arith.addf %add3A_153, %max3A_162 : vector<32x1024xf32>
      %slice3A_164 = vector.extract_strided_slice %concatenate3A {offsets = [352, 0], sizes = [32, 1], strides = [1, 1]} : vector<1024x1xf32> to vector<32x1xf32>
      %sub3A_165 = arith.constant 1.000000e+01 : f32
      %sub3A_166 = vector.broadcast %sub3A_165 : f32 to vector<32x1xf32>
      %sub3A_167 = arith.subf %sub3A_166, %slice3A_164 : vector<32x1xf32>
      %add3A_168 = vector.broadcast %sub3A_167 : vector<32x1xf32> to vector<32x1024xf32>
      %add3A_169 = arith.addf %add3A_168, %dot_general3A_54 : vector<32x1024xf32>
      %max3A_170 = arith.constant 0.000000e+00 : f32
      %max3A_171 = vector.broadcast %max3A_170 : f32 to vector<32x1024xf32>
      %max3A_172 = arith.maximumf %add3A_169, %max3A_171 : vector<32x1024xf32>
      %add3A_173 = arith.addf %add3A_163, %max3A_172 : vector<32x1024xf32>
      %slice3A_174 = vector.extract_strided_slice %concatenate3A {offsets = [384, 0], sizes = [32, 1], strides = [1, 1]} : vector<1024x1xf32> to vector<32x1xf32>
      %sub3A_175 = arith.constant 1.000000e+01 : f32
      %sub3A_176 = vector.broadcast %sub3A_175 : f32 to vector<32x1xf32>
      %sub3A_177 = arith.subf %sub3A_176, %slice3A_174 : vector<32x1xf32>
      %add3A_178 = vector.broadcast %sub3A_177 : vector<32x1xf32> to vector<32x1024xf32>
      %add3A_179 = arith.addf %add3A_178, %dot_general3A_54 : vector<32x1024xf32>
      %max3A_180 = arith.constant 0.000000e+00 : f32
      %max3A_181 = vector.broadcast %max3A_180 : f32 to vector<32x1024xf32>
      %max3A_182 = arith.maximumf %add3A_179, %max3A_181 : vector<32x1024xf32>
      %add3A_183 = arith.addf %add3A_173, %max3A_182 : vector<32x1024xf32>
      %slice3A_184 = vector.extract_strided_slice %concatenate3A {offsets = [416, 0], sizes = [32, 1], strides = [1, 1]} : vector<1024x1xf32> to vector<32x1xf32>
      %sub3A_185 = arith.constant 1.000000e+01 : f32
      %sub3A_186 = vector.broadcast %sub3A_185 : f32 to vector<32x1xf32>
      %sub3A_187 = arith.subf %sub3A_186, %slice3A_184 : vector<32x1xf32>
      %add3A_188 = vector.broadcast %sub3A_187 : vector<32x1xf32> to vector<32x1024xf32>
      %add3A_189 = arith.addf %add3A_188, %dot_general3A_54 : vector<32x1024xf32>
      %max3A_190 = arith.constant 0.000000e+00 : f32
      %max3A_191 = vector.broadcast %max3A_190 : f32 to vector<32x1024xf32>
      %max3A_192 = arith.maximumf %add3A_189, %max3A_191 : vector<32x1024xf32>
      %add3A_193 = arith.addf %add3A_183, %max3A_192 : vector<32x1024xf32>
      %slice3A_194 = vector.extract_strided_slice %concatenate3A {offsets = [448, 0], sizes = [32, 1], strides = [1, 1]} : vector<1024x1xf32> to vector<32x1xf32>
      %sub3A_195 = arith.constant 1.000000e+01 : f32
      %sub3A_196 = vector.broadcast %sub3A_195 : f32 to vector<32x1xf32>
      %sub3A_197 = arith.subf %sub3A_196, %slice3A_194 : vector<32x1xf32>
      %add3A_198 = vector.broadcast %sub3A_197 : vector<32x1xf32> to vector<32x1024xf32>
      %add3A_199 = arith.addf %add3A_198, %dot_general3A_54 : vector<32x1024xf32>
      %max3A_200 = arith.constant 0.000000e+00 : f32
      %max3A_201 = vector.broadcast %max3A_200 : f32 to vector<32x1024xf32>
      %max3A_202 = arith.maximumf %add3A_199, %max3A_201 : vector<32x1024xf32>
      %add3A_203 = arith.addf %add3A_193, %max3A_202 : vector<32x1024xf32>
      %slice3A_204 = vector.extract_strided_slice %concatenate3A {offsets = [480, 0], sizes = [32, 1], strides = [1, 1]} : vector<1024x1xf32> to vector<32x1xf32>
      %sub3A_205 = arith.constant 1.000000e+01 : f32
      %sub3A_206 = vector.broadcast %sub3A_205 : f32 to vector<32x1xf32>
      %sub3A_207 = arith.subf %sub3A_206, %slice3A_204 : vector<32x1xf32>
      %add3A_208 = vector.broadcast %sub3A_207 : vector<32x1xf32> to vector<32x1024xf32>
      %add3A_209 = arith.addf %add3A_208, %dot_general3A_54 : vector<32x1024xf32>
      %max3A_210 = arith.constant 0.000000e+00 : f32
      %max3A_211 = vector.broadcast %max3A_210 : f32 to vector<32x1024xf32>
      %max3A_212 = arith.maximumf %add3A_209, %max3A_211 : vector<32x1024xf32>
      %add3A_213 = arith.addf %add3A_203, %max3A_212 : vector<32x1024xf32>
      %slice3A_214 = vector.extract_strided_slice %concatenate3A {offsets = [512, 0], sizes = [32, 1], strides = [1, 1]} : vector<1024x1xf32> to vector<32x1xf32>
      %sub3A_215 = arith.constant 1.000000e+01 : f32
      %sub3A_216 = vector.broadcast %sub3A_215 : f32 to vector<32x1xf32>
      %sub3A_217 = arith.subf %sub3A_216, %slice3A_214 : vector<32x1xf32>
      %add3A_218 = vector.broadcast %sub3A_217 : vector<32x1xf32> to vector<32x1024xf32>
      %add3A_219 = arith.addf %add3A_218, %dot_general3A_54 : vector<32x1024xf32>
      %max3A_220 = arith.constant 0.000000e+00 : f32
      %max3A_221 = vector.broadcast %max3A_220 : f32 to vector<32x1024xf32>
      %max3A_222 = arith.maximumf %add3A_219, %max3A_221 : vector<32x1024xf32>
      %add3A_223 = arith.addf %add3A_213, %max3A_222 : vector<32x1024xf32>
      %slice3A_224 = vector.extract_strided_slice %concatenate3A {offsets = [544, 0], sizes = [32, 1], strides = [1, 1]} : vector<1024x1xf32> to vector<32x1xf32>
      %sub3A_225 = arith.constant 1.000000e+01 : f32
      %sub3A_226 = vector.broadcast %sub3A_225 : f32 to vector<32x1xf32>
      %sub3A_227 = arith.subf %sub3A_226, %slice3A_224 : vector<32x1xf32>
      %add3A_228 = vector.broadcast %sub3A_227 : vector<32x1xf32> to vector<32x1024xf32>
      %add3A_229 = arith.addf %add3A_228, %dot_general3A_54 : vector<32x1024xf32>
      %max3A_230 = arith.constant 0.000000e+00 : f32
      %max3A_231 = vector.broadcast %max3A_230 : f32 to vector<32x1024xf32>
      %max3A_232 = arith.maximumf %add3A_229, %max3A_231 : vector<32x1024xf32>
      %add3A_233 = arith.addf %add3A_223, %max3A_232 : vector<32x1024xf32>
      %slice3A_234 = vector.extract_strided_slice %concatenate3A {offsets = [576, 0], sizes = [32, 1], strides = [1, 1]} : vector<1024x1xf32> to vector<32x1xf32>
      %sub3A_235 = arith.constant 1.000000e+01 : f32
      %sub3A_236 = vector.broadcast %sub3A_235 : f32 to vector<32x1xf32>
      %sub3A_237 = arith.subf %sub3A_236, %slice3A_234 : vector<32x1xf32>
      %add3A_238 = vector.broadcast %sub3A_237 : vector<32x1xf32> to vector<32x1024xf32>
      %add3A_239 = arith.addf %add3A_238, %dot_general3A_54 : vector<32x1024xf32>
      %max3A_240 = arith.constant 0.000000e+00 : f32
      %max3A_241 = vector.broadcast %max3A_240 : f32 to vector<32x1024xf32>
      %max3A_242 = arith.maximumf %add3A_239, %max3A_241 : vector<32x1024xf32>
      %add3A_243 = arith.addf %add3A_233, %max3A_242 : vector<32x1024xf32>
      %slice3A_244 = vector.extract_strided_slice %concatenate3A {offsets = [608, 0], sizes = [32, 1], strides = [1, 1]} : vector<1024x1xf32> to vector<32x1xf32>
      %sub3A_245 = arith.constant 1.000000e+01 : f32
      %sub3A_246 = vector.broadcast %sub3A_245 : f32 to vector<32x1xf32>
      %sub3A_247 = arith.subf %sub3A_246, %slice3A_244 : vector<32x1xf32>
      %add3A_248 = vector.broadcast %sub3A_247 : vector<32x1xf32> to vector<32x1024xf32>
      %add3A_249 = arith.addf %add3A_248, %dot_general3A_54 : vector<32x1024xf32>
      %max3A_250 = arith.constant 0.000000e+00 : f32
      %max3A_251 = vector.broadcast %max3A_250 : f32 to vector<32x1024xf32>
      %max3A_252 = arith.maximumf %add3A_249, %max3A_251 : vector<32x1024xf32>
      %add3A_253 = arith.addf %add3A_243, %max3A_252 : vector<32x1024xf32>
      %slice3A_254 = vector.extract_strided_slice %concatenate3A {offsets = [640, 0], sizes = [32, 1], strides = [1, 1]} : vector<1024x1xf32> to vector<32x1xf32>
      %sub3A_255 = arith.constant 1.000000e+01 : f32
      %sub3A_256 = vector.broadcast %sub3A_255 : f32 to vector<32x1xf32>
      %sub3A_257 = arith.subf %sub3A_256, %slice3A_254 : vector<32x1xf32>
      %add3A_258 = vector.broadcast %sub3A_257 : vector<32x1xf32> to vector<32x1024xf32>
      %add3A_259 = arith.addf %add3A_258, %dot_general3A_54 : vector<32x1024xf32>
      %max3A_260 = arith.constant 0.000000e+00 : f32
      %max3A_261 = vector.broadcast %max3A_260 : f32 to vector<32x1024xf32>
      %max3A_262 = arith.maximumf %add3A_259, %max3A_261 : vector<32x1024xf32>
      %add3A_263 = arith.addf %add3A_253, %max3A_262 : vector<32x1024xf32>
      %slice3A_264 = vector.extract_strided_slice %concatenate3A {offsets = [672, 0], sizes = [32, 1], strides = [1, 1]} : vector<1024x1xf32> to vector<32x1xf32>
      %sub3A_265 = arith.constant 1.000000e+01 : f32
      %sub3A_266 = vector.broadcast %sub3A_265 : f32 to vector<32x1xf32>
      %sub3A_267 = arith.subf %sub3A_266, %slice3A_264 : vector<32x1xf32>
      %add3A_268 = vector.broadcast %sub3A_267 : vector<32x1xf32> to vector<32x1024xf32>
      %add3A_269 = arith.addf %add3A_268, %dot_general3A_54 : vector<32x1024xf32>
      %max3A_270 = arith.constant 0.000000e+00 : f32
      %max3A_271 = vector.broadcast %max3A_270 : f32 to vector<32x1024xf32>
      %max3A_272 = arith.maximumf %add3A_269, %max3A_271 : vector<32x1024xf32>
      %add3A_273 = arith.addf %add3A_263, %max3A_272 : vector<32x1024xf32>
      %slice3A_274 = vector.extract_strided_slice %concatenate3A {offsets = [704, 0], sizes = [32, 1], strides = [1, 1]} : vector<1024x1xf32> to vector<32x1xf32>
      %sub3A_275 = arith.constant 1.000000e+01 : f32
      %sub3A_276 = vector.broadcast %sub3A_275 : f32 to vector<32x1xf32>
      %sub3A_277 = arith.subf %sub3A_276, %slice3A_274 : vector<32x1xf32>
      %add3A_278 = vector.broadcast %sub3A_277 : vector<32x1xf32> to vector<32x1024xf32>
      %add3A_279 = arith.addf %add3A_278, %dot_general3A_54 : vector<32x1024xf32>
      %max3A_280 = arith.constant 0.000000e+00 : f32
      %max3A_281 = vector.broadcast %max3A_280 : f32 to vector<32x1024xf32>
      %max3A_282 = arith.maximumf %add3A_279, %max3A_281 : vector<32x1024xf32>
      %add3A_283 = arith.addf %add3A_273, %max3A_282 : vector<32x1024xf32>
      %slice3A_284 = vector.extract_strided_slice %concatenate3A {offsets = [736, 0], sizes = [32, 1], strides = [1, 1]} : vector<1024x1xf32> to vector<32x1xf32>
      %sub3A_285 = arith.constant 1.000000e+01 : f32
      %sub3A_286 = vector.broadcast %sub3A_285 : f32 to vector<32x1xf32>
      %sub3A_287 = arith.subf %sub3A_286, %slice3A_284 : vector<32x1xf32>
      %add3A_288 = vector.broadcast %sub3A_287 : vector<32x1xf32> to vector<32x1024xf32>
      %add3A_289 = arith.addf %add3A_288, %dot_general3A_54 : vector<32x1024xf32>
      %max3A_290 = arith.constant 0.000000e+00 : f32
      %max3A_291 = vector.broadcast %max3A_290 : f32 to vector<32x1024xf32>
      %max3A_292 = arith.maximumf %add3A_289, %max3A_291 : vector<32x1024xf32>
      %add3A_293 = arith.addf %add3A_283, %max3A_292 : vector<32x1024xf32>
      %slice3A_294 = vector.extract_strided_slice %concatenate3A {offsets = [768, 0], sizes = [32, 1], strides = [1, 1]} : vector<1024x1xf32> to vector<32x1xf32>
      %sub3A_295 = arith.constant 1.000000e+01 : f32
      %sub3A_296 = vector.broadcast %sub3A_295 : f32 to vector<32x1xf32>
      %sub3A_297 = arith.subf %sub3A_296, %slice3A_294 : vector<32x1xf32>
      %add3A_298 = vector.broadcast %sub3A_297 : vector<32x1xf32> to vector<32x1024xf32>
      %add3A_299 = arith.addf %add3A_298, %dot_general3A_54 : vector<32x1024xf32>
      %max3A_300 = arith.constant 0.000000e+00 : f32
      %max3A_301 = vector.broadcast %max3A_300 : f32 to vector<32x1024xf32>
      %max3A_302 = arith.maximumf %add3A_299, %max3A_301 : vector<32x1024xf32>
      %add3A_303 = arith.addf %add3A_293, %max3A_302 : vector<32x1024xf32>
      %slice3A_304 = vector.extract_strided_slice %concatenate3A {offsets = [800, 0], sizes = [32, 1], strides = [1, 1]} : vector<1024x1xf32> to vector<32x1xf32>
      %sub3A_305 = arith.constant 1.000000e+01 : f32
      %sub3A_306 = vector.broadcast %sub3A_305 : f32 to vector<32x1xf32>
      %sub3A_307 = arith.subf %sub3A_306, %slice3A_304 : vector<32x1xf32>
      %add3A_308 = vector.broadcast %sub3A_307 : vector<32x1xf32> to vector<32x1024xf32>
      %add3A_309 = arith.addf %add3A_308, %dot_general3A_54 : vector<32x1024xf32>
      %max3A_310 = arith.constant 0.000000e+00 : f32
      %max3A_311 = vector.broadcast %max3A_310 : f32 to vector<32x1024xf32>
      %max3A_312 = arith.maximumf %add3A_309, %max3A_311 : vector<32x1024xf32>
      %add3A_313 = arith.addf %add3A_303, %max3A_312 : vector<32x1024xf32>
      %slice3A_314 = vector.extract_strided_slice %concatenate3A {offsets = [832, 0], sizes = [32, 1], strides = [1, 1]} : vector<1024x1xf32> to vector<32x1xf32>
      %sub3A_315 = arith.constant 1.000000e+01 : f32
      %sub3A_316 = vector.broadcast %sub3A_315 : f32 to vector<32x1xf32>
      %sub3A_317 = arith.subf %sub3A_316, %slice3A_314 : vector<32x1xf32>
      %add3A_318 = vector.broadcast %sub3A_317 : vector<32x1xf32> to vector<32x1024xf32>
      %add3A_319 = arith.addf %add3A_318, %dot_general3A_54 : vector<32x1024xf32>
      %max3A_320 = arith.constant 0.000000e+00 : f32
      %max3A_321 = vector.broadcast %max3A_320 : f32 to vector<32x1024xf32>
      %max3A_322 = arith.maximumf %add3A_319, %max3A_321 : vector<32x1024xf32>
      %add3A_323 = arith.addf %add3A_313, %max3A_322 : vector<32x1024xf32>
      %slice3A_324 = vector.extract_strided_slice %concatenate3A {offsets = [864, 0], sizes = [32, 1], strides = [1, 1]} : vector<1024x1xf32> to vector<32x1xf32>
      %sub3A_325 = arith.constant 1.000000e+01 : f32
      %sub3A_326 = vector.broadcast %sub3A_325 : f32 to vector<32x1xf32>
      %sub3A_327 = arith.subf %sub3A_326, %slice3A_324 : vector<32x1xf32>
      %add3A_328 = vector.broadcast %sub3A_327 : vector<32x1xf32> to vector<32x1024xf32>
      %add3A_329 = arith.addf %add3A_328, %dot_general3A_54 : vector<32x1024xf32>
      %max3A_330 = arith.constant 0.000000e+00 : f32
      %max3A_331 = vector.broadcast %max3A_330 : f32 to vector<32x1024xf32>
      %max3A_332 = arith.maximumf %add3A_329, %max3A_331 : vector<32x1024xf32>
      %add3A_333 = arith.addf %add3A_323, %max3A_332 : vector<32x1024xf32>
      %slice3A_334 = vector.extract_strided_slice %concatenate3A {offsets = [896, 0], sizes = [32, 1], strides = [1, 1]} : vector<1024x1xf32> to vector<32x1xf32>
      %sub3A_335 = arith.constant 1.000000e+01 : f32
      %sub3A_336 = vector.broadcast %sub3A_335 : f32 to vector<32x1xf32>
      %sub3A_337 = arith.subf %sub3A_336, %slice3A_334 : vector<32x1xf32>
      %add3A_338 = vector.broadcast %sub3A_337 : vector<32x1xf32> to vector<32x1024xf32>
      %add3A_339 = arith.addf %add3A_338, %dot_general3A_54 : vector<32x1024xf32>
      %max3A_340 = arith.constant 0.000000e+00 : f32
      %max3A_341 = vector.broadcast %max3A_340 : f32 to vector<32x1024xf32>
      %max3A_342 = arith.maximumf %add3A_339, %max3A_341 : vector<32x1024xf32>
      %add3A_343 = arith.addf %add3A_333, %max3A_342 : vector<32x1024xf32>
      %slice3A_344 = vector.extract_strided_slice %concatenate3A {offsets = [928, 0], sizes = [32, 1], strides = [1, 1]} : vector<1024x1xf32> to vector<32x1xf32>
      %sub3A_345 = arith.constant 1.000000e+01 : f32
      %sub3A_346 = vector.broadcast %sub3A_345 : f32 to vector<32x1xf32>
      %sub3A_347 = arith.subf %sub3A_346, %slice3A_344 : vector<32x1xf32>
      %add3A_348 = vector.broadcast %sub3A_347 : vector<32x1xf32> to vector<32x1024xf32>
      %add3A_349 = arith.addf %add3A_348, %dot_general3A_54 : vector<32x1024xf32>
      %max3A_350 = arith.constant 0.000000e+00 : f32
      %max3A_351 = vector.broadcast %max3A_350 : f32 to vector<32x1024xf32>
      %max3A_352 = arith.maximumf %add3A_349, %max3A_351 : vector<32x1024xf32>
      %add3A_353 = arith.addf %add3A_343, %max3A_352 : vector<32x1024xf32>
      %slice3A_354 = vector.extract_strided_slice %concatenate3A {offsets = [960, 0], sizes = [32, 1], strides = [1, 1]} : vector<1024x1xf32> to vector<32x1xf32>
      %sub3A_355 = arith.constant 1.000000e+01 : f32
      %sub3A_356 = vector.broadcast %sub3A_355 : f32 to vector<32x1xf32>
      %sub3A_357 = arith.subf %sub3A_356, %slice3A_354 : vector<32x1xf32>
      %add3A_358 = vector.broadcast %sub3A_357 : vector<32x1xf32> to vector<32x1024xf32>
      %add3A_359 = arith.addf %add3A_358, %dot_general3A_54 : vector<32x1024xf32>
      %max3A_360 = arith.constant 0.000000e+00 : f32
      %max3A_361 = vector.broadcast %max3A_360 : f32 to vector<32x1024xf32>
      %max3A_362 = arith.maximumf %add3A_359, %max3A_361 : vector<32x1024xf32>
      %add3A_363 = arith.addf %add3A_353, %max3A_362 : vector<32x1024xf32>
      %slice3A_364 = vector.extract_strided_slice %concatenate3A {offsets = [992, 0], sizes = [32, 1], strides = [1, 1]} : vector<1024x1xf32> to vector<32x1xf32>
      %sub3A_365 = arith.constant 1.000000e+01 : f32
      %sub3A_366 = vector.broadcast %sub3A_365 : f32 to vector<32x1xf32>
      %sub3A_367 = arith.subf %sub3A_366, %slice3A_364 : vector<32x1xf32>
      %add3A_368 = vector.broadcast %sub3A_367 : vector<32x1xf32> to vector<32x1024xf32>
      %add3A_369 = arith.addf %add3A_368, %dot_general3A_54 : vector<32x1024xf32>
      %max3A_370 = arith.constant 0.000000e+00 : f32
      %max3A_371 = vector.broadcast %max3A_370 : f32 to vector<32x1024xf32>
      %max3A_372 = arith.maximumf %add3A_369, %max3A_371 : vector<32x1024xf32>
      %add3A_373 = arith.addf %add3A_363, %max3A_372 : vector<32x1024xf32>
      %reduce_sum3A_374 = vector.shape_cast %add3A_373 : vector<32x1024xf32> to vector<1x32x1024xf32>
      %reduce_sum3A_375 = arith.constant dense<0.000000e+00> : vector<1xf32>
      %reduce_sum3A_376 = vector.multi_reduction <add>, %reduce_sum3A_374, %reduce_sum3A_375 [1, 2] : vector<1x32x1024xf32> to vector<1xf32>
      %reduce_sum3A_377 = vector.shape_cast %reduce_sum3A_376 : vector<1xf32> to vector<1x1x1xf32>
      %reduce_sum3A_378 = vector.extract %reduce_sum3A_377[0, 0, 0] : f32 from vector<1x1x1xf32>
      %sub3A_379 = arith.constant 2.000000e+01 : f32
      %sub3A_380 = vector.broadcast %sub3A_379 : f32 to vector<1x1xf32>
      %sub3A_381 = arith.subf %sub3A_380, %get3A_39 : vector<1x1xf32>
      %add3A_382 = vector.broadcast %sub3A_381 : vector<1x1xf32> to vector<1024x1xf32>
      %add3A_383 = arith.addf %add3A_382, %concatenate3A_50 : vector<1024x1xf32>
      %max3A_384 = arith.constant 0.000000e+00 : f32
      %max3A_385 = vector.broadcast %max3A_384 : f32 to vector<1024x1xf32>
      %max3A_386 = arith.maximumf %add3A_383, %max3A_385 : vector<1024x1xf32>
      %reduce_sum3A_387 = vector.shape_cast %max3A_386 : vector<1024x1xf32> to vector<1x1024x1xf32>
      %reduce_sum3A_388 = arith.constant dense<0.000000e+00> : vector<1xf32>
      %reduce_sum3A_389 = vector.multi_reduction <add>, %reduce_sum3A_387, %reduce_sum3A_388 [1, 2] : vector<1x1024x1xf32> to vector<1xf32>
      %reduce_sum3A_390 = vector.shape_cast %reduce_sum3A_389 : vector<1xf32> to vector<1x1x1xf32>
      %reduce_sum3A_391 = vector.extract %reduce_sum3A_390[0, 0, 0] : f32 from vector<1x1x1xf32>
      %add3A_392 = arith.addf %reduce_sum3A_378, %reduce_sum3A_391 : f32
      %reshape3A_393 = vector.broadcast %add3A_392 : f32 to vector<1x1xf32>
      %swap3A_394 = arith.constant 0 : index
      %swap3A_395 = arith.constant 0 : index
      %swap3A_396 = vector.load %arg6[%swap3A_394, %swap3A_395] : memref<1x1xf32, #tpu.memory_space<vmem>>, vector<1x1xf32>
      tpu.vector_store %arg6[%swap3A_394, %swap3A_395], %reshape3A_393 {strides = array<i32>} : memref<1x1xf32, #tpu.memory_space<vmem>>, vector<1x1xf32>,
    } else {
    }
    %gt3A = arith.constant 0 : i32
    %gt3A_25 = arith.cmpi sgt, %arg0, %gt3A : i32
    %convert_element_type3A_26 = arith.extui %gt3A_25 : i1 to i32
    %cond3A_27 = arith.constant 0 : i32
    %cond3A_28 = arith.cmpi ne, %convert_element_type3A_26, %cond3A_27 : i32
    scf.if %cond3A_28 {
      %get3A_29 = arith.constant 0 : index
      %get3A_30 = arith.constant 0 : index
      %get3A_31 = vector.load %arg5[%get3A_29, %get3A_30] : memref<1x1xf32, #tpu.memory_space<vmem>>, vector<1x1xf32>
      %add3A = arith.addf %get3A_31, %reshape3A_20 : vector<1x1xf32>
      %swap3A = arith.constant 0 : index
      %swap3A_32 = arith.constant 0 : index
      %swap3A_33 = vector.load %arg5[%swap3A, %swap3A_32] : memref<1x1xf32, #tpu.memory_space<vmem>>, vector<1x1xf32>
      tpu.vector_store %arg5[%swap3A, %swap3A_32], %add3A {strides = array<i32>} : memref<1x1xf32, #tpu.memory_space<vmem>>, vector<1x1xf32>,
    } else {
    }
    return
  }
  func.func @transform_0(%arg0: i32) -> (i32, i32) {
    %c0_i32 = arith.constant 0 : i32
    %c0_i32_0 = arith.constant 0 : i32
    return %arg0, %c0_i32 : i32, i32
  }
  func.func @transform_1(%arg0: i32) -> (i32, i32, i32) {
    %c0_i32 = arith.constant 0 : i32
    %c0_i32_0 = arith.constant 0 : i32
    %c0_i32_1 = arith.constant 0 : i32
    return %arg0, %c0_i32, %c0_i32_0 : i32, i32, i32
  }
  func.func @transform_2(%arg0: i32) -> (i32, i32) {
    %c0_i32 = arith.constant 0 : i32
    %c0_i32_0 = arith.constant 0 : i32
    %c0_i32_1 = arith.constant 0 : i32
    return %c0_i32, %c0_i32_0 : i32, i32
  }
  func.func @transform_3(%arg0: i32) -> (i32, i32) {
    %c0_i32 = arith.constant 0 : i32
    %c0_i32_0 = arith.constant 0 : i32
    %c0_i32_1 = arith.constant 0 : i32
    return %c0_i32, %c0_i32_0 : i32, i32
  }
  func.func @transform_4(%arg0: i32) -> (i32, i32) {
    %c0_i32 = arith.constant 0 : i32
    %c0_i32_0 = arith.constant 0 : i32
    %c0_i32_1 = arith.constant 0 : i32
    return %c0_i32, %c0_i32_0 : i32, i32
  }
  func.func @transform_5(%arg0: i32) -> (i32, i32) {
    %c0_i32 = arith.constant 0 : i32
    %c0_i32_0 = arith.constant 0 : i32
    %c0_i32_1 = arith.constant 0 : i32
    return %c0_i32, %c0_i32_0 : i32, i32
  }
}

</mosaic_0001>

<sc_bundles>
// kernel: kernel.5.cloned.1.call-start
scs
__scs_entry_jumppad:
0x0: {  	(pc) =	sbr.rel $0x88, $3  }
0x1: {  	(tag) =	ssettag $0x0;
	lr =	simm.s32 $0x1  }
0x2: {  	[smem:$0x3F9D] =	sst lr;
	_ =	strace $0xD0000000  }
0x3: {  	_ = 	snop  }
0x4: {  	_ = 	snop  }
0x5: {  	_ = 	snop  }
0x6: {  	_ = 	snop  }
0x7: {  	_ = 	snop  }
__scs_overlays_trampoline_lowered:
0x8: {  	[smem:$0x3FAC] =	sst s0  }
0x9: {  	[smem:$0x3FAD] =	sst s1  }
0xa: {  	[smem:$0x3FAE] =	sst s2  }
0xb: {  	[smem:$0x3FAF] =	sst s3  }
0xc: {  	[smem:$0x3FB0] =	sst s4  }
0xd: {  	[smem:$0x3FB1] =	sst s5  }
0xe: {  	[smem:$0x3FB2] =	sst s6  }
0xf: {  	[smem:$0x3FB3] =	sst s7  }
0x10: {  	[smem:$0x3FB4] =	sst s8  }
0x11: {  	[smem:$0x3FB5] =	sst s9;
	s0 =	simm.s32 @!p0 $0x0  }
0x12: {  	s1 =	sld [smem:$0x3F9B];
	s0 =	simm.s32 @p0 $0x1  }
0x13: {  	[smem:$0x3FB6] =	sst s0;
	s0 =	simm.s32 @!p1 $0x0  }
0x14: {  	s2 =	sld [smem:$0x3F9A];
	s0 =	simm.s32 @p1 $0x1  }
0x15: {  	[smem:$0x3FB7] =	sst s0;
	s0 =	simm.s32 @!p2 $0x0  }
0x16: {  	s3 =	sld [smem:$0x3FDB];
	s0 =	simm.s32 @p2 $0x1  }
0x17: {  	s4 =	simm.s32 $0x1BF5;
	[smem:$0x3FB9] =	sst s0  }
0x18: {  	s0 =	sld [smem:$0x3F9C];
	_ =	swait.ge [sflag:s4], $0x0  }
0x19: {  	s7 =	sld [smem:$0x3F9D]  }
0x1a: {  	s8 =	sadd.s32 $0xFFFFE003, lr  }
0x1b: {  	s9 =	sadd.s32 $0xFFFFFEF7, lr;
	s5 =	simm.s32 $0xFFFFFFFF;
	p2 =	slt.u32 s8, $0xFFFFF086  }
0x1c: {  	p1 =	slt.u32 s9, $0xF7A;
	s5 =	simm.s32 @!p2 $0x0  }
0x1d: {  	s5 =	simm.s32 @p1 $0x1;
	p0 =	seq.s32 s7, s2  }
0x1e: {  	s7 =	smul.u32 @!p0 $0xF7A, s2;
	p2 =	seq.s32 @!p0 s5, $0x0  }
0x1f: {  	s9 =	smul.u32 $0xF7A, s1;
	s8 =	simm.s32 @!p0 $0x1BF5;
	p2 =	por !p2, p0  }
0x20: {  	[sflag:s8] =	ssyncset.s32 @!p0 $0xFFFFF086;
	s6 =	sadd.s32 @!p0 s3, s7;
	s7 =	simm.s32 @!p0 $0x108  }
0x21: {  	s3 =	sadd.s32 s3, s9;
	s6 =	sadd.s32 @!p0 $0x88, s6;
	s7 =	simm.s32 @p2 $0x1082  }
0x22: {  	[simem:s7], [sflag:s8] =	dma.local @!p0 [hbm:s6], $0xF7A  }
0x23: {  	s9 =	sor.u32 $0xD0000000, s2;
	s6 =	simm.s32 $0x108;
	_ =	swait.ge @!p0 [sflag:s8], $0x0  }
0x24: {  	s3 =	sadd.s32 $0x88, s3;
	s6 =	simm.s32 @!p1 $0x1082;
	[sflag:s4] =	ssyncset.s32 $0xFFFFF086  }
0x25: {  	[simem:s6], [sflag:s4] =	dma.local [hbm:s3], $0xF7A  }
0x26: {  	[smem:$0x3F9D] =	sst s1;
	(tag) =	ssettag s2;
	_ =	strace s9  }
0x27: {  	s1 =	sld [smem:$0x3FAD]  }
0x28: {  	s2 =	sld [smem:$0x3FAE]  }
0x29: {  	s4 =	sld [smem:$0x3FB0]  }
0x2a: {  	p0 =	seq.s32 s5, $0x0;
	s5 =	sld [smem:$0x3FB1]  }
0x2b: {  	s6 =	sld [smem:$0x3FB2]  }
0x2c: {  	s7 =	sld [smem:$0x3FB3]  }
0x2d: {  	s3 =	simm.s32 $0x108;
	s8 =	sld [smem:$0x3FB4]  }
0x2e: {  	s3 =	simm.s32 @!p0 $0x1082;
	s9 =	sld [smem:$0x3FB5]  }
0x2f: {  	lr =	sadd.s32 s0, s3;
	s0 =	sld [smem:$0x3FAC]  }
0x30: {  	s3 =	sld [smem:$0x3FAF]  }
0x31: {  	[smem:$0x3FB8] =	sst s10  }
0x32: {  	s10 =	sld [smem:$0x3FB6];
	_ =	sdelay $0x3  }
0x33: {  	p0 =	seq.s32 s10, $0x1;
	s10 =	sld [smem:$0x3FB8];
	_ =	sdelay $0x3  }
0x34: {  	[smem:$0x3FB8] =	sst s10  }
0x35: {  	s10 =	sld [smem:$0x3FB7];
	_ =	sdelay $0x3  }
0x36: {  	p1 =	seq.s32 s10, $0x1;
	s10 =	sld [smem:$0x3FB8];
	_ =	sdelay $0x3  }
0x37: {  	[smem:$0x3FB8] =	sst s10  }
0x38: {  	s10 =	sld [smem:$0x3FB9]  }
0x39: {  	_ = 	snop;
	(pc) =	sbr.ind lr, $3  }
0x3a: {  	_ = 	snop  }
0x3b: {  	_ = 	snop  }
0x3c: {  	p2 =	seq.s32 s10, $0x1;
	s10 =	sld [smem:$0x3FB8]  }
0x3d: {  	_ =	shalt  }
0x3e: {  	_ =	shalt  }
0x3f: {  	_ =	shalt  }
0x40: {  	_ =	shalt  }
0x41: {  	_ =	shalt  }
0x42: {  	_ =	shalt  }
0x43: {  	_ =	shalt  }
0x44: {  	_ =	shalt  }
0x45: {  	_ =	shalt  }
0x46: {  	_ =	shalt  }
0x47: {  	_ =	shalt  }
0x48: {  	_ =	shalt  }
0x49: {  	_ =	shalt  }
0x4a: {  	_ =	shalt  }
0x4b: {  	_ =	shalt  }
0x4c: {  	_ =	shalt  }
0x4d: {  	_ =	shalt  }
0x4e: {  	_ =	shalt  }
0x4f: {  	_ =	shalt  }
0x50: {  	_ =	shalt  }
0x51: {  	_ =	shalt  }
0x52: {  	_ =	shalt  }
0x53: {  	_ =	shalt  }
0x54: {  	_ =	shalt  }
0x55: {  	_ =	shalt  }
0x56: {  	_ =	shalt  }
0x57: {  	_ =	shalt  }
0x58: {  	_ =	shalt  }
0x59: {  	_ =	shalt  }
0x5a: {  	_ =	shalt  }
0x5b: {  	_ =	shalt  }
0x5c: {  	_ =	shalt  }
0x5d: {  	_ =	shalt  }
0x5e: {  	_ =	shalt  }
0x5f: {  	_ =	shalt  }
0x60: {  	_ =	shalt  }
0x61: {  	_ =	shalt  }
0x62: {  	_ =	shalt  }
0x63: {  	_ =	shalt  }
0x64: {  	_ =	shalt  }
0x65: {  	_ =	shalt  }
0x66: {  	_ =	shalt  }
0x67: {  	_ =	shalt  }
0x68: {  	_ =	shalt  }
0x69: {  	_ =	shalt  }
0x6a: {  	_ =	shalt  }
0x6b: {  	_ =	shalt  }
0x6c: {  	_ =	shalt  }
0x6d: {  	_ =	shalt  }
0x6e: {  	_ =	shalt  }
0x6f: {  	_ =	shalt  }
0x70: {  	_ =	shalt  }
0x71: {  	_ =	shalt  }
0x72: {  	_ =	shalt  }
0x73: {  	_ =	shalt  }
0x74: {  	_ =	shalt  }
0x75: {  	_ =	shalt  }
0x76: {  	_ =	shalt  }
0x77: {  	_ =	shalt  }
0x78: {  	_ =	shalt  }
0x79: {  	_ =	shalt  }
0x7a: {  	_ =	shalt  }
0x7b: {  	_ =	shalt  }
0x7c: {  	_ =	shalt  }
0x7d: {  	_ =	shalt  }
0x7e: {  	_ =	shalt  }
0x7f: {  	_ =	shalt  }
0x80: {  	_ =	shalt  }
0x81: {  	_ =	shalt  }
0x82: {  	_ =	shalt  }
0x83: {  	_ =	shalt  }
0x84: {  	_ =	shalt  }
0x85: {  	_ =	shalt  }
0x86: {  	_ =	shalt  }
0x87: {  	_ =	shalt  }
.Lfunc_end0:
.L_simem_size_0:
called_computation_lowered:
.L_overlay_start_0:
0x88: {  	s2 =	sld [smem:$0x3FD9]  }
0x89: {  	s3 =	sld [smem:$0x3FFE];
	_ =	sdelay $0x1  }
0x8a: {  	s1 =	srdreg.scid  }
0x8b: {  	s0 =	sand.u32 $0x1, s1  }
0x8c: {  	s17 =	sshll.u32 s0, $0xA;
	s2 =	sadd.s32 s3, s2  }
0x8d: {  	s2 =	sadd.s32 s2, s17  }
0x8e: {  	[smem:$0x3FC4] =	sst s2  }
0x8f: {  	_ = 	snop  }
0x90: {  	s2 =	sld [smem:$0x3FC9]  }
0x91: {  	s18 =	sld [smem:$0x3FC8]  }
0x92: {  	s4 =	sld [smem:$0x3FC7];
	(tm) =	ssettm $0x1  }
0x93: {  	s5 =	sld [smem:$0x3FFB];
	_ =	sdelay $0x3  }
0x94: {  	_ =	strace s5  }
0x95: {  	s5 =	sld [smem:$0x3FFC];
	_ =	sdelay $0x3  }
0x96: {  	_ =	strace s5  }
0x97: {  	s5 =	sld [smem:$0x3FFD];
	_ =	sdelay $0x3  }
0x98: {  	_ =	strace s5  }
0x99: {  	_ =	strace $0x8FFFFFFF  }
0x9a: {  	s19 =	sld [smem:$0x3FDB];
	_ =	sdelay $0x1  }
0x9b: {  	s6 =	simm.s32 $_scs_section_size  }
0x9c: {  	s7 =	simm.s32 $_size__tile_overlayer_lowered;
	s8 =	simm.s32 $_tile_overlayer_lowered  }
0x9d: {  	s22 =	simm.s32 $0x1BFF;
	s21 =	sshll.u32 s8, $0x1;
	s5 =	sadd.s32 s6, s19  }
0x9e: {  	s9 =	simm.s32 $0x0;
	s20 =	sshll.u32 s7, $0x1;
	s7 =	sadd.s32 s21, s5  }
0x9f: {  	[timem:s9], [sflag:s22] =	dma.local [hbm:s7], s20  }
0xa0: {  	_ =	swait.ge [sflag:s22], s20  }
0xa1: {  	s6 =	ssub.s32 $0x0, s20;
	[sflag:s22] =	ssyncset.done $0x0  }
0xa2: {  	[sflag:s22] =	ssyncadd.s32 s6;
	_ =	sdelay $0x1  }
0xa3: {  	s23 =	simm.s32 $0x1B8B  }
0xa4: {  	_ =	swait.ge [sflag:s23], $0x1  }
0xa5: {  	[sflag:s23] =	ssyncset.done $0x0  }
0xa6: {  	s25 =	simm.s32 $0x1B8E;
	s24 =	sld [smem:$0x3FFE];
	[sflag:s23] =	ssyncadd.s32 $0xFFFFFFFF  }
0xa7: {  	s26 =	simm.s32 $execute0_lowered;
	[smem:$0x3FD2] =	sst s25  }
0xa8: {  	s7 =	sshll.u32 s26, $0x1;
	_ =	strace $0x80000046;
	[dreg:$0x1] =	wrdreg $0xFFFFFFFF  }
0xa9: {  	s28 =	simm.s32 $_size_execute0_lowered;
	s5 =	sadd.s32 s5, s7;
	[dreg:$0x0] =	wrdreg $0x0  }
0xaa: {  	s7 =	sshll.u32 s28, $0x1;
	[dreg:$0x2] =	wrdreg s5  }
0xab: {  	[dreg:$0x3] =	wrdreg s7  }
0xac: {  	[dreg:$0x4] =	wrdreg $0xC0  }
0xad: {  	_ =	task [dreg:s9], $0x5FFFF  }
0xae: {  	[dreg:$0x1] =	wrdreg $0xFFFFFFFF  }
0xaf: {  	[dreg:$0x0] =	wrdreg $0x60  }
0xb0: {  	[dreg:$0x2] =	wrdreg s2  }
0xb1: {  	[dreg:$0x3] =	wrdreg s18  }
0xb2: {  	[dreg:$0x4] =	wrdreg s4  }
0xb3: {  	[dreg:$0x5] =	wrdreg s24  }
0xb4: {  	[dreg:$0x6] =	wrdreg $0x9  }
0xb5: {  	_ =	task.clear_ibuf [dreg:s9], $0x7FFFF;
	_ =	strace $0x90000046  }
0xb6: {  	s29 =	simm.s32 $0x9;
	_ =	strace $0x80000048  }
0xb7: {  	_ =	swait.ge [sflag:s29], $0x1  }
0xb8: {  	[sflag:s29] =	ssyncadd.s32 $0xFFFFFFFF  }
0xb9: {  	_ =	strace $0x90000048  }
0xba: {  	_ =	sfence  }
0xbb: {  	s30 =	sld [smem:$0x0];
	_ =	sdelay $0x2  }
0xbc: {  	s31 =	sshll.u32 s1, $0xD;
	s1 =	sshrl.u32 s1, $0x2  }
0xbd: {  	s3 =	sand.u32 $0x4000, s31;
	s1 =	sadd.s32 s1, s30  }
0xbe: {  	s0 =	sor.u32 s3, s0;
	s1 =	sshll.u32 s1, $0x11  }
0xbf: {  	s0 =	sor.u32 s1, s0  }
0xc0: {  	s0 =	sadd.s32 $0x8F2B, s0  }
0xc1: {  	[sflag:s0] =	ssyncadd.remote.s32 $0x1  }
0xc2: {  	_ =	sfence.sel $0xFFFF  }
0xc3: {  	[dreg:$0x0] =	wrdreg $0xFFFFFFFF;
	(pc) =	sbr.abs _section_cstart, $3  }
0xc4: {  	[dreg:$0x1] =	wrdreg $0xFFFFFFFF  }
0xc5: {  	_ =	task.clear_ibuf [dreg:s9], $0x2FFFF;
	_ =	strace $0x9FFFFFFF  }
0xc6: {  	(tm) =	ssettm $0x7FFFFFFF  }
0xc7: {  	_ =	shalt  }
tec
execute0_lowered:
.L_overlay_start_1:
0x0: {  	(tag) =	ssettag $0x1  }
0x1: {  	s0 =	rddreg [dreg:$0x0]  }
0x2: {  	s1 =	rddreg [dreg:$0x1]  }
0x3: {  	s2 =	rddreg [dreg:$0x2]  }
0x4: {  	s4 =	rddreg [dreg:$0x3];
	s5 =	srdreg.scid  }
0x5: {  	s6 =	stileid.u32;
	s3 =	simm.s32 $0x0;
	s19 =	simm.s32 $0x5  }
0x6: {  	s21 =	simm.s32 $0x4100;
	s22 =	simm.s32 $0xC100;
	s28 =	simm.s32 $0xE900  }
0x7: {  	s29 =	simm.s32 $0xF100;
	s30 =	simm.s32 $0xF900;
	s31 =	simm.s32 $0x1  }
0x8: {  	v0 =	vimm.s32 $0xFEDCBA98;
	v1 =	vimm.s32 $0x76543210;
	s10 =	simm.s32 $0x4;
	s5 =	sand.u32 $0x1, s5;
	s6 =	sshll.u32 s6, $0x1  }
0x9: {  	v2 =	vimm.s32 $0xBA98FEDC;
	v3 =	vimm.s32 $0x32107654;
	s11 =	simm.s32 $0x0;
	[smem:$0x7FF] =	sst s3;
	v0 =	vunpack.c.l.s4.s8 v0;
	s6 =	sor.u32 s5, s6  }
0xa: {  	v5 =	vimm.s32 $0x54761032;
	v6 =	vimm.s32 $0xEFCDAB89;
	v1 =	vunpack.c.l.s4.s8 v1;
	_ =	strace $0x80000047;
	s5 =	ssub.s32 $0x2, s5;
	s7 =	sshll.u32 s6, $0x1  }
0xb: {  	v7 =	vimm.s32 $0x67452301;
	vm0 =	vmmov $0xffff;
	s23 =	sshll.u32 s6, $0x8;
	s8 =	sshrl.u32 s5, $0x1;
	s6 =	sshll.u32 s6, $0xD;
	v0 =	vunpack.c.0.s8.s32 v0  }
0xc: {  	v2 =	vunpack.c.l.s4.s8 v2;
	v3 =	vunpack.c.l.s4.s8 v3;
	v1 =	vunpack.c.0.s8.s32 v1;
	s4 =	sadd.s32 s7, s4;
	s7 =	sor.u32 $0x2000, s23;
	s5 =	ssub.s32 s5, s8  }
0xd: {  	v5 =	vunpack.c.l.s4.s8 v5;
	v6 =	vunpack.c.l.s4.s8 v6;
	s9 =	sadd.s32 s6, s0;
	s23 =	simm.s32 $0xC900;
	s24 =	sshrl.u32 s7, $0x3;
	v4 =	vand.u32 $0xF, v0  }
0xe: {  	v7 =	vunpack.c.l.s4.s8 v7;
	s25 =	sshll.u32 s7, $0x5;
	s6 =	sadd.s32 $0x40800, s9;
	s26 =	sadd.s32 $0x41000, s9;
	v1 =	vcombine.low v4, v1;
	v4 =	vimm.s32 $0xDCFE98BA  }
0xf: {  	v2 =	vunpack.c.0.s8.s32 v2;
	v3 =	vunpack.c.0.s8.s32 v3;
	s8 =	sadd.s32 $0x41800, s9;
	s9 =	sadd.s32 $0x1000, s4;
	s7 =	simm.s32 $0x8100;
	v4 =	vunpack.c.l.s4.s8 v4  }
0x10: {  	v5 =	vunpack.c.0.s8.s32 v5;
	v10 =	vunpack.c.0.s8.s32 v6;
	v7 =	vunpack.c.0.s8.s32 v7;
	s18 =	smax.u32 s5, $0x1;
	s1 =	sadd.s32 s1, s24;
	[dreg:$0x6] =	wrdreg s6  }
0x11: {  	v0 =	vlaneseq.u32;
	v2 =	vcombine.low v3, v2;
	s0 =	sadd.s32 s0, s25;
	[dreg:$0x8] =	wrdreg s26;
	s24 =	simm.s32 $0xD100;
	v9 =	vunpack.c.0.s8.s32 v4  }
0x12: {  	v7 =	vcombine.low v7, v10;
	v8 =	vshrl.u32 v0, $0x3;
	s25 =	simm.s32 $0xD900;
	s26 =	simm.s32 $0xE100;
	v3 =	vand.u32 $0x7, v0;
	[dreg:$0x5] =	wrdreg s1  }
0x13: {  	v6 =	vor.u32 $0x8, v0;
	[dreg:$0x7] =	wrdreg s0;
	s0 =	simm.s32 $0x3;
	s1 =	simm.s32 $0x2;
	v4 =	vmul.u32 $0x8, v8;
	v5 =	vcombine.low v5, v9  }
.LBB2_1:
0x14: {  	s4 =	rddreg [dreg:$0x5]  }
0x15: {  	[tilespmem:s3], [sflag:$0x5] =	stream.linear.gather [hbm4b:s4+s3], $0x100, $0x38;
	[tilespmem:$0x10180] =	vst v63  }
0x16: {  	_ =	swait.ge [sflag:s19], $0x100  }
0x17: {  	[sflag:s19] =	ssyncset.done $0x0  }
0x18: {  	s5 =	simm.s32 $0x100;
	s20 =	rddreg [dreg:$0x7];
	[sflag:s19] =	ssyncadd.s32 $0xFFFFFF00  }
0x19: {  	[tilespmem:s5], [sflag:$0x1] =	stream.linear.gather [hbm4b:s20+s3], $0x4000, $0x38;
	[tilespmem:$0x10180] =	vst v63  }
0x1a: {  	v8 =	vld [tilespmem:$0x0];
	_ =	sdelay $0x4  }
0x1b: {  	v9 =	vshll.u32 v8, $0x1  }
0x1c: {  	v8 =	vand.u32 $0x7, v8;
	v9 =	vand.u32 $0xFFFFFFF0, v9  }
0x1d: {  	v8 =	vor.u32 v8, v9  }
0x1e: {  	v9 =	vperm.xlane v8, v3;
	_ =	sdelay $0x1  }
0x1f: {  	v8 =	vperm.xlane v8, v6;
	v9 =	vadd.s32 v4, v9;
	_ =	sdelay $0x1  }
0x20: {  	v8 =	vadd.s32 v4, v8;
	_ =	sdelay $0x2  }
0x21: {  	[tilespmem:s7], [sflag:$0x3] =	stream.indirect_vreg.gather [hbm4b:s2+s3], $0x80, v9, vm0, $0xb8;
	[tilespmem:$0x10180] =	vst v63  }
0x22: {  	s6 =	simm.s32 $0x8900  }
0x23: {  	[tilespmem:s6], [sflag:$0x3] =	stream.indirect_vreg.gather [hbm4b:s2+s3], $0x80, v8, vm0, $0xb8;
	[tilespmem:$0x10180] =	vst v63  }
0x24: {  	v8 =	vld [tilespmem:$0x10];
	_ =	sdelay $0x4  }
0x25: {  	v9 =	vshll.u32 v8, $0x1  }
0x26: {  	v8 =	vand.u32 $0x7, v8;
	v9 =	vand.u32 $0xFFFFFFF0, v9  }
0x27: {  	v8 =	vor.u32 v8, v9  }
0x28: {  	v9 =	vperm.xlane v8, v3;
	_ =	sdelay $0x1  }
0x29: {  	v8 =	vperm.xlane v8, v6;
	v9 =	vadd.s32 v4, v9;
	_ =	sdelay $0x1  }
0x2a: {  	v8 =	vadd.s32 v4, v8;
	_ =	sdelay $0x1  }
0x2b: {  	s12 =	simm.s32 $0x9100  }
0x2c: {  	[tilespmem:s12], [sflag:$0x3] =	stream.indirect_vreg.gather [hbm4b:s2+s3], $0x80, v9, vm0, $0xb8;
	[tilespmem:$0x10180] =	vst v63  }
0x2d: {  	s13 =	simm.s32 $0x9900  }
0x2e: {  	[tilespmem:s13], [sflag:$0x3] =	stream.indirect_vreg.gather [hbm4b:s2+s3], $0x80, v8, vm0, $0xb8;
	[tilespmem:$0x10180] =	vst v63  }
0x2f: {  	v8 =	vld [tilespmem:$0x20];
	_ =	sdelay $0x4  }
0x30: {  	v9 =	vshll.u32 v8, $0x1  }
0x31: {  	v8 =	vand.u32 $0x7, v8;
	v9 =	vand.u32 $0xFFFFFFF0, v9  }
0x32: {  	v8 =	vor.u32 v8, v9  }
0x33: {  	v9 =	vperm.xlane v8, v3;
	_ =	sdelay $0x1  }
0x34: {  	v8 =	vperm.xlane v8, v6;
	v9 =	vadd.s32 v4, v9;
	_ =	sdelay $0x1  }
0x35: {  	v8 =	vadd.s32 v4, v8;
	_ =	sdelay $0x1  }
0x36: {  	s14 =	simm.s32 $0xA100  }
0x37: {  	[tilespmem:s14], [sflag:$0x3] =	stream.indirect_vreg.gather [hbm4b:s2+s3], $0x80, v9, vm0, $0xb8;
	[tilespmem:$0x10180] =	vst v63  }
0x38: {  	s15 =	simm.s32 $0xA900  }
0x39: {  	[tilespmem:s15], [sflag:$0x3] =	stream.indirect_vreg.gather [hbm4b:s2+s3], $0x80, v8, vm0, $0xb8;
	[tilespmem:$0x10180] =	vst v63  }
0x3a: {  	v8 =	vld [tilespmem:$0x30];
	_ =	sdelay $0x4  }
0x3b: {  	v9 =	vshll.u32 v8, $0x1  }
0x3c: {  	v8 =	vand.u32 $0x7, v8;
	v9 =	vand.u32 $0xFFFFFFF0, v9  }
0x3d: {  	v8 =	vor.u32 v8, v9  }
0x3e: {  	v9 =	vperm.xlane v8, v3;
	_ =	sdelay $0x1  }
0x3f: {  	v8 =	vperm.xlane v8, v6;
	v9 =	vadd.s32 v4, v9;
	_ =	sdelay $0x1  }
0x40: {  	v8 =	vadd.s32 v4, v8;
	_ =	sdelay $0x1  }
0x41: {  	s16 =	simm.s32 $0xB100  }
0x42: {  	[tilespmem:s16], [sflag:$0x3] =	stream.indirect_vreg.gather [hbm4b:s2+s3], $0x80, v9, vm0, $0xb8;
	[tilespmem:$0x10180] =	vst v63  }
0x43: {  	s17 =	simm.s32 $0xB900  }
0x44: {  	[tilespmem:s17], [sflag:$0x3] =	stream.indirect_vreg.gather [hbm4b:s2+s3], $0x80, v8, vm0, $0xb8;
	[tilespmem:$0x10180] =	vst v63  }
0x45: {  	s20 =	rddreg [dreg:$0x6]  }
0x46: {  	[tilespmem:s21], [sflag:$0x2] =	stream.linear.gather [hbm4b:s20+s3], $0x4000, $0x38;
	[tilespmem:$0x10180] =	vst v63  }
0x47: {  	v8 =	vld [tilespmem:$0x40];
	_ =	sdelay $0x4  }
0x48: {  	v9 =	vshll.u32 v8, $0x1  }
0x49: {  	v8 =	vand.u32 $0x7, v8;
	v9 =	vand.u32 $0xFFFFFFF0, v9  }
0x4a: {  	v8 =	vor.u32 v8, v9  }
0x4b: {  	v9 =	vperm.xlane v8, v3;
	_ =	sdelay $0x1  }
0x4c: {  	v8 =	vperm.xlane v8, v6;
	v9 =	vadd.s32 v4, v9;
	_ =	sdelay $0x1  }
0x4d: {  	v8 =	vadd.s32 v4, v8;
	_ =	sdelay $0x2  }
0x4e: {  	[tilespmem:s22], [sflag:$0x4] =	stream.indirect_vreg.gather [hbm4b:s2+s3], $0x80, v9, vm0, $0xb8;
	[tilespmem:$0x10180] =	vst v63  }
0x4f: {  	_ = 	snop  }
0x50: {  	[tilespmem:s23], [sflag:$0x4] =	stream.indirect_vreg.gather [hbm4b:s2+s3], $0x80, v8, vm0, $0xb8;
	[tilespmem:$0x10180] =	vst v63  }
0x51: {  	v8 =	vld [tilespmem:$0x50];
	_ =	sdelay $0x4  }
0x52: {  	v9 =	vshll.u32 v8, $0x1  }
0x53: {  	v8 =	vand.u32 $0x7, v8;
	v9 =	vand.u32 $0xFFFFFFF0, v9  }
0x54: {  	v8 =	vor.u32 v8, v9  }
0x55: {  	v9 =	vperm.xlane v8, v3;
	_ =	sdelay $0x1  }
0x56: {  	v8 =	vperm.xlane v8, v6;
	v9 =	vadd.s32 v4, v9;
	_ =	sdelay $0x1  }
0x57: {  	v8 =	vadd.s32 v4, v8;
	_ =	sdelay $0x2  }
0x58: {  	[tilespmem:s24], [sflag:$0x4] =	stream.indirect_vreg.gather [hbm4b:s2+s3], $0x80, v9, vm0, $0xb8;
	[tilespmem:$0x10180] =	vst v63  }
0x59: {  	_ = 	snop  }
0x5a: {  	[tilespmem:s25], [sflag:$0x4] =	stream.indirect_vreg.gather [hbm4b:s2+s3], $0x80, v8, vm0, $0xb8;
	[tilespmem:$0x10180] =	vst v63  }
0x5b: {  	v8 =	vld [tilespmem:$0x60];
	_ =	sdelay $0x4  }
0x5c: {  	v9 =	vshll.u32 v8, $0x1  }
0x5d: {  	v8 =	vand.u32 $0x7, v8;
	v9 =	vand.u32 $0xFFFFFFF0, v9  }
0x5e: {  	v8 =	vor.u32 v8, v9  }
0x5f: {  	v9 =	vperm.xlane v8, v3;
	_ =	sdelay $0x1  }
0x60: {  	v8 =	vperm.xlane v8, v6;
	v9 =	vadd.s32 v4, v9;
	_ =	sdelay $0x1  }
0x61: {  	v8 =	vadd.s32 v4, v8;
	_ =	sdelay $0x2  }
0x62: {  	[tilespmem:s26], [sflag:$0x4] =	stream.indirect_vreg.gather [hbm4b:s2+s3], $0x80, v9, vm0, $0xb8;
	[tilespmem:$0x10180] =	vst v63  }
0x63: {  	_ = 	snop  }
0x64: {  	[tilespmem:s28], [sflag:$0x4] =	stream.indirect_vreg.gather [hbm4b:s2+s3], $0x80, v8, vm0, $0xb8;
	[tilespmem:$0x10180] =	vst v63  }
0x65: {  	v8 =	vld [tilespmem:$0x70];
	_ =	sdelay $0x4  }
0x66: {  	v9 =	vshll.u32 v8, $0x1  }
0x67: {  	v8 =	vand.u32 $0x7, v8;
	v9 =	vand.u32 $0xFFFFFFF0, v9  }
0x68: {  	v8 =	vor.u32 v8, v9  }
0x69: {  	v9 =	vperm.xlane v8, v3;
	_ =	sdelay $0x1  }
0x6a: {  	v8 =	vperm.xlane v8, v6;
	v9 =	vadd.s32 v4, v9;
	_ =	sdelay $0x1  }
0x6b: {  	v8 =	vadd.s32 v4, v8;
	_ =	sdelay $0x2  }
0x6c: {  	[tilespmem:s29], [sflag:$0x4] =	stream.indirect_vreg.gather [hbm4b:s2+s3], $0x80, v9, vm0, $0xb8;
	[tilespmem:$0x10180] =	vst v63  }
0x6d: {  	_ = 	snop  }
0x6e: {  	[tilespmem:s30], [sflag:$0x4] =	stream.indirect_vreg.gather [hbm4b:s2+s3], $0x80, v8, vm0, $0xb8;
	[tilespmem:$0x10180] =	vst v63  }
0x6f: {  	_ =	swait.ge [sflag:s31], $0x4000  }
0x70: {  	[sflag:s31] =	ssyncset.done $0x0  }
0x71: {  	[sflag:s31] =	ssyncadd.s32 $0xFFFFC000  }
0x72: {  	_ =	swait.ge [sflag:s0], $0x4000  }
0x73: {  	[sflag:s0] =	ssyncset.done $0x0  }
0x74: {  	s12 =	simm.s32 $0x0;
	v8 =	vimm.f32 $0.0e+00;
	[sflag:s0] =	ssyncadd.s32 $0xFFFFC000  }
.LBB2_2:
0x75: {  	s13 =	simm.s32 $0x0  }
0x76: {  	s14 =	sshll.u32 s12, $0xC;
	s4 =	sand.u32 $0x800, s13  }
0x77: {  	s5 =	sand.u32 $0x380, s13;
	s4 =	sor.u32 s14, s4  }
0x78: {  	s4 =	sor.u32 s5, s4  }
0x79: {  	v9 =	vld [tilespmem:s4+$0x540]  }
0x7a: {  	v10 =	vld [tilespmem:s4+$0x8540]  }
0x7b: {  	v11 =	vld [tilespmem:s4+$0x550]  }
0x7c: {  	v12 =	vld [tilespmem:s4+$0x8550]  }
0x7d: {  	v13 =	vld [tilespmem:s4+$0x560]  }
0x7e: {  	v14 =	vld [tilespmem:s4+$0x8560]  }
0x7f: {  	v15 =	vld [tilespmem:s4+$0x570]  }
0x80: {  	v16 =	vld [tilespmem:s4+$0x8570]  }
0x81: {  	v17 =	vld [tilespmem:s4+$0x500]  }
0x82: {  	v18 =	vld [tilespmem:s4+$0x8500]  }
0x83: {  	v19 =	vld [tilespmem:s4+$0x510]  }
0x84: {  	v20 =	vld [tilespmem:s4+$0x8510]  }
0x85: {  	v21 =	vld [tilespmem:s4+$0x520]  }
0x86: {  	v22 =	vld [tilespmem:s4+$0x8520]  }
0x87: {  	v23 =	vld [tilespmem:s4+$0x100]  }
0x88: {  	v24 =	vld [tilespmem:s4+$0x8100]  }
0x89: {  	v25 =	vld [tilespmem:s4+$0x110]  }
0x8a: {  	v26 =	vld [tilespmem:s4+$0x8110]  }
0x8b: {  	v27 =	vld [tilespmem:s4+$0x120]  }
0x8c: {  	v28 =	vld [tilespmem:s4+$0x8120]  }
0x8d: {  	v29 =	vld [tilespmem:s4+$0x130]  }
0x8e: {  	v30 =	vld [tilespmem:s4+$0x8130]  }
0x8f: {  	v31 =	vld [tilespmem:s4+$0x140]  }
0x90: {  	v32 =	vld [tilespmem:s4+$0x8140]  }
0x91: {  	v33 =	vld [tilespmem:s4+$0x150]  }
0x92: {  	v34 =	vld [tilespmem:s4+$0x8150]  }
0x93: {  	v9 =	vsub.f32 v9, v10;
	v10 =	vsub.f32 v11, v12;
	v11 =	vld [tilespmem:s4+$0x160]  }
0x94: {  	v12 =	vsub.f32 v13, v14;
	v13 =	vsub.f32 v15, v16;
	v14 =	vld [tilespmem:s4+$0x8160]  }
0x95: {  	s15 =	simm.s32 $0x100;
	v15 =	vsub.f32 v17, v18;
	v16 =	vsub.f32 v19, v20;
	v17 =	vld [tilespmem:s4+$0x170]  }
0x96: {  	s17 =	simm.s32 $0x80;
	s20 =	sand.u32 $0x800, s15;
	v18 =	vsub.f32 v23, v24;
	v19 =	vsub.f32 v25, v26;
	v20 =	vld [tilespmem:s4+$0x8170]  }
0x97: {  	s16 =	sand.u32 $0x380, s17;
	s5 =	sor.u32 s14, s20;
	v23 =	vsub.f32 v27, v28;
	v24 =	vsub.f32 v29, v30;
	v25 =	vld [tilespmem:s4+$0x530]  }
0x98: {  	s16 =	sor.u32 s16, s5;
	v26 =	vsub.f32 v31, v32;
	v27 =	vld [tilespmem:s4+$0x8530];
	v9 =	vmul.f32 v9, v9;
	v10 =	vmul.f32 v10, v10  }
0x99: {  	v62 =	vld [tilespmem:s16+$0x8540];
	v28 =	vsub.f32 v33, v34;
	v15 =	vmul.f32 v15, v15;
	v16 =	vmul.f32 v16, v16  }
0x9a: {  	v63 =	vld [tilespmem:s16+$0x550];
	v18 =	vmul.f32 v18, v18;
	v19 =	vmul.f32 v19, v19;
	v11 =	vsub.f32 v11, v14  }
0x9b: {  	v35 =	vld [tilespmem:s16+$0x560];
	v14 =	vmul.f32 v23, v23;
	v23 =	vmul.f32 v24, v24;
	v17 =	vsub.f32 v17, v20  }
0x9c: {  	v36 =	vld [tilespmem:s16+$0x8560];
	v21 =	vsub.f32 v21, v22;
	v24 =	vmul.f32 v26, v26;
	v26 =	vmul.f32 v28, v28  }
0x9d: {  	v37 =	vld [tilespmem:s16+$0x570];
	v22 =	vsub.f32 v25, v27;
	v11 =	vmul.f32 v11, v11;
	v17 =	vmul.f32 v17, v17  }
0x9e: {  	v38 =	vld [tilespmem:s16+$0x8570];
	v21 =	vmul.f32 v21, v21;
	v18 =	vadd.f32 v24, v18;
	v19 =	vadd.f32 v26, v19  }
0x9f: {  	v30 =	vld [tilespmem:s16+$0x540];
	v22 =	vmul.f32 v22, v22;
	v11 =	vadd.f32 v11, v14;
	v17 =	vadd.f32 v17, v23  }
0xa0: {  	v29 =	vld [tilespmem:s16+$0x130];
	v12 =	vmul.f32 v12, v12;
	v18 =	vadd.f32 v15, v18;
	v16 =	vadd.f32 v16, v19  }
0xa1: {  	v33 =	vld [tilespmem:s16+$0x8130];
	v13 =	vmul.f32 v13, v13;
	v11 =	vadd.f32 v21, v11;
	v17 =	vadd.f32 v22, v17  }
0xa2: {  	v31 =	vld [tilespmem:s16+$0x8140];
	v9 =	vadd.f32 v9, v18;
	v19 =	vadd.f32 v10, v16  }
0xa3: {  	v32 =	vld [tilespmem:s16+$0x8150];
	v11 =	vadd.f32 v12, v11;
	v12 =	vadd.f32 v13, v17  }
0xa4: {  	v20 =	vld [tilespmem:s16+$0x8550]  }
0xa5: {  	v27 =	vld [tilespmem:s16+$0x8110];
	v9 =	vadd.f32 v19, v9;
	v12 =	vadd.f32 v12, v11  }
0xa6: {  	v28 =	vld [tilespmem:s16+$0x8120]  }
0xa7: {  	v26 =	vld [tilespmem:s16+$0x140];
	v9 =	vadd.f32 v12, v9  }
0xa8: {  	v24 =	vld [tilespmem:s16+$0x150]  }
0xa9: {  	v14 =	vld [tilespmem:s16+$0x500];
	v12 =	vperm.xlane v9, v1  }
0xaa: {  	v15 =	vld [tilespmem:s16+$0x8500]  }
0xab: {  	v23 =	vld [tilespmem:s16+$0x120];
	v9 =	vadd.f32 v9, v12  }
0xac: {  	v16 =	vld [tilespmem:s16+$0x510]  }
0xad: {  	v18 =	vld [tilespmem:s16+$0x8510];
	v12 =	vperm.xlane v9, v2  }
0xae: {  	v21 =	vld [tilespmem:s16+$0x8100]  }
0xaf: {  	v22 =	vld [tilespmem:s16+$0x110];
	v9 =	vadd.f32 v9, v12  }
0xb0: {  	v19 =	vld [tilespmem:s16+$0x100]  }
0xb1: {  	v25 =	vsub.f32 v30, v62;
	v30 =	vsub.f32 v63, v20;
	v20 =	vld [tilespmem:s16+$0x160];
	v17 =	vperm.xlane v9, v5  }
0xb2: {  	v10 =	vld [tilespmem:s16+$0x520];
	v13 =	vsub.f32 v35, v36  }
0xb3: {  	s5 =	simm.s32 $0x2;
	s4 =	simm.s32 $0x1;
	v11 =	vld [tilespmem:s16+$0x8520];
	v12 =	vsub.f32 v37, v38;
	v17 =	vadd.f32 v9, v17;
	v9 =	vimm.f32 $0.0e+00  }
.LBB2_3:
0xb4: {  	p0 =	sne.s32 s5, $0xF;
	v34 =	vld [tilespmem:s16+$0x8160];
	v14 =	vsub.f32 v14, v15;
	v15 =	vsub.f32 v16, v18  }
0xb5: {  	v16 =	vsub.f32 v19, v21;
	v18 =	vsub.f32 v22, v27;
	s15 =	sadd.s32 $0x100, s15;
	v19 =	vld [tilespmem:s16+$0x170];
	v21 =	vperm.xlane v17, v7  }
0xb6: {  	v22 =	vsub.f32 v23, v28;
	v23 =	vsub.f32 v29, v33;
	s17 =	sadd.s32 $0x80, s17;
	v28 =	vmov s13;
	s13 =	smov.u32 s4;
	s20 =	sand.u32 $0x800, s15;
	v27 =	vld [tilespmem:s16+$0x8170]  }
0xb7: {  	s4 =	smov.u32 s5;
	s6 =	sand.u32 $0x380, s17;
	v26 =	vsub.f32 v26, v31;
	vm1 =	veq.s32 v28, v0;
	s20 =	sor.u32 s14, s20;
	v29 =	vld [tilespmem:s16+$0x530];
	v17 =	vadd.f32 v17, v21  }
0xb8: {  	v25 =	vmul.f32 v25, v25;
	v28 =	vmul.f32 v30, v30;
	v21 =	vsub.f32 v24, v32;
	v24 =	vld [tilespmem:s16+$0x8530];
	s16 =	sor.u32 s6, s20  }
0xb9: {  	v14 =	vmul.f32 v14, v14;
	v15 =	vmul.f32 v15, v15;
	v30 =	vld [tilespmem:s16+$0x540];
	v9 =	vsel vm1, v17, v9  }
0xba: {  	v16 =	vmul.f32 v16, v16;
	v18 =	vmul.f32 v18, v18;
	v20 =	vsub.f32 v20, v34;
	v17 =	vld [tilespmem:s16+$0x8540]  }
0xbb: {  	v22 =	vmul.f32 v22, v22;
	v23 =	vmul.f32 v23, v23;
	v34 =	vld [tilespmem:s16+$0x550];
	v19 =	vsub.f32 v19, v27  }
0xbc: {  	v10 =	vsub.f32 v10, v11;
	v26 =	vmul.f32 v26, v26;
	v21 =	vmul.f32 v21, v21;
	v35 =	vld [tilespmem:s16+$0x8550]  }
0xbd: {  	v11 =	vmul.f32 v20, v20;
	v36 =	vld [tilespmem:s16+$0x560];
	v19 =	vmul.f32 v19, v19;
	v20 =	vsub.f32 v29, v24  }
0xbe: {  	v10 =	vmul.f32 v10, v10;
	v16 =	vadd.f32 v26, v16;
	v18 =	vadd.f32 v21, v18;
	v37 =	vld [tilespmem:s16+$0x8560]  }
0xbf: {  	v11 =	vadd.f32 v11, v22;
	v38 =	vld [tilespmem:s16+$0x570];
	v19 =	vadd.f32 v19, v23;
	v20 =	vmul.f32 v20, v20  }
0xc0: {  	v13 =	vmul.f32 v13, v13;
	v16 =	vadd.f32 v14, v16;
	v18 =	vadd.f32 v15, v18;
	v39 =	vld [tilespmem:s16+$0x8570]  }
0xc1: {  	v12 =	vmul.f32 v12, v12;
	v10 =	vadd.f32 v10, v11;
	v14 =	vld [tilespmem:s16+$0x500];
	v11 =	vadd.f32 v20, v19  }
0xc2: {  	v19 =	vadd.f32 v25, v16;
	v20 =	vadd.f32 v28, v18;
	v15 =	vld [tilespmem:s16+$0x8500]  }
0xc3: {  	v13 =	vadd.f32 v13, v10;
	v16 =	vld [tilespmem:s16+$0x510];
	v11 =	vadd.f32 v12, v11  }
0xc4: {  	v18 =	vld [tilespmem:s16+$0x8510]  }
0xc5: {  	v12 =	vadd.f32 v20, v19;
	v10 =	vld [tilespmem:s16+$0x520];
	v13 =	vadd.f32 v11, v13  }
0xc6: {  	v11 =	vld [tilespmem:s16+$0x8520]  }
0xc7: {  	v19 =	vld [tilespmem:s16+$0x100];
	v12 =	vadd.f32 v13, v12  }
0xc8: {  	v21 =	vld [tilespmem:s16+$0x8100]  }
0xc9: {  	v22 =	vld [tilespmem:s16+$0x110];
	v13 =	vperm.xlane v12, v1  }
0xca: {  	v27 =	vld [tilespmem:s16+$0x8110]  }
0xcb: {  	v23 =	vld [tilespmem:s16+$0x120];
	v12 =	vadd.f32 v12, v13  }
0xcc: {  	v28 =	vld [tilespmem:s16+$0x8120]  }
0xcd: {  	v29 =	vld [tilespmem:s16+$0x130];
	v13 =	vperm.xlane v12, v2  }
0xce: {  	v33 =	vld [tilespmem:s16+$0x8130]  }
.Ltmp0:
0xcf: {  	v26 =	vld [tilespmem:s16+$0x140];
	v40 =	vadd.f32 v12, v13;
	(pc) =	sbr.rel @p0 .LBB2_3-.Ltmp0, $4  }
0xd0: {  	v31 =	vld [tilespmem:s16+$0x8140]  }
0xd1: {  	v25 =	vsub.f32 v30, v17;
	v24 =	vld [tilespmem:s16+$0x150];
	v17 =	vperm.xlane v40, v5  }
0xd2: {  	v30 =	vsub.f32 v34, v35;
	v13 =	vsub.f32 v36, v37;
	v32 =	vld [tilespmem:s16+$0x8150]  }
0xd3: {  	s5 =	sadd.s32 $0x1, s5;
	v12 =	vsub.f32 v38, v39;
	v20 =	vld [tilespmem:s16+$0x160];
	v17 =	vadd.f32 v40, v17  }
0xd4: {  	v34 =	vld [tilespmem:s16+$0x8160]  }
0xd5: {  	v14 =	vsub.f32 v14, v15;
	v48 =	vld [tilespmem:s16+$0x170]  }
0xd6: {  	v47 =	vsub.f32 v16, v18;
	v49 =	vsub.f32 v19, v21;
	v51 =	vld [tilespmem:s16+$0x8170]  }
0xd7: {  	v50 =	vsub.f32 v22, v27;
	v52 =	vsub.f32 v23, v28;
	v54 =	vld [tilespmem:s16+$0x530];
	v25 =	vmul.f32 v25, v25  }
0xd8: {  	v53 =	vsub.f32 v29, v33;
	v55 =	vld [tilespmem:s16+$0x8530];
	v56 =	vmul.f32 v30, v30;
	v14 =	vmul.f32 v14, v14  }
0xd9: {  	v26 =	vsub.f32 v26, v31;
	v15 =	vmul.f32 v47, v47;
	v18 =	vmul.f32 v49, v49  }
0xda: {  	v19 =	vmul.f32 v50, v50;
	v22 =	vmul.f32 v52, v52;
	v24 =	vsub.f32 v24, v32  }
0xdb: {  	v23 =	vmul.f32 v53, v53;
	v20 =	vsub.f32 v20, v34;
	v16 =	vsub.f32 v48, v51  }
0xdc: {  	v10 =	vsub.f32 v10, v11;
	v57 =	vmul.f32 v26, v26;
	v24 =	vmul.f32 v24, v24  }
0xdd: {  	v58 =	vsub.f32 v54, v55;
	v11 =	vmul.f32 v20, v20;
	v16 =	vmul.f32 v16, v16  }
0xde: {  	v10 =	vmul.f32 v10, v10;
	v18 =	vadd.f32 v57, v18;
	v19 =	vadd.f32 v24, v19  }
0xdf: {  	v20 =	vmul.f32 v58, v58;
	v11 =	vadd.f32 v11, v22;
	v16 =	vadd.f32 v16, v23  }
0xe0: {  	v13 =	vmul.f32 v13, v13;
	v14 =	vadd.f32 v14, v18;
	v15 =	vadd.f32 v15, v19  }
0xe1: {  	v12 =	vmul.f32 v12, v12;
	v10 =	vadd.f32 v10, v11;
	v11 =	vadd.f32 v20, v16  }
0xe2: {  	v14 =	vadd.f32 v25, v14;
	v15 =	vadd.f32 v56, v15  }
0xe3: {  	v10 =	vadd.f32 v13, v10;
	v11 =	vadd.f32 v12, v11;
	_ =	sdelay $0x1  }
0xe4: {  	v59 =	vadd.f32 v15, v14;
	v10 =	vadd.f32 v11, v10;
	_ =	sdelay $0x1  }
0xe5: {  	v10 =	vadd.f32 v10, v59;
	_ =	sdelay $0x1  }
0xe6: {  	v11 =	vperm.xlane v10, v1;
	_ =	sdelay $0x1  }
0xe7: {  	v10 =	vadd.f32 v10, v11;
	_ =	sdelay $0x1  }
0xe8: {  	v11 =	vperm.xlane v10, v2;
	_ =	sdelay $0x1  }
0xe9: {  	v10 =	vadd.f32 v10, v11;
	_ =	sdelay $0x1  }
0xea: {  	v11 =	vperm.xlane v10, v5;
	_ =	sdelay $0x1  }
0xeb: {  	v10 =	vadd.f32 v10, v11  }
0xec: {  	v11 =	vperm.xlane v17, v7  }
0xed: {  	v60 =	vperm.xlane v10, v7  }
0xee: {  	v61 =	vmov s13;
	v11 =	vadd.f32 v17, v11  }
0xef: {  	v62 =	vmov s4;
	vm1 =	veq.s32 v61, v0;
	v10 =	vadd.f32 v10, v60  }
0xf0: {  	v9 =	vsel vm1, v11, v9;
	vm1 =	veq.s32 v62, v0  }
0xf1: {  	v9 =	vsel vm1, v10, v9  }
0xf2: {  	v9 =	vadd.f32 $1.000000000e-30, v9;
	_ =	sdelay $0x1  }
0xf3: {  	v10 =	vshrl.u32 v9, $0x1;
	v11 =	vmul.f32 $5.000000000e-01, v9  }
0xf4: {  	v10 =	vsub.s32 $0x5F3759DF, v10  }
0xf5: {  	v63 =	vmul.f32 v10, v11;
	_ =	sdelay $0x1  }
0xf6: {  	v12 =	vmul.f32 v10, v63;
	_ =	sdelay $0x1  }
0xf7: {  	v12 =	vsub.f32 $1.500000000e+00, v12;
	_ =	sdelay $0x1  }
0xf8: {  	v10 =	vmul.f32 v10, v12;
	_ =	sdelay $0x1  }
0xf9: {  	v12 =	vmul.f32 v10, v11;
	_ =	sdelay $0x1  }
0xfa: {  	v12 =	vmul.f32 v12, v10;
	_ =	sdelay $0x1  }
0xfb: {  	v12 =	vsub.f32 $1.500000000e+00, v12;
	_ =	sdelay $0x1  }
0xfc: {  	v10 =	vmul.f32 v12, v10;
	_ =	sdelay $0x1  }
0xfd: {  	v11 =	vmul.f32 v10, v11;
	_ =	sdelay $0x1  }
0xfe: {  	v11 =	vmul.f32 v11, v10;
	_ =	sdelay $0x1  }
0xff: {  	s12 =	sadd.s32 $0x1, s12;
	v11 =	vsub.f32 $1.500000000e+00, v11  }
0x100: {  	p0 =	sne.s32 s12, $0x4  }
.Ltmp1:
0x101: {  	v10 =	vmul.f32 v11, v10;
	(pc) =	sbr.rel @p0 .LBB2_2-.Ltmp1, $3  }
0x102: {  	_ = 	snop  }
0x103: {  	v9 =	vmul.f32 v10, v9;
	_ =	sdelay $0x1  }
0x104: {  	v8 =	vadd.f32 v9, v8  }
0x105: {  	s12 =	simm.s32 $0x0;
	s4 =	rddreg [dreg:$0x8];
	s5 =	simm.s32 $0x100  }
0x106: {  	[tilespmem:s5], [sflag:$0x1] =	stream.linear.gather [hbm4b:s4+s12], $0x4000, $0x38;
	[tilespmem:$0x10180] =	vst v63  }
0x107: {  	v9 =	vld [tilespmem:$0x80];
	_ =	sdelay $0x4  }
0x108: {  	v10 =	vshll.u32 v9, $0x1  }
0x109: {  	v9 =	vand.u32 $0x7, v9;
	v10 =	vand.u32 $0xFFFFFFF0, v10  }
0x10a: {  	v9 =	vor.u32 v9, v10  }
0x10b: {  	v10 =	vperm.xlane v9, v3;
	_ =	sdelay $0x1  }
0x10c: {  	v9 =	vperm.xlane v9, v6;
	v10 =	vadd.s32 v4, v10;
	_ =	sdelay $0x1  }
0x10d: {  	v9 =	vadd.s32 v4, v9;
	_ =	sdelay $0x2  }
0x10e: {  	[tilespmem:s7], [sflag:$0x3] =	stream.indirect_vreg.gather [hbm4b:s2+s12], $0x80, v10, vm0, $0xb8;
	[tilespmem:$0x10180] =	vst v63  }
0x10f: {  	s7 =	simm.s32 $0x8900  }
0x110: {  	[tilespmem:s7], [sflag:$0x3] =	stream.indirect_vreg.gather [hbm4b:s2+s12], $0x80, v9, vm0, $0xb8;
	[tilespmem:$0x10180] =	vst v63  }
0x111: {  	v9 =	vld [tilespmem:$0x90];
	_ =	sdelay $0x4  }
0x112: {  	v10 =	vshll.u32 v9, $0x1  }
0x113: {  	v9 =	vand.u32 $0x7, v9;
	v10 =	vand.u32 $0xFFFFFFF0, v10  }
0x114: {  	v9 =	vor.u32 v9, v10  }
0x115: {  	v10 =	vperm.xlane v9, v3;
	_ =	sdelay $0x1  }
0x116: {  	v9 =	vperm.xlane v9, v6;
	v10 =	vadd.s32 v4, v10;
	_ =	sdelay $0x1  }
0x117: {  	v9 =	vadd.s32 v4, v9;
	_ =	sdelay $0x1  }
0x118: {  	s13 =	simm.s32 $0x9100  }
0x119: {  	[tilespmem:s13], [sflag:$0x3] =	stream.indirect_vreg.gather [hbm4b:s2+s12], $0x80, v10, vm0, $0xb8;
	[tilespmem:$0x10180] =	vst v63  }
0x11a: {  	s14 =	simm.s32 $0x9900  }
0x11b: {  	[tilespmem:s14], [sflag:$0x3] =	stream.indirect_vreg.gather [hbm4b:s2+s12], $0x80, v9, vm0, $0xb8;
	[tilespmem:$0x10180] =	vst v63  }
0x11c: {  	v9 =	vld [tilespmem:$0xA0];
	_ =	sdelay $0x4  }
0x11d: {  	v10 =	vshll.u32 v9, $0x1  }
0x11e: {  	v9 =	vand.u32 $0x7, v9;
	v10 =	vand.u32 $0xFFFFFFF0, v10  }
0x11f: {  	v9 =	vor.u32 v9, v10  }
0x120: {  	v10 =	vperm.xlane v9, v3;
	_ =	sdelay $0x1  }
0x121: {  	v9 =	vperm.xlane v9, v6;
	v10 =	vadd.s32 v4, v10;
	_ =	sdelay $0x1  }
0x122: {  	v9 =	vadd.s32 v4, v9;
	_ =	sdelay $0x1  }
0x123: {  	s15 =	simm.s32 $0xA100  }
0x124: {  	[tilespmem:s15], [sflag:$0x3] =	stream.indirect_vreg.gather [hbm4b:s2+s12], $0x80, v10, vm0, $0xb8;
	[tilespmem:$0x10180] =	vst v63  }
0x125: {  	s16 =	simm.s32 $0xA900  }
0x126: {  	[tilespmem:s16], [sflag:$0x3] =	stream.indirect_vreg.gather [hbm4b:s2+s12], $0x80, v9, vm0, $0xb8;
	[tilespmem:$0x10180] =	vst v63  }
0x127: {  	v9 =	vld [tilespmem:$0xB0];
	_ =	sdelay $0x4  }
0x128: {  	v10 =	vshll.u32 v9, $0x1  }
0x129: {  	v9 =	vand.u32 $0x7, v9;
	v10 =	vand.u32 $0xFFFFFFF0, v10  }
0x12a: {  	v9 =	vor.u32 v9, v10  }
0x12b: {  	v10 =	vperm.xlane v9, v3;
	_ =	sdelay $0x1  }
0x12c: {  	v9 =	vperm.xlane v9, v6;
	v10 =	vadd.s32 v4, v10;
	_ =	sdelay $0x1  }
0x12d: {  	v9 =	vadd.s32 v4, v9;
	_ =	sdelay $0x1  }
0x12e: {  	s17 =	simm.s32 $0xB100  }
0x12f: {  	[tilespmem:s17], [sflag:$0x3] =	stream.indirect_vreg.gather [hbm4b:s2+s12], $0x80, v10, vm0, $0xb8;
	[tilespmem:$0x10180] =	vst v63  }
0x130: {  	s20 =	simm.s32 $0xB900  }
0x131: {  	[tilespmem:s20], [sflag:$0x3] =	stream.indirect_vreg.gather [hbm4b:s2+s12], $0x80, v9, vm0, $0xb8;
	[tilespmem:$0x10180] =	vst v63  }
0x132: {  	_ =	swait.ge [sflag:s1], $0x4000  }
0x133: {  	[sflag:s1] =	ssyncset.done $0x0  }
0x134: {  	[sflag:s1] =	ssyncadd.s32 $0xFFFFC000  }
0x135: {  	_ =	swait.ge [sflag:s10], $0x4000  }
0x136: {  	[sflag:s10] =	ssyncset.done $0x0  }
0x137: {  	s13 =	simm.s32 $0x0;
	[sflag:s10] =	ssyncadd.s32 $0xFFFFC000  }
.LBB2_6:
0x138: {  	s14 =	sshll.u32 s13, $0xC;
	s4 =	sand.u32 $0x800, s12  }
0x139: {  	s5 =	sand.u32 $0x380, s12;
	s4 =	sor.u32 s14, s4  }
0x13a: {  	s4 =	sor.u32 s5, s4  }
0x13b: {  	v9 =	vld [tilespmem:s4+$0x4540]  }
0x13c: {  	v10 =	vld [tilespmem:s4+$0xC540]  }
0x13d: {  	v11 =	vld [tilespmem:s4+$0x4550]  }
0x13e: {  	v12 =	vld [tilespmem:s4+$0xC550]  }
0x13f: {  	v13 =	vld [tilespmem:s4+$0x4560]  }
0x140: {  	v14 =	vld [tilespmem:s4+$0xC560]  }
0x141: {  	v15 =	vld [tilespmem:s4+$0x4570]  }
0x142: {  	v16 =	vld [tilespmem:s4+$0xC570]  }
0x143: {  	v17 =	vld [tilespmem:s4+$0x4500]  }
0x144: {  	v18 =	vld [tilespmem:s4+$0xC500]  }
0x145: {  	v19 =	vld [tilespmem:s4+$0x4510]  }
0x146: {  	v20 =	vld [tilespmem:s4+$0xC510]  }
0x147: {  	v21 =	vld [tilespmem:s4+$0x4520]  }
0x148: {  	v22 =	vld [tilespmem:s4+$0xC520]  }
0x149: {  	v23 =	vld [tilespmem:s4+$0x4100]  }
0x14a: {  	v24 =	vld [tilespmem:s4+$0xC100]  }
0x14b: {  	v25 =	vld [tilespmem:s4+$0x4110]  }
0x14c: {  	v26 =	vld [tilespmem:s4+$0xC110]  }
0x14d: {  	v27 =	vld [tilespmem:s4+$0x4120]  }
0x14e: {  	v28 =	vld [tilespmem:s4+$0xC120]  }
0x14f: {  	v29 =	vld [tilespmem:s4+$0x4130]  }
0x150: {  	v30 =	vld [tilespmem:s4+$0xC130]  }
0x151: {  	v31 =	vld [tilespmem:s4+$0x4140]  }
0x152: {  	v32 =	vld [tilespmem:s4+$0xC140]  }
0x153: {  	v33 =	vld [tilespmem:s4+$0x4150]  }
0x154: {  	v34 =	vld [tilespmem:s4+$0xC150]  }
0x155: {  	v9 =	vsub.f32 v9, v10;
	v10 =	vsub.f32 v11, v12;
	v11 =	vld [tilespmem:s4+$0x4160]  }
0x156: {  	v12 =	vsub.f32 v13, v14;
	v13 =	vsub.f32 v15, v16;
	v14 =	vld [tilespmem:s4+$0xC160]  }
0x157: {  	s15 =	simm.s32 $0x100;
	v15 =	vsub.f32 v17, v18;
	v16 =	vsub.f32 v19, v20;
	v17 =	vld [tilespmem:s4+$0x4170]  }
0x158: {  	s17 =	simm.s32 $0x80;
	s20 =	sand.u32 $0x800, s15;
	v18 =	vsub.f32 v23, v24;
	v19 =	vsub.f32 v25, v26;
	v20 =	vld [tilespmem:s4+$0xC170]  }
0x159: {  	s6 =	sand.u32 $0x380, s17;
	s5 =	sor.u32 s14, s20;
	v23 =	vsub.f32 v27, v28;
	v24 =	vsub.f32 v29, v30;
	v25 =	vld [tilespmem:s4+$0x4530]  }
0x15a: {  	s16 =	sor.u32 s6, s5;
	v26 =	vsub.f32 v31, v32;
	v27 =	vld [tilespmem:s4+$0xC530];
	v9 =	vmul.f32 v9, v9;
	v10 =	vmul.f32 v10, v10  }
0x15b: {  	v62 =	vld [tilespmem:s16+$0xC540];
	v28 =	vsub.f32 v33, v34;
	v15 =	vmul.f32 v15, v15;
	v16 =	vmul.f32 v16, v16  }
0x15c: {  	v63 =	vld [tilespmem:s16+$0x4550];
	v18 =	vmul.f32 v18, v18;
	v19 =	vmul.f32 v19, v19;
	v11 =	vsub.f32 v11, v14  }
0x15d: {  	v35 =	vld [tilespmem:s16+$0xC550];
	v14 =	vmul.f32 v23, v23;
	v23 =	vmul.f32 v24, v24;
	v17 =	vsub.f32 v17, v20  }
0x15e: {  	v36 =	vld [tilespmem:s16+$0x4560];
	v21 =	vsub.f32 v21, v22;
	v20 =	vmul.f32 v26, v26;
	v24 =	vmul.f32 v28, v28  }
0x15f: {  	v37 =	vld [tilespmem:s16+$0xC560];
	v22 =	vsub.f32 v25, v27;
	v11 =	vmul.f32 v11, v11;
	v17 =	vmul.f32 v17, v17  }
0x160: {  	v38 =	vld [tilespmem:s16+$0x4570];
	v18 =	vadd.f32 v20, v18;
	v19 =	vadd.f32 v24, v19;
	v20 =	vmul.f32 v21, v21  }
0x161: {  	v39 =	vld [tilespmem:s16+$0xC570];
	v21 =	vmul.f32 v22, v22;
	v11 =	vadd.f32 v11, v14;
	v17 =	vadd.f32 v17, v23  }
0x162: {  	v30 =	vld [tilespmem:s16+$0x4540];
	v12 =	vmul.f32 v12, v12;
	v18 =	vadd.f32 v15, v18;
	v16 =	vadd.f32 v16, v19  }
0x163: {  	v29 =	vld [tilespmem:s16+$0x4130];
	v13 =	vmul.f32 v13, v13;
	v11 =	vadd.f32 v20, v11;
	v17 =	vadd.f32 v21, v17  }
0x164: {  	v33 =	vld [tilespmem:s16+$0xC130];
	v9 =	vadd.f32 v9, v18;
	v18 =	vadd.f32 v10, v16  }
0x165: {  	v31 =	vld [tilespmem:s16+$0xC140];
	v11 =	vadd.f32 v12, v11;
	v12 =	vadd.f32 v13, v17  }
0x166: {  	v32 =	vld [tilespmem:s16+$0xC150]  }
0x167: {  	v27 =	vld [tilespmem:s16+$0xC110];
	v9 =	vadd.f32 v18, v9;
	v12 =	vadd.f32 v12, v11  }
0x168: {  	v28 =	vld [tilespmem:s16+$0xC120]  }
0x169: {  	v26 =	vld [tilespmem:s16+$0x4140];
	v9 =	vadd.f32 v12, v9  }
0x16a: {  	v22 =	vld [tilespmem:s16+$0x4110]  }
0x16b: {  	v24 =	vld [tilespmem:s16+$0x4150];
	v12 =	vperm.xlane v9, v1  }
0x16c: {  	v14 =	vld [tilespmem:s16+$0x4500]  }
0x16d: {  	v15 =	vld [tilespmem:s16+$0xC500];
	v9 =	vadd.f32 v9, v12  }
0x16e: {  	v19 =	vld [tilespmem:s16+$0x4100]  }
0x16f: {  	v23 =	vld [tilespmem:s16+$0x4120];
	v12 =	vperm.xlane v9, v2  }
0x170: {  	v16 =	vld [tilespmem:s16+$0x4510]  }
0x171: {  	v17 =	vld [tilespmem:s16+$0xC510];
	v18 =	vadd.f32 v9, v12  }
0x172: {  	v20 =	vld [tilespmem:s16+$0xC100]  }
0x173: {  	v25 =	vsub.f32 v30, v62;
	v10 =	vld [tilespmem:s16+$0x4520];
	v40 =	vperm.xlane v18, v5  }
0x174: {  	v30 =	vsub.f32 v63, v35;
	v21 =	vld [tilespmem:s16+$0x4160];
	v13 =	vsub.f32 v36, v37  }
0x175: {  	s20 =	simm.s32 $0x2;
	s5 =	simm.s32 $0x0;
	s4 =	simm.s32 $0x1;
	v11 =	vld [tilespmem:s16+$0xC520];
	v9 =	vimm.f32 $0.0e+00;
	v12 =	vsub.f32 v38, v39;
	v18 =	vadd.f32 v18, v40  }
.LBB2_7:
0x176: {  	p0 =	sne.s32 s20, $0xF;
	v34 =	vld [tilespmem:s16+$0xC160];
	v14 =	vsub.f32 v14, v15;
	v15 =	vsub.f32 v16, v17  }
0x177: {  	v16 =	vsub.f32 v19, v20;
	v17 =	vsub.f32 v22, v27;
	s15 =	sadd.s32 $0x100, s15;
	v19 =	vld [tilespmem:s16+$0x4170];
	v20 =	vperm.xlane v18, v7  }
0x178: {  	v22 =	vsub.f32 v23, v28;
	v23 =	vsub.f32 v29, v33;
	s17 =	sadd.s32 $0x80, s17;
	v28 =	vmov s5;
	s5 =	smov.u32 s4;
	s6 =	sand.u32 $0x800, s15;
	v27 =	vld [tilespmem:s16+$0xC170]  }
0x179: {  	s4 =	smov.u32 s20;
	s7 =	sand.u32 $0x380, s17;
	v26 =	vsub.f32 v26, v31;
	vm1 =	veq.s32 v28, v0;
	s6 =	sor.u32 s14, s6;
	v29 =	vld [tilespmem:s16+$0x4530];
	v18 =	vadd.f32 v18, v20  }
0x17a: {  	v25 =	vmul.f32 v25, v25;
	v28 =	vmul.f32 v30, v30;
	v20 =	vsub.f32 v24, v32;
	v24 =	vld [tilespmem:s16+$0xC530];
	s16 =	sor.u32 s7, s6  }
0x17b: {  	v14 =	vmul.f32 v14, v14;
	v15 =	vmul.f32 v15, v15;
	v30 =	vld [tilespmem:s16+$0x4540];
	v9 =	vsel vm1, v18, v9  }
0x17c: {  	v16 =	vmul.f32 v16, v16;
	v17 =	vmul.f32 v17, v17;
	v21 =	vsub.f32 v21, v34;
	v18 =	vld [tilespmem:s16+$0xC540]  }
0x17d: {  	v22 =	vmul.f32 v22, v22;
	v23 =	vmul.f32 v23, v23;
	v34 =	vld [tilespmem:s16+$0x4550];
	v19 =	vsub.f32 v19, v27  }
0x17e: {  	v10 =	vsub.f32 v10, v11;
	v26 =	vmul.f32 v26, v26;
	v20 =	vmul.f32 v20, v20;
	v35 =	vld [tilespmem:s16+$0xC550]  }
0x17f: {  	v11 =	vmul.f32 v21, v21;
	v36 =	vld [tilespmem:s16+$0x4560];
	v19 =	vmul.f32 v19, v19;
	v21 =	vsub.f32 v29, v24  }
0x180: {  	v10 =	vmul.f32 v10, v10;
	v16 =	vadd.f32 v26, v16;
	v17 =	vadd.f32 v20, v17;
	v37 =	vld [tilespmem:s16+$0xC560]  }
0x181: {  	v11 =	vadd.f32 v11, v22;
	v38 =	vld [tilespmem:s16+$0x4570];
	v19 =	vadd.f32 v19, v23;
	v20 =	vmul.f32 v21, v21  }
0x182: {  	v13 =	vmul.f32 v13, v13;
	v16 =	vadd.f32 v14, v16;
	v17 =	vadd.f32 v15, v17;
	v39 =	vld [tilespmem:s16+$0xC570]  }
0x183: {  	v12 =	vmul.f32 v12, v12;
	v10 =	vadd.f32 v10, v11;
	v14 =	vld [tilespmem:s16+$0x4500];
	v11 =	vadd.f32 v20, v19  }
0x184: {  	v19 =	vadd.f32 v25, v16;
	v20 =	vadd.f32 v28, v17;
	v15 =	vld [tilespmem:s16+$0xC500]  }
0x185: {  	v13 =	vadd.f32 v13, v10;
	v16 =	vld [tilespmem:s16+$0x4510];
	v11 =	vadd.f32 v12, v11  }
0x186: {  	v17 =	vld [tilespmem:s16+$0xC510]  }
0x187: {  	v12 =	vadd.f32 v20, v19;
	v10 =	vld [tilespmem:s16+$0x4520];
	v13 =	vadd.f32 v11, v13  }
0x188: {  	v11 =	vld [tilespmem:s16+$0xC520]  }
0x189: {  	v19 =	vld [tilespmem:s16+$0x4100];
	v12 =	vadd.f32 v13, v12  }
0x18a: {  	v20 =	vld [tilespmem:s16+$0xC100]  }
0x18b: {  	v22 =	vld [tilespmem:s16+$0x4110];
	v13 =	vperm.xlane v12, v1  }
0x18c: {  	v27 =	vld [tilespmem:s16+$0xC110]  }
0x18d: {  	v23 =	vld [tilespmem:s16+$0x4120];
	v12 =	vadd.f32 v12, v13  }
0x18e: {  	v28 =	vld [tilespmem:s16+$0xC120]  }
0x18f: {  	v29 =	vld [tilespmem:s16+$0x4130];
	v13 =	vperm.xlane v12, v2  }
0x190: {  	v33 =	vld [tilespmem:s16+$0xC130]  }
.Ltmp2:
0x191: {  	v26 =	vld [tilespmem:s16+$0x4140];
	v40 =	vadd.f32 v12, v13;
	(pc) =	sbr.rel @p0 .LBB2_7-.Ltmp2, $4  }
0x192: {  	v31 =	vld [tilespmem:s16+$0xC140]  }
0x193: {  	v25 =	vsub.f32 v30, v18;
	v24 =	vld [tilespmem:s16+$0x4150];
	v18 =	vperm.xlane v40, v5  }
0x194: {  	v30 =	vsub.f32 v34, v35;
	v13 =	vsub.f32 v36, v37;
	v32 =	vld [tilespmem:s16+$0xC150]  }
0x195: {  	s20 =	sadd.s32 $0x1, s20;
	v12 =	vsub.f32 v38, v39;
	v21 =	vld [tilespmem:s16+$0x4160];
	v18 =	vadd.f32 v40, v18  }
0x196: {  	v34 =	vld [tilespmem:s16+$0xC160]  }
0x197: {  	v14 =	vsub.f32 v14, v15;
	v47 =	vld [tilespmem:s16+$0x4170]  }
0x198: {  	v46 =	vsub.f32 v16, v17;
	v48 =	vsub.f32 v19, v20;
	v50 =	vld [tilespmem:s16+$0xC170]  }
0x199: {  	v49 =	vsub.f32 v22, v27;
	v51 =	vsub.f32 v23, v28;
	v53 =	vld [tilespmem:s16+$0x4530];
	v25 =	vmul.f32 v25, v25  }
0x19a: {  	v52 =	vsub.f32 v29, v33;
	v54 =	vld [tilespmem:s16+$0xC530];
	v55 =	vmul.f32 v30, v30;
	v14 =	vmul.f32 v14, v14  }
0x19b: {  	v26 =	vsub.f32 v26, v31;
	v15 =	vmul.f32 v46, v46;
	v17 =	vmul.f32 v48, v48  }
0x19c: {  	v19 =	vmul.f32 v49, v49;
	v22 =	vmul.f32 v51, v51;
	v24 =	vsub.f32 v24, v32  }
0x19d: {  	v23 =	vmul.f32 v52, v52;
	v21 =	vsub.f32 v21, v34;
	v16 =	vsub.f32 v47, v50  }
0x19e: {  	v10 =	vsub.f32 v10, v11;
	v56 =	vmul.f32 v26, v26;
	v24 =	vmul.f32 v24, v24  }
0x19f: {  	v57 =	vsub.f32 v53, v54;
	v11 =	vmul.f32 v21, v21;
	v16 =	vmul.f32 v16, v16  }
0x1a0: {  	v10 =	vmul.f32 v10, v10;
	v17 =	vadd.f32 v56, v17;
	v19 =	vadd.f32 v24, v19  }
0x1a1: {  	v58 =	vmul.f32 v57, v57;
	v11 =	vadd.f32 v11, v22;
	v16 =	vadd.f32 v16, v23  }
0x1a2: {  	v13 =	vmul.f32 v13, v13;
	v14 =	vadd.f32 v14, v17;
	v15 =	vadd.f32 v15, v19  }
0x1a3: {  	v12 =	vmul.f32 v12, v12;
	v10 =	vadd.f32 v10, v11;
	v11 =	vadd.f32 v58, v16  }
0x1a4: {  	v14 =	vadd.f32 v25, v14;
	v15 =	vadd.f32 v55, v15  }
0x1a5: {  	v10 =	vadd.f32 v13, v10;
	v11 =	vadd.f32 v12, v11;
	_ =	sdelay $0x1  }
0x1a6: {  	v59 =	vadd.f32 v15, v14;
	v10 =	vadd.f32 v11, v10;
	_ =	sdelay $0x1  }
0x1a7: {  	v10 =	vadd.f32 v10, v59;
	_ =	sdelay $0x1  }
0x1a8: {  	v11 =	vperm.xlane v10, v1;
	_ =	sdelay $0x1  }
0x1a9: {  	v10 =	vadd.f32 v10, v11;
	_ =	sdelay $0x1  }
0x1aa: {  	v11 =	vperm.xlane v10, v2;
	_ =	sdelay $0x1  }
0x1ab: {  	v10 =	vadd.f32 v10, v11;
	_ =	sdelay $0x1  }
0x1ac: {  	v11 =	vperm.xlane v10, v5;
	_ =	sdelay $0x1  }
0x1ad: {  	v10 =	vadd.f32 v10, v11  }
0x1ae: {  	v11 =	vperm.xlane v18, v7  }
0x1af: {  	v60 =	vperm.xlane v10, v7  }
0x1b0: {  	v61 =	vmov s5;
	v11 =	vadd.f32 v18, v11  }
0x1b1: {  	v62 =	vmov s4;
	vm1 =	veq.s32 v61, v0;
	v10 =	vadd.f32 v10, v60  }
0x1b2: {  	v9 =	vsel vm1, v11, v9;
	vm1 =	veq.s32 v62, v0  }
0x1b3: {  	v9 =	vsel vm1, v10, v9  }
0x1b4: {  	v9 =	vadd.f32 $1.000000000e-30, v9;
	_ =	sdelay $0x1  }
0x1b5: {  	v10 =	vshrl.u32 v9, $0x1;
	v11 =	vmul.f32 $5.000000000e-01, v9  }
0x1b6: {  	v10 =	vsub.s32 $0x5F3759DF, v10  }
0x1b7: {  	v63 =	vmul.f32 v10, v11;
	_ =	sdelay $0x1  }
0x1b8: {  	v12 =	vmul.f32 v10, v63;
	_ =	sdelay $0x1  }
0x1b9: {  	v12 =	vsub.f32 $1.500000000e+00, v12;
	_ =	sdelay $0x1  }
0x1ba: {  	v10 =	vmul.f32 v10, v12;
	_ =	sdelay $0x1  }
0x1bb: {  	v12 =	vmul.f32 v10, v11;
	_ =	sdelay $0x1  }
0x1bc: {  	v12 =	vmul.f32 v12, v10;
	_ =	sdelay $0x1  }
0x1bd: {  	v12 =	vsub.f32 $1.500000000e+00, v12;
	_ =	sdelay $0x1  }
0x1be: {  	v10 =	vmul.f32 v12, v10;
	_ =	sdelay $0x1  }
0x1bf: {  	v11 =	vmul.f32 v10, v11;
	_ =	sdelay $0x1  }
0x1c0: {  	v11 =	vmul.f32 v11, v10;
	_ =	sdelay $0x1  }
0x1c1: {  	s13 =	sadd.s32 $0x1, s13;
	v11 =	vsub.f32 $1.500000000e+00, v11  }
0x1c2: {  	p0 =	sne.s32 s13, $0x4  }
.Ltmp3:
0x1c3: {  	v10 =	vmul.f32 v11, v10;
	(pc) =	sbr.rel @p0 .LBB2_6-.Ltmp3, $3  }
0x1c4: {  	_ = 	snop  }
0x1c5: {  	v9 =	vmul.f32 v10, v9;
	_ =	sdelay $0x1  }
0x1c6: {  	v8 =	vadd.f32 v9, v8  }
0x1c7: {  	s12 =	simm.s32 $0x0  }
0x1c8: {  	[tilespmem:s21], [sflag:$0x2] =	stream.linear.gather [hbm4b:s8+s12], $0x4000, $0x38;
	[tilespmem:$0x10180] =	vst v63  }
0x1c9: {  	v9 =	vld [tilespmem:$0xC0];
	_ =	sdelay $0x4  }
0x1ca: {  	v10 =	vshll.u32 v9, $0x1  }
0x1cb: {  	v9 =	vand.u32 $0x7, v9;
	v10 =	vand.u32 $0xFFFFFFF0, v10  }
0x1cc: {  	v9 =	vor.u32 v9, v10  }
0x1cd: {  	v10 =	vperm.xlane v9, v3;
	_ =	sdelay $0x1  }
0x1ce: {  	v9 =	vperm.xlane v9, v6;
	v10 =	vadd.s32 v4, v10;
	_ =	sdelay $0x1  }
0x1cf: {  	v9 =	vadd.s32 v4, v9;
	_ =	sdelay $0x2  }
0x1d0: {  	[tilespmem:s22], [sflag:$0x4] =	stream.indirect_vreg.gather [hbm4b:s2+s12], $0x80, v10, vm0, $0xb8;
	[tilespmem:$0x10180] =	vst v63  }
0x1d1: {  	_ = 	snop  }
0x1d2: {  	[tilespmem:s23], [sflag:$0x4] =	stream.indirect_vreg.gather [hbm4b:s2+s12], $0x80, v9, vm0, $0xb8;
	[tilespmem:$0x10180] =	vst v63  }
0x1d3: {  	v9 =	vld [tilespmem:$0xD0];
	_ =	sdelay $0x4  }
0x1d4: {  	v10 =	vshll.u32 v9, $0x1  }
0x1d5: {  	v9 =	vand.u32 $0x7, v9;
	v10 =	vand.u32 $0xFFFFFFF0, v10  }
0x1d6: {  	v9 =	vor.u32 v9, v10  }
0x1d7: {  	v10 =	vperm.xlane v9, v3;
	_ =	sdelay $0x1  }
0x1d8: {  	v9 =	vperm.xlane v9, v6;
	v10 =	vadd.s32 v4, v10;
	_ =	sdelay $0x1  }
0x1d9: {  	v9 =	vadd.s32 v4, v9;
	_ =	sdelay $0x2  }
0x1da: {  	[tilespmem:s24], [sflag:$0x4] =	stream.indirect_vreg.gather [hbm4b:s2+s12], $0x80, v10, vm0, $0xb8;
	[tilespmem:$0x10180] =	vst v63  }
0x1db: {  	_ = 	snop  }
0x1dc: {  	[tilespmem:s25], [sflag:$0x4] =	stream.indirect_vreg.gather [hbm4b:s2+s12], $0x80, v9, vm0, $0xb8;
	[tilespmem:$0x10180] =	vst v63  }
0x1dd: {  	v9 =	vld [tilespmem:$0xE0];
	_ =	sdelay $0x4  }
0x1de: {  	v10 =	vshll.u32 v9, $0x1  }
0x1df: {  	v9 =	vand.u32 $0x7, v9;
	v10 =	vand.u32 $0xFFFFFFF0, v10  }
0x1e0: {  	v9 =	vor.u32 v9, v10  }
0x1e1: {  	v10 =	vperm.xlane v9, v3;
	_ =	sdelay $0x1  }
0x1e2: {  	v9 =	vperm.xlane v9, v6;
	v10 =	vadd.s32 v4, v10;
	_ =	sdelay $0x1  }
0x1e3: {  	v9 =	vadd.s32 v4, v9;
	_ =	sdelay $0x2  }
0x1e4: {  	[tilespmem:s26], [sflag:$0x4] =	stream.indirect_vreg.gather [hbm4b:s2+s12], $0x80, v10, vm0, $0xb8;
	[tilespmem:$0x10180] =	vst v63  }
0x1e5: {  	_ = 	snop  }
0x1e6: {  	[tilespmem:s28], [sflag:$0x4] =	stream.indirect_vreg.gather [hbm4b:s2+s12], $0x80, v9, vm0, $0xb8;
	[tilespmem:$0x10180] =	vst v63  }
0x1e7: {  	v9 =	vld [tilespmem:$0xF0];
	_ =	sdelay $0x4  }
0x1e8: {  	v10 =	vshll.u32 v9, $0x1  }
0x1e9: {  	v9 =	vand.u32 $0x7, v9;
	v10 =	vand.u32 $0xFFFFFFF0, v10  }
0x1ea: {  	v9 =	vor.u32 v9, v10  }
0x1eb: {  	v10 =	vperm.xlane v9, v3;
	_ =	sdelay $0x1  }
0x1ec: {  	v9 =	vperm.xlane v9, v6;
	v10 =	vadd.s32 v4, v10;
	_ =	sdelay $0x1  }
0x1ed: {  	v9 =	vadd.s32 v4, v9;
	_ =	sdelay $0x2  }
0x1ee: {  	[tilespmem:s29], [sflag:$0x4] =	stream.indirect_vreg.gather [hbm4b:s2+s12], $0x80, v10, vm0, $0xb8;
	[tilespmem:$0x10180] =	vst v63  }
0x1ef: {  	_ = 	snop  }
0x1f0: {  	[tilespmem:s30], [sflag:$0x4] =	stream.indirect_vreg.gather [hbm4b:s2+s12], $0x80, v9, vm0, $0xb8;
	[tilespmem:$0x10180] =	vst v63  }
0x1f1: {  	_ =	swait.ge [sflag:s31], $0x4000  }
0x1f2: {  	[sflag:s31] =	ssyncset.done $0x0  }
0x1f3: {  	[sflag:s31] =	ssyncadd.s32 $0xFFFFC000  }
0x1f4: {  	_ =	swait.ge [sflag:s0], $0x4000  }
0x1f5: {  	[sflag:s0] =	ssyncset.done $0x0  }
0x1f6: {  	s13 =	simm.s32 $0x0;
	[sflag:s0] =	ssyncadd.s32 $0xFFFFC000  }
.LBB2_10:
0x1f7: {  	s14 =	sshll.u32 s13, $0xC;
	s4 =	sand.u32 $0x800, s12  }
0x1f8: {  	s5 =	sand.u32 $0x380, s12;
	s4 =	sor.u32 s14, s4  }
0x1f9: {  	s4 =	sor.u32 s5, s4  }
0x1fa: {  	v9 =	vld [tilespmem:s4+$0x540]  }
0x1fb: {  	v10 =	vld [tilespmem:s4+$0x8540]  }
0x1fc: {  	v11 =	vld [tilespmem:s4+$0x550]  }
0x1fd: {  	v12 =	vld [tilespmem:s4+$0x8550]  }
0x1fe: {  	v13 =	vld [tilespmem:s4+$0x560]  }
0x1ff: {  	v14 =	vld [tilespmem:s4+$0x8560]  }
0x200: {  	v15 =	vld [tilespmem:s4+$0x570]  }
0x201: {  	v16 =	vld [tilespmem:s4+$0x8570]  }
0x202: {  	v17 =	vld [tilespmem:s4+$0x500]  }
0x203: {  	v18 =	vld [tilespmem:s4+$0x8500]  }
0x204: {  	v19 =	vld [tilespmem:s4+$0x510]  }
0x205: {  	v20 =	vld [tilespmem:s4+$0x8510]  }
0x206: {  	v21 =	vld [tilespmem:s4+$0x520]  }
0x207: {  	v22 =	vld [tilespmem:s4+$0x8520]  }
0x208: {  	v23 =	vld [tilespmem:s4+$0x100]  }
0x209: {  	v24 =	vld [tilespmem:s4+$0x8100]  }
0x20a: {  	v25 =	vld [tilespmem:s4+$0x110]  }
0x20b: {  	v26 =	vld [tilespmem:s4+$0x8110]  }
0x20c: {  	v27 =	vld [tilespmem:s4+$0x120]  }
0x20d: {  	v28 =	vld [tilespmem:s4+$0x8120]  }
0x20e: {  	v29 =	vld [tilespmem:s4+$0x130]  }
0x20f: {  	v30 =	vld [tilespmem:s4+$0x8130]  }
0x210: {  	v31 =	vld [tilespmem:s4+$0x140]  }
0x211: {  	v32 =	vld [tilespmem:s4+$0x8140]  }
0x212: {  	v33 =	vld [tilespmem:s4+$0x150]  }
0x213: {  	v34 =	vld [tilespmem:s4+$0x8150]  }
0x214: {  	v9 =	vsub.f32 v9, v10;
	v10 =	vsub.f32 v11, v12;
	v11 =	vld [tilespmem:s4+$0x160]  }
0x215: {  	v12 =	vsub.f32 v13, v14;
	v13 =	vsub.f32 v15, v16;
	v14 =	vld [tilespmem:s4+$0x8160]  }
0x216: {  	s15 =	simm.s32 $0x100;
	v15 =	vsub.f32 v17, v18;
	v16 =	vsub.f32 v19, v20;
	v17 =	vld [tilespmem:s4+$0x170]  }
0x217: {  	s17 =	simm.s32 $0x80;
	s20 =	sand.u32 $0x800, s15;
	v18 =	vsub.f32 v23, v24;
	v19 =	vsub.f32 v25, v26;
	v20 =	vld [tilespmem:s4+$0x8170]  }
0x218: {  	s6 =	sand.u32 $0x380, s17;
	s5 =	sor.u32 s14, s20;
	v23 =	vsub.f32 v27, v28;
	v24 =	vsub.f32 v29, v30;
	v25 =	vld [tilespmem:s4+$0x530]  }
0x219: {  	s16 =	sor.u32 s6, s5;
	v26 =	vsub.f32 v31, v32;
	v27 =	vld [tilespmem:s4+$0x8530];
	v9 =	vmul.f32 v9, v9;
	v10 =	vmul.f32 v10, v10  }
0x21a: {  	v62 =	vld [tilespmem:s16+$0x8540];
	v28 =	vsub.f32 v33, v34;
	v15 =	vmul.f32 v15, v15;
	v16 =	vmul.f32 v16, v16  }
0x21b: {  	v63 =	vld [tilespmem:s16+$0x550];
	v18 =	vmul.f32 v18, v18;
	v19 =	vmul.f32 v19, v19;
	v11 =	vsub.f32 v11, v14  }
0x21c: {  	v35 =	vld [tilespmem:s16+$0x8550];
	v14 =	vmul.f32 v23, v23;
	v23 =	vmul.f32 v24, v24;
	v17 =	vsub.f32 v17, v20  }
0x21d: {  	v36 =	vld [tilespmem:s16+$0x560];
	v21 =	vsub.f32 v21, v22;
	v20 =	vmul.f32 v26, v26;
	v24 =	vmul.f32 v28, v28  }
0x21e: {  	v37 =	vld [tilespmem:s16+$0x8560];
	v22 =	vsub.f32 v25, v27;
	v11 =	vmul.f32 v11, v11;
	v17 =	vmul.f32 v17, v17  }
0x21f: {  	v38 =	vld [tilespmem:s16+$0x570];
	v18 =	vadd.f32 v20, v18;
	v19 =	vadd.f32 v24, v19;
	v20 =	vmul.f32 v21, v21  }
0x220: {  	v39 =	vld [tilespmem:s16+$0x8570];
	v21 =	vmul.f32 v22, v22;
	v11 =	vadd.f32 v11, v14;
	v17 =	vadd.f32 v17, v23  }
0x221: {  	v30 =	vld [tilespmem:s16+$0x540];
	v12 =	vmul.f32 v12, v12;
	v18 =	vadd.f32 v15, v18;
	v16 =	vadd.f32 v16, v19  }
0x222: {  	v29 =	vld [tilespmem:s16+$0x130];
	v13 =	vmul.f32 v13, v13;
	v11 =	vadd.f32 v20, v11;
	v17 =	vadd.f32 v21, v17  }
0x223: {  	v33 =	vld [tilespmem:s16+$0x8130];
	v9 =	vadd.f32 v9, v18;
	v18 =	vadd.f32 v10, v16  }
0x224: {  	v31 =	vld [tilespmem:s16+$0x8140];
	v11 =	vadd.f32 v12, v11;
	v12 =	vadd.f32 v13, v17  }
0x225: {  	v32 =	vld [tilespmem:s16+$0x8150]  }
0x226: {  	v27 =	vld [tilespmem:s16+$0x8110];
	v9 =	vadd.f32 v18, v9;
	v12 =	vadd.f32 v12, v11  }
0x227: {  	v28 =	vld [tilespmem:s16+$0x8120]  }
0x228: {  	v26 =	vld [tilespmem:s16+$0x140];
	v9 =	vadd.f32 v12, v9  }
0x229: {  	v22 =	vld [tilespmem:s16+$0x110]  }
0x22a: {  	v24 =	vld [tilespmem:s16+$0x150];
	v12 =	vperm.xlane v9, v1  }
0x22b: {  	v14 =	vld [tilespmem:s16+$0x500]  }
0x22c: {  	v15 =	vld [tilespmem:s16+$0x8500];
	v9 =	vadd.f32 v9, v12  }
0x22d: {  	v19 =	vld [tilespmem:s16+$0x100]  }
0x22e: {  	v23 =	vld [tilespmem:s16+$0x120];
	v12 =	vperm.xlane v9, v2  }
0x22f: {  	v16 =	vld [tilespmem:s16+$0x510]  }
0x230: {  	v17 =	vld [tilespmem:s16+$0x8510];
	v18 =	vadd.f32 v9, v12  }
0x231: {  	v20 =	vld [tilespmem:s16+$0x8100]  }
0x232: {  	v25 =	vsub.f32 v30, v62;
	v10 =	vld [tilespmem:s16+$0x520];
	v40 =	vperm.xlane v18, v5  }
0x233: {  	v30 =	vsub.f32 v63, v35;
	v21 =	vld [tilespmem:s16+$0x160];
	v13 =	vsub.f32 v36, v37  }
0x234: {  	s20 =	simm.s32 $0x2;
	s5 =	simm.s32 $0x0;
	s4 =	simm.s32 $0x1;
	v11 =	vld [tilespmem:s16+$0x8520];
	v9 =	vimm.f32 $0.0e+00;
	v12 =	vsub.f32 v38, v39;
	v18 =	vadd.f32 v18, v40  }
.LBB2_11:
0x235: {  	p0 =	sne.s32 s20, $0xF;
	v34 =	vld [tilespmem:s16+$0x8160];
	v14 =	vsub.f32 v14, v15;
	v15 =	vsub.f32 v16, v17  }
0x236: {  	v16 =	vsub.f32 v19, v20;
	v17 =	vsub.f32 v22, v27;
	s15 =	sadd.s32 $0x100, s15;
	v19 =	vld [tilespmem:s16+$0x170];
	v20 =	vperm.xlane v18, v7  }
0x237: {  	v22 =	vsub.f32 v23, v28;
	v23 =	vsub.f32 v29, v33;
	s17 =	sadd.s32 $0x80, s17;
	v28 =	vmov s5;
	s5 =	smov.u32 s4;
	s6 =	sand.u32 $0x800, s15;
	v27 =	vld [tilespmem:s16+$0x8170]  }
0x238: {  	s4 =	smov.u32 s20;
	s7 =	sand.u32 $0x380, s17;
	v26 =	vsub.f32 v26, v31;
	vm1 =	veq.s32 v28, v0;
	s6 =	sor.u32 s14, s6;
	v29 =	vld [tilespmem:s16+$0x530];
	v18 =	vadd.f32 v18, v20  }
0x239: {  	v25 =	vmul.f32 v25, v25;
	v28 =	vmul.f32 v30, v30;
	v20 =	vsub.f32 v24, v32;
	v24 =	vld [tilespmem:s16+$0x8530];
	s16 =	sor.u32 s7, s6  }
0x23a: {  	v14 =	vmul.f32 v14, v14;
	v15 =	vmul.f32 v15, v15;
	v30 =	vld [tilespmem:s16+$0x540];
	v9 =	vsel vm1, v18, v9  }
0x23b: {  	v16 =	vmul.f32 v16, v16;
	v17 =	vmul.f32 v17, v17;
	v21 =	vsub.f32 v21, v34;
	v18 =	vld [tilespmem:s16+$0x8540]  }
0x23c: {  	v22 =	vmul.f32 v22, v22;
	v23 =	vmul.f32 v23, v23;
	v34 =	vld [tilespmem:s16+$0x550];
	v19 =	vsub.f32 v19, v27  }
0x23d: {  	v10 =	vsub.f32 v10, v11;
	v26 =	vmul.f32 v26, v26;
	v20 =	vmul.f32 v20, v20;
	v35 =	vld [tilespmem:s16+$0x8550]  }
0x23e: {  	v11 =	vmul.f32 v21, v21;
	v36 =	vld [tilespmem:s16+$0x560];
	v19 =	vmul.f32 v19, v19;
	v21 =	vsub.f32 v29, v24  }
0x23f: {  	v10 =	vmul.f32 v10, v10;
	v16 =	vadd.f32 v26, v16;
	v17 =	vadd.f32 v20, v17;
	v37 =	vld [tilespmem:s16+$0x8560]  }
0x240: {  	v11 =	vadd.f32 v11, v22;
	v38 =	vld [tilespmem:s16+$0x570];
	v19 =	vadd.f32 v19, v23;
	v20 =	vmul.f32 v21, v21  }
0x241: {  	v13 =	vmul.f32 v13, v13;
	v16 =	vadd.f32 v14, v16;
	v17 =	vadd.f32 v15, v17;
	v39 =	vld [tilespmem:s16+$0x8570]  }
0x242: {  	v12 =	vmul.f32 v12, v12;
	v10 =	vadd.f32 v10, v11;
	v14 =	vld [tilespmem:s16+$0x500];
	v11 =	vadd.f32 v20, v19  }
0x243: {  	v19 =	vadd.f32 v25, v16;
	v20 =	vadd.f32 v28, v17;
	v15 =	vld [tilespmem:s16+$0x8500]  }
0x244: {  	v13 =	vadd.f32 v13, v10;
	v16 =	vld [tilespmem:s16+$0x510];
	v11 =	vadd.f32 v12, v11  }
0x245: {  	v17 =	vld [tilespmem:s16+$0x8510]  }
0x246: {  	v12 =	vadd.f32 v20, v19;
	v10 =	vld [tilespmem:s16+$0x520];
	v13 =	vadd.f32 v11, v13  }
0x247: {  	v11 =	vld [tilespmem:s16+$0x8520]  }
0x248: {  	v19 =	vld [tilespmem:s16+$0x100];
	v12 =	vadd.f32 v13, v12  }
0x249: {  	v20 =	vld [tilespmem:s16+$0x8100]  }
0x24a: {  	v22 =	vld [tilespmem:s16+$0x110];
	v13 =	vperm.xlane v12, v1  }
0x24b: {  	v27 =	vld [tilespmem:s16+$0x8110]  }
0x24c: {  	v23 =	vld [tilespmem:s16+$0x120];
	v12 =	vadd.f32 v12, v13  }
0x24d: {  	v28 =	vld [tilespmem:s16+$0x8120]  }
0x24e: {  	v29 =	vld [tilespmem:s16+$0x130];
	v13 =	vperm.xlane v12, v2  }
0x24f: {  	v33 =	vld [tilespmem:s16+$0x8130]  }
.Ltmp4:
0x250: {  	v26 =	vld [tilespmem:s16+$0x140];
	v40 =	vadd.f32 v12, v13;
	(pc) =	sbr.rel @p0 .LBB2_11-.Ltmp4, $4  }
0x251: {  	v31 =	vld [tilespmem:s16+$0x8140]  }
0x252: {  	v25 =	vsub.f32 v30, v18;
	v24 =	vld [tilespmem:s16+$0x150];
	v18 =	vperm.xlane v40, v5  }
0x253: {  	v30 =	vsub.f32 v34, v35;
	v13 =	vsub.f32 v36, v37;
	v32 =	vld [tilespmem:s16+$0x8150]  }
0x254: {  	s20 =	sadd.s32 $0x1, s20;
	v12 =	vsub.f32 v38, v39;
	v21 =	vld [tilespmem:s16+$0x160];
	v18 =	vadd.f32 v40, v18  }
0x255: {  	v34 =	vld [tilespmem:s16+$0x8160]  }
0x256: {  	v14 =	vsub.f32 v14, v15;
	v47 =	vld [tilespmem:s16+$0x170]  }
0x257: {  	v46 =	vsub.f32 v16, v17;
	v48 =	vsub.f32 v19, v20;
	v50 =	vld [tilespmem:s16+$0x8170]  }
0x258: {  	v49 =	vsub.f32 v22, v27;
	v51 =	vsub.f32 v23, v28;
	v53 =	vld [tilespmem:s16+$0x530];
	v25 =	vmul.f32 v25, v25  }
0x259: {  	v52 =	vsub.f32 v29, v33;
	v54 =	vld [tilespmem:s16+$0x8530];
	v55 =	vmul.f32 v30, v30;
	v14 =	vmul.f32 v14, v14  }
0x25a: {  	v26 =	vsub.f32 v26, v31;
	v15 =	vmul.f32 v46, v46;
	v17 =	vmul.f32 v48, v48  }
0x25b: {  	v19 =	vmul.f32 v49, v49;
	v22 =	vmul.f32 v51, v51;
	v24 =	vsub.f32 v24, v32  }
0x25c: {  	v23 =	vmul.f32 v52, v52;
	v21 =	vsub.f32 v21, v34;
	v16 =	vsub.f32 v47, v50  }
0x25d: {  	v10 =	vsub.f32 v10, v11;
	v56 =	vmul.f32 v26, v26;
	v24 =	vmul.f32 v24, v24  }
0x25e: {  	v57 =	vsub.f32 v53, v54;
	v11 =	vmul.f32 v21, v21;
	v16 =	vmul.f32 v16, v16  }
0x25f: {  	v10 =	vmul.f32 v10, v10;
	v17 =	vadd.f32 v56, v17;
	v19 =	vadd.f32 v24, v19  }
0x260: {  	v58 =	vmul.f32 v57, v57;
	v11 =	vadd.f32 v11, v22;
	v16 =	vadd.f32 v16, v23  }
0x261: {  	v13 =	vmul.f32 v13, v13;
	v14 =	vadd.f32 v14, v17;
	v15 =	vadd.f32 v15, v19  }
0x262: {  	v12 =	vmul.f32 v12, v12;
	v10 =	vadd.f32 v10, v11;
	v11 =	vadd.f32 v58, v16  }
0x263: {  	v14 =	vadd.f32 v25, v14;
	v15 =	vadd.f32 v55, v15  }
0x264: {  	v10 =	vadd.f32 v13, v10;
	v11 =	vadd.f32 v12, v11;
	_ =	sdelay $0x1  }
0x265: {  	v59 =	vadd.f32 v15, v14;
	v10 =	vadd.f32 v11, v10;
	_ =	sdelay $0x1  }
0x266: {  	v10 =	vadd.f32 v10, v59;
	_ =	sdelay $0x1  }
0x267: {  	v11 =	vperm.xlane v10, v1;
	_ =	sdelay $0x1  }
0x268: {  	v10 =	vadd.f32 v10, v11;
	_ =	sdelay $0x1  }
0x269: {  	v11 =	vperm.xlane v10, v2;
	_ =	sdelay $0x1  }
0x26a: {  	v10 =	vadd.f32 v10, v11;
	_ =	sdelay $0x1  }
0x26b: {  	v11 =	vperm.xlane v10, v5;
	_ =	sdelay $0x1  }
0x26c: {  	v10 =	vadd.f32 v10, v11  }
0x26d: {  	v11 =	vperm.xlane v18, v7  }
0x26e: {  	v60 =	vperm.xlane v10, v7  }
0x26f: {  	v61 =	vmov s5;
	v11 =	vadd.f32 v18, v11  }
0x270: {  	v62 =	vmov s4;
	vm1 =	veq.s32 v61, v0;
	v10 =	vadd.f32 v10, v60  }
0x271: {  	v9 =	vsel vm1, v11, v9;
	vm1 =	veq.s32 v62, v0  }
0x272: {  	v9 =	vsel vm1, v10, v9  }
0x273: {  	v9 =	vadd.f32 $1.000000000e-30, v9;
	_ =	sdelay $0x1  }
0x274: {  	v10 =	vshrl.u32 v9, $0x1;
	v11 =	vmul.f32 $5.000000000e-01, v9  }
0x275: {  	v10 =	vsub.s32 $0x5F3759DF, v10  }
0x276: {  	v63 =	vmul.f32 v10, v11;
	_ =	sdelay $0x1  }
0x277: {  	v12 =	vmul.f32 v10, v63;
	_ =	sdelay $0x1  }
0x278: {  	v12 =	vsub.f32 $1.500000000e+00, v12;
	_ =	sdelay $0x1  }
0x279: {  	v10 =	vmul.f32 v10, v12;
	_ =	sdelay $0x1  }
0x27a: {  	v12 =	vmul.f32 v10, v11;
	_ =	sdelay $0x1  }
0x27b: {  	v12 =	vmul.f32 v12, v10;
	_ =	sdelay $0x1  }
0x27c: {  	v12 =	vsub.f32 $1.500000000e+00, v12;
	_ =	sdelay $0x1  }
0x27d: {  	v10 =	vmul.f32 v12, v10;
	_ =	sdelay $0x1  }
0x27e: {  	v11 =	vmul.f32 v10, v11;
	_ =	sdelay $0x1  }
0x27f: {  	v11 =	vmul.f32 v11, v10;
	_ =	sdelay $0x1  }
0x280: {  	s13 =	sadd.s32 $0x1, s13;
	v11 =	vsub.f32 $1.500000000e+00, v11  }
0x281: {  	p0 =	sne.s32 s13, $0x4  }
.Ltmp5:
0x282: {  	v10 =	vmul.f32 v11, v10;
	(pc) =	sbr.rel @p0 .LBB2_10-.Ltmp5, $3  }
0x283: {  	_ = 	snop  }
0x284: {  	v9 =	vmul.f32 v10, v9;
	_ =	sdelay $0x1  }
0x285: {  	v8 =	vadd.f32 v9, v8  }
0x286: {  	_ =	swait.ge [sflag:s1], $0x4000  }
0x287: {  	[sflag:s1] =	ssyncset.done $0x0  }
0x288: {  	[sflag:s1] =	ssyncadd.s32 $0xFFFFC000  }
0x289: {  	_ =	swait.ge [sflag:s10], $0x4000  }
0x28a: {  	[sflag:s10] =	ssyncset.done $0x0  }
0x28b: {  	s12 =	simm.s32 $0x0;
	s13 =	simm.s32 $0x0;
	[sflag:s10] =	ssyncadd.s32 $0xFFFFC000  }
.LBB2_14:
0x28c: {  	s14 =	sshll.u32 s13, $0xC;
	s4 =	sand.u32 $0x800, s12  }
0x28d: {  	s5 =	sand.u32 $0x380, s12;
	s4 =	sor.u32 s14, s4  }
0x28e: {  	s4 =	sor.u32 s5, s4  }
0x28f: {  	v9 =	vld [tilespmem:s4+$0x4540]  }
0x290: {  	v10 =	vld [tilespmem:s4+$0xC540]  }
0x291: {  	v11 =	vld [tilespmem:s4+$0x4550]  }
0x292: {  	v12 =	vld [tilespmem:s4+$0xC550]  }
0x293: {  	v13 =	vld [tilespmem:s4+$0x4560]  }
0x294: {  	v14 =	vld [tilespmem:s4+$0xC560]  }
0x295: {  	v15 =	vld [tilespmem:s4+$0x4570]  }
0x296: {  	v16 =	vld [tilespmem:s4+$0xC570]  }
0x297: {  	v17 =	vld [tilespmem:s4+$0x4500]  }
0x298: {  	v18 =	vld [tilespmem:s4+$0xC500]  }
0x299: {  	v19 =	vld [tilespmem:s4+$0x4510]  }
0x29a: {  	v20 =	vld [tilespmem:s4+$0xC510]  }
0x29b: {  	v21 =	vld [tilespmem:s4+$0x4520]  }
0x29c: {  	v22 =	vld [tilespmem:s4+$0xC520]  }
0x29d: {  	v23 =	vld [tilespmem:s4+$0x4100]  }
0x29e: {  	v24 =	vld [tilespmem:s4+$0xC100]  }
0x29f: {  	v25 =	vld [tilespmem:s4+$0x4110]  }
0x2a0: {  	v26 =	vld [tilespmem:s4+$0xC110]  }
0x2a1: {  	v27 =	vld [tilespmem:s4+$0x4120]  }
0x2a2: {  	v28 =	vld [tilespmem:s4+$0xC120]  }
0x2a3: {  	v29 =	vld [tilespmem:s4+$0x4130]  }
0x2a4: {  	v30 =	vld [tilespmem:s4+$0xC130]  }
0x2a5: {  	v31 =	vld [tilespmem:s4+$0x4140]  }
0x2a6: {  	v32 =	vld [tilespmem:s4+$0xC140]  }
0x2a7: {  	v33 =	vld [tilespmem:s4+$0x4150]  }
0x2a8: {  	v34 =	vld [tilespmem:s4+$0xC150]  }
0x2a9: {  	v9 =	vsub.f32 v9, v10;
	v10 =	vsub.f32 v11, v12;
	v11 =	vld [tilespmem:s4+$0x4160]  }
0x2aa: {  	v12 =	vsub.f32 v13, v14;
	v13 =	vsub.f32 v15, v16;
	v14 =	vld [tilespmem:s4+$0xC160]  }
0x2ab: {  	s15 =	simm.s32 $0x100;
	v15 =	vsub.f32 v17, v18;
	v16 =	vsub.f32 v19, v20;
	v17 =	vld [tilespmem:s4+$0x4170]  }
0x2ac: {  	s17 =	simm.s32 $0x80;
	s20 =	sand.u32 $0x800, s15;
	v18 =	vsub.f32 v23, v24;
	v19 =	vsub.f32 v25, v26;
	v20 =	vld [tilespmem:s4+$0xC170]  }
0x2ad: {  	s6 =	sand.u32 $0x380, s17;
	s5 =	sor.u32 s14, s20;
	v23 =	vsub.f32 v27, v28;
	v24 =	vsub.f32 v29, v30;
	v25 =	vld [tilespmem:s4+$0x4530]  }
0x2ae: {  	s16 =	sor.u32 s6, s5;
	v26 =	vsub.f32 v31, v32;
	v27 =	vld [tilespmem:s4+$0xC530];
	v9 =	vmul.f32 v9, v9;
	v10 =	vmul.f32 v10, v10  }
0x2af: {  	v62 =	vld [tilespmem:s16+$0xC540];
	v28 =	vsub.f32 v33, v34;
	v15 =	vmul.f32 v15, v15;
	v16 =	vmul.f32 v16, v16  }
0x2b0: {  	v63 =	vld [tilespmem:s16+$0x4550];
	v18 =	vmul.f32 v18, v18;
	v19 =	vmul.f32 v19, v19;
	v11 =	vsub.f32 v11, v14  }
0x2b1: {  	v35 =	vld [tilespmem:s16+$0xC550];
	v14 =	vmul.f32 v23, v23;
	v23 =	vmul.f32 v24, v24;
	v17 =	vsub.f32 v17, v20  }
0x2b2: {  	v36 =	vld [tilespmem:s16+$0x4560];
	v21 =	vsub.f32 v21, v22;
	v20 =	vmul.f32 v26, v26;
	v24 =	vmul.f32 v28, v28  }
0x2b3: {  	v37 =	vld [tilespmem:s16+$0xC560];
	v22 =	vsub.f32 v25, v27;
	v11 =	vmul.f32 v11, v11;
	v17 =	vmul.f32 v17, v17  }
0x2b4: {  	v38 =	vld [tilespmem:s16+$0x4570];
	v18 =	vadd.f32 v20, v18;
	v19 =	vadd.f32 v24, v19;
	v20 =	vmul.f32 v21, v21  }
0x2b5: {  	v39 =	vld [tilespmem:s16+$0xC570];
	v21 =	vmul.f32 v22, v22;
	v11 =	vadd.f32 v11, v14;
	v17 =	vadd.f32 v17, v23  }
0x2b6: {  	v30 =	vld [tilespmem:s16+$0x4540];
	v12 =	vmul.f32 v12, v12;
	v18 =	vadd.f32 v15, v18;
	v16 =	vadd.f32 v16, v19  }
0x2b7: {  	v29 =	vld [tilespmem:s16+$0x4130];
	v13 =	vmul.f32 v13, v13;
	v11 =	vadd.f32 v20, v11;
	v17 =	vadd.f32 v21, v17  }
0x2b8: {  	v33 =	vld [tilespmem:s16+$0xC130];
	v9 =	vadd.f32 v9, v18;
	v18 =	vadd.f32 v10, v16  }
0x2b9: {  	v31 =	vld [tilespmem:s16+$0xC140];
	v11 =	vadd.f32 v12, v11;
	v12 =	vadd.f32 v13, v17  }
0x2ba: {  	v32 =	vld [tilespmem:s16+$0xC150]  }
0x2bb: {  	v27 =	vld [tilespmem:s16+$0xC110];
	v9 =	vadd.f32 v18, v9;
	v12 =	vadd.f32 v12, v11  }
0x2bc: {  	v28 =	vld [tilespmem:s16+$0xC120]  }
0x2bd: {  	v26 =	vld [tilespmem:s16+$0x4140];
	v9 =	vadd.f32 v12, v9  }
0x2be: {  	v22 =	vld [tilespmem:s16+$0x4110]  }
0x2bf: {  	v24 =	vld [tilespmem:s16+$0x4150];
	v12 =	vperm.xlane v9, v1  }
0x2c0: {  	v14 =	vld [tilespmem:s16+$0x4500]  }
0x2c1: {  	v15 =	vld [tilespmem:s16+$0xC500];
	v9 =	vadd.f32 v9, v12  }
0x2c2: {  	v19 =	vld [tilespmem:s16+$0x4100]  }
0x2c3: {  	v23 =	vld [tilespmem:s16+$0x4120];
	v12 =	vperm.xlane v9, v2  }
0x2c4: {  	v16 =	vld [tilespmem:s16+$0x4510]  }
0x2c5: {  	v17 =	vld [tilespmem:s16+$0xC510];
	v18 =	vadd.f32 v9, v12  }
0x2c6: {  	v20 =	vld [tilespmem:s16+$0xC100]  }
0x2c7: {  	v25 =	vsub.f32 v30, v62;
	v10 =	vld [tilespmem:s16+$0x4520];
	v40 =	vperm.xlane v18, v5  }
0x2c8: {  	v30 =	vsub.f32 v63, v35;
	v21 =	vld [tilespmem:s16+$0x4160];
	v13 =	vsub.f32 v36, v37  }
0x2c9: {  	s20 =	simm.s32 $0x2;
	s5 =	simm.s32 $0x0;
	s4 =	simm.s32 $0x1;
	v11 =	vld [tilespmem:s16+$0xC520];
	v9 =	vimm.f32 $0.0e+00;
	v12 =	vsub.f32 v38, v39;
	v18 =	vadd.f32 v18, v40  }
.LBB2_15:
0x2ca: {  	p0 =	sne.s32 s20, $0xF;
	v34 =	vld [tilespmem:s16+$0xC160];
	v14 =	vsub.f32 v14, v15;
	v15 =	vsub.f32 v16, v17  }
0x2cb: {  	v16 =	vsub.f32 v19, v20;
	v17 =	vsub.f32 v22, v27;
	s15 =	sadd.s32 $0x100, s15;
	v19 =	vld [tilespmem:s16+$0x4170];
	v20 =	vperm.xlane v18, v7  }
0x2cc: {  	v22 =	vsub.f32 v23, v28;
	v23 =	vsub.f32 v29, v33;
	s17 =	sadd.s32 $0x80, s17;
	v28 =	vmov s5;
	s5 =	smov.u32 s4;
	s6 =	sand.u32 $0x800, s15;
	v27 =	vld [tilespmem:s16+$0xC170]  }
0x2cd: {  	s4 =	smov.u32 s20;
	s7 =	sand.u32 $0x380, s17;
	v26 =	vsub.f32 v26, v31;
	vm1 =	veq.s32 v28, v0;
	s6 =	sor.u32 s14, s6;
	v29 =	vld [tilespmem:s16+$0x4530];
	v18 =	vadd.f32 v18, v20  }
0x2ce: {  	v25 =	vmul.f32 v25, v25;
	v28 =	vmul.f32 v30, v30;
	v20 =	vsub.f32 v24, v32;
	v24 =	vld [tilespmem:s16+$0xC530];
	s16 =	sor.u32 s7, s6  }
0x2cf: {  	v14 =	vmul.f32 v14, v14;
	v15 =	vmul.f32 v15, v15;
	v30 =	vld [tilespmem:s16+$0x4540];
	v9 =	vsel vm1, v18, v9  }
0x2d0: {  	v16 =	vmul.f32 v16, v16;
	v17 =	vmul.f32 v17, v17;
	v21 =	vsub.f32 v21, v34;
	v18 =	vld [tilespmem:s16+$0xC540]  }
0x2d1: {  	v22 =	vmul.f32 v22, v22;
	v23 =	vmul.f32 v23, v23;
	v34 =	vld [tilespmem:s16+$0x4550];
	v19 =	vsub.f32 v19, v27  }
0x2d2: {  	v10 =	vsub.f32 v10, v11;
	v26 =	vmul.f32 v26, v26;
	v20 =	vmul.f32 v20, v20;
	v35 =	vld [tilespmem:s16+$0xC550]  }
0x2d3: {  	v11 =	vmul.f32 v21, v21;
	v36 =	vld [tilespmem:s16+$0x4560];
	v19 =	vmul.f32 v19, v19;
	v21 =	vsub.f32 v29, v24  }
0x2d4: {  	v10 =	vmul.f32 v10, v10;
	v16 =	vadd.f32 v26, v16;
	v17 =	vadd.f32 v20, v17;
	v37 =	vld [tilespmem:s16+$0xC560]  }
0x2d5: {  	v11 =	vadd.f32 v11, v22;
	v38 =	vld [tilespmem:s16+$0x4570];
	v19 =	vadd.f32 v19, v23;
	v20 =	vmul.f32 v21, v21  }
0x2d6: {  	v13 =	vmul.f32 v13, v13;
	v16 =	vadd.f32 v14, v16;
	v17 =	vadd.f32 v15, v17;
	v39 =	vld [tilespmem:s16+$0xC570]  }
0x2d7: {  	v12 =	vmul.f32 v12, v12;
	v10 =	vadd.f32 v10, v11;
	v14 =	vld [tilespmem:s16+$0x4500];
	v11 =	vadd.f32 v20, v19  }
0x2d8: {  	v19 =	vadd.f32 v25, v16;
	v20 =	vadd.f32 v28, v17;
	v15 =	vld [tilespmem:s16+$0xC500]  }
0x2d9: {  	v13 =	vadd.f32 v13, v10;
	v16 =	vld [tilespmem:s16+$0x4510];
	v11 =	vadd.f32 v12, v11  }
0x2da: {  	v17 =	vld [tilespmem:s16+$0xC510]  }
0x2db: {  	v12 =	vadd.f32 v20, v19;
	v10 =	vld [tilespmem:s16+$0x4520];
	v13 =	vadd.f32 v11, v13  }
0x2dc: {  	v11 =	vld [tilespmem:s16+$0xC520]  }
0x2dd: {  	v19 =	vld [tilespmem:s16+$0x4100];
	v12 =	vadd.f32 v13, v12  }
0x2de: {  	v20 =	vld [tilespmem:s16+$0xC100]  }
0x2df: {  	v22 =	vld [tilespmem:s16+$0x4110];
	v13 =	vperm.xlane v12, v1  }
0x2e0: {  	v27 =	vld [tilespmem:s16+$0xC110]  }
0x2e1: {  	v23 =	vld [tilespmem:s16+$0x4120];
	v12 =	vadd.f32 v12, v13  }
0x2e2: {  	v28 =	vld [tilespmem:s16+$0xC120]  }
0x2e3: {  	v29 =	vld [tilespmem:s16+$0x4130];
	v13 =	vperm.xlane v12, v2  }
0x2e4: {  	v33 =	vld [tilespmem:s16+$0xC130]  }
.Ltmp6:
0x2e5: {  	v26 =	vld [tilespmem:s16+$0x4140];
	v40 =	vadd.f32 v12, v13;
	(pc) =	sbr.rel @p0 .LBB2_15-.Ltmp6, $4  }
0x2e6: {  	v31 =	vld [tilespmem:s16+$0xC140]  }
0x2e7: {  	v25 =	vsub.f32 v30, v18;
	v24 =	vld [tilespmem:s16+$0x4150];
	v18 =	vperm.xlane v40, v5  }
0x2e8: {  	v30 =	vsub.f32 v34, v35;
	v13 =	vsub.f32 v36, v37;
	v32 =	vld [tilespmem:s16+$0xC150]  }
0x2e9: {  	s20 =	sadd.s32 $0x1, s20;
	v12 =	vsub.f32 v38, v39;
	v21 =	vld [tilespmem:s16+$0x4160];
	v18 =	vadd.f32 v40, v18  }
0x2ea: {  	v34 =	vld [tilespmem:s16+$0xC160]  }
0x2eb: {  	v14 =	vsub.f32 v14, v15;
	v47 =	vld [tilespmem:s16+$0x4170]  }
0x2ec: {  	v46 =	vsub.f32 v16, v17;
	v48 =	vsub.f32 v19, v20;
	v50 =	vld [tilespmem:s16+$0xC170]  }
0x2ed: {  	v49 =	vsub.f32 v22, v27;
	v51 =	vsub.f32 v23, v28;
	v53 =	vld [tilespmem:s16+$0x4530];
	v25 =	vmul.f32 v25, v25  }
0x2ee: {  	v52 =	vsub.f32 v29, v33;
	v54 =	vld [tilespmem:s16+$0xC530];
	v55 =	vmul.f32 v30, v30;
	v14 =	vmul.f32 v14, v14  }
0x2ef: {  	v26 =	vsub.f32 v26, v31;
	v15 =	vmul.f32 v46, v46;
	v17 =	vmul.f32 v48, v48  }
0x2f0: {  	v19 =	vmul.f32 v49, v49;
	v22 =	vmul.f32 v51, v51;
	v24 =	vsub.f32 v24, v32  }
0x2f1: {  	v23 =	vmul.f32 v52, v52;
	v21 =	vsub.f32 v21, v34;
	v16 =	vsub.f32 v47, v50  }
0x2f2: {  	v10 =	vsub.f32 v10, v11;
	v56 =	vmul.f32 v26, v26;
	v24 =	vmul.f32 v24, v24  }
0x2f3: {  	v57 =	vsub.f32 v53, v54;
	v11 =	vmul.f32 v21, v21;
	v16 =	vmul.f32 v16, v16  }
0x2f4: {  	v10 =	vmul.f32 v10, v10;
	v17 =	vadd.f32 v56, v17;
	v19 =	vadd.f32 v24, v19  }
0x2f5: {  	v58 =	vmul.f32 v57, v57;
	v11 =	vadd.f32 v11, v22;
	v16 =	vadd.f32 v16, v23  }
0x2f6: {  	v13 =	vmul.f32 v13, v13;
	v14 =	vadd.f32 v14, v17;
	v15 =	vadd.f32 v15, v19  }
0x2f7: {  	v12 =	vmul.f32 v12, v12;
	v10 =	vadd.f32 v10, v11;
	v11 =	vadd.f32 v58, v16  }
0x2f8: {  	v14 =	vadd.f32 v25, v14;
	v15 =	vadd.f32 v55, v15  }
0x2f9: {  	v10 =	vadd.f32 v13, v10;
	v11 =	vadd.f32 v12, v11;
	_ =	sdelay $0x1  }
0x2fa: {  	v59 =	vadd.f32 v15, v14;
	v10 =	vadd.f32 v11, v10;
	_ =	sdelay $0x1  }
0x2fb: {  	v10 =	vadd.f32 v10, v59;
	_ =	sdelay $0x1  }
0x2fc: {  	v11 =	vperm.xlane v10, v1;
	_ =	sdelay $0x1  }
0x2fd: {  	v10 =	vadd.f32 v10, v11;
	_ =	sdelay $0x1  }
0x2fe: {  	v11 =	vperm.xlane v10, v2;
	_ =	sdelay $0x1  }
0x2ff: {  	v10 =	vadd.f32 v10, v11;
	_ =	sdelay $0x1  }
0x300: {  	v11 =	vperm.xlane v10, v5;
	_ =	sdelay $0x1  }
0x301: {  	v10 =	vadd.f32 v10, v11  }
0x302: {  	v11 =	vperm.xlane v18, v7  }
0x303: {  	v60 =	vperm.xlane v10, v7  }
0x304: {  	v61 =	vmov s5;
	v11 =	vadd.f32 v18, v11  }
0x305: {  	v62 =	vmov s4;
	vm1 =	veq.s32 v61, v0;
	v10 =	vadd.f32 v10, v60  }
0x306: {  	v9 =	vsel vm1, v11, v9;
	vm1 =	veq.s32 v62, v0  }
0x307: {  	v9 =	vsel vm1, v10, v9  }
0x308: {  	v9 =	vadd.f32 $1.000000000e-30, v9;
	_ =	sdelay $0x1  }
0x309: {  	v10 =	vshrl.u32 v9, $0x1;
	v11 =	vmul.f32 $5.000000000e-01, v9  }
0x30a: {  	v10 =	vsub.s32 $0x5F3759DF, v10  }
0x30b: {  	v63 =	vmul.f32 v10, v11;
	_ =	sdelay $0x1  }
0x30c: {  	v12 =	vmul.f32 v10, v63;
	_ =	sdelay $0x1  }
0x30d: {  	v12 =	vsub.f32 $1.500000000e+00, v12;
	_ =	sdelay $0x1  }
0x30e: {  	v10 =	vmul.f32 v10, v12;
	_ =	sdelay $0x1  }
0x30f: {  	v12 =	vmul.f32 v10, v11;
	_ =	sdelay $0x1  }
0x310: {  	v12 =	vmul.f32 v12, v10;
	_ =	sdelay $0x1  }
0x311: {  	v12 =	vsub.f32 $1.500000000e+00, v12;
	_ =	sdelay $0x1  }
0x312: {  	v10 =	vmul.f32 v12, v10;
	_ =	sdelay $0x1  }
0x313: {  	v11 =	vmul.f32 v10, v11;
	_ =	sdelay $0x1  }
0x314: {  	v11 =	vmul.f32 v11, v10;
	_ =	sdelay $0x1  }
0x315: {  	s13 =	sadd.s32 $0x1, s13;
	v11 =	vsub.f32 $1.500000000e+00, v11  }
0x316: {  	p0 =	sne.s32 s13, $0x4  }
.Ltmp7:
0x317: {  	v10 =	vmul.f32 v11, v10;
	(pc) =	sbr.rel @p0 .LBB2_14-.Ltmp7, $3  }
0x318: {  	_ = 	snop  }
0x319: {  	v9 =	vmul.f32 v10, v9;
	_ =	sdelay $0x1  }
0x31a: {  	v8 =	vadd.f32 v9, v8  }
0x31b: {  	s11 =	sadd.s32 $0x1, s11  }
0x31c: {  	p0 =	sne.s32 s11, s18  }
.Ltmp8:
0x31d: {  	s4 =	simm.s32 $0x10100;
	[tilespmem:$0x10100] =	vst v8;
	(pc) =	sbr.rel @p0 .LBB2_1-.Ltmp8, $4  }
0x31e: {  	[hbm4b:s9+s3] =	stream.linear.scatter [tilespmem:s4], [sflag:$0x5], $0x10, $0x38;
	[tilespmem:$0x10180] =	vst v63  }
0x31f: {  	_ =	swait.ge [sflag:s19], $0x10  }
0x320: {  	[sflag:s19] =	ssyncset.done $0x0  }
0x321: {  	s7 =	simm.s32 $0x8100;
	[sflag:s19] =	ssyncadd.s32 $0xFFFFFFF0  }
0x322: {  	_ =	sfence.sel $0x180000  }
0x323: {  	[bflag:$0x0] =	sbarrier.arrive $0xFFFF  }
0x324: {  	_ =	strace $0x90000047  }
0x325: {  	s0 =	stileid.u32;
	[bflag:$0x2] =	sbarrier.arrive $0xFFFF  }
0x326: {  	p0 =	sne.s32 s0, $0x0;
	s0 =	rddreg [dreg:$0x4]  }
0x327: {  	s0 =	sadd.s32 @!p0 $0x100000, s0  }
0x328: {  	[sflag:s0] =	ssyncadd.tile.s32 @!p0 $0x1;
	_ =	shalt  }
.Lfunc_end2:
_tile_overlayer_lowered:
.L_overlay_start_2:
0x329: {  	(tag) =	ssettag $0x2  }
0x32a: {  	s0 =	rddreg [dreg:$0x0];
	s2 =	stileid.u32  }
0x32b: {  	s1 =	rddreg [dreg:$0x1];
	p0 =	sne.s32 s2, $0x0  }
0x32c: {  	s3 =	rddreg [dreg:$0x2];
	[bflag:$0x3] =	sbarrier.arrive $0xFFFF;
	s2 =	simm.s32 @!p0 $0x1C05  }
0x32d: {  	[timem:s3], [sflag:s2] =	dma.local @!p0 [hbm:s0], s1  }
0x32e: {  	s0 =	simm.s32 @!p0 $0x5  }
0x32f: {  	_ =	swait.ge @!p0 [sflag:s0], s1  }
0x330: {  	s1 =	ssub.s32 @!p0 $0x0, s1;
	[sflag:s0] =	ssyncset.done @!p0 $0x0  }
0x331: {  	[sflag:s0] =	ssyncadd.s32 @!p0 s1  }
0x332: {  	[bflag:$0x3] =	sbarrier.arrive $0xFFFF  }
0x333: {  	_ =	shalt  }

</sc_bundles>
